<compile_context>
chip_gen: v7x
topology: tpu7x:2x2x1
jax: 0.10.2.dev20260603
libtpu: 0.0.44.dev20260713+nightly
codegen_flags: <defaults>
</compile_context>

<pallas_src>
import functools

import jax
import jax.numpy as jnp
from jax import lax
from jax.experimental import pallas as pl
from jax.experimental.pallas import tpu as pltpu
from jax.experimental.pallas import tpu_sc as plsc

N_NODES = 10000
IN_CH = 128
OUT_CH = 64
HID = 2 * OUT_CH
N_EDGES = 320000

NC = 2
NS = 16
NW = NC * NS
L = 16
CH = 128
ROWS_PW = 80
EPW = ROWS_PW * CH
EPAD = NW * EPW
SB = 16
NPAD = 10240
SEG = NPAD // NS


@functools.partial(
    pl.kernel,
    out_type=(
        jax.ShapeDtypeStruct((NW, ROWS_PW, CH), jnp.float32),
        jax.ShapeDtypeStruct((NW, NPAD), jnp.float32),
    ),
    mesh=plsc.VectorSubcoreMesh(core_axis_name="c", subcore_axis_name="s"),
    compiler_params=pltpu.CompilerParams(needs_layout_passes=False),
    scratch_types=[
        pltpu.VMEM((NPAD,), jnp.float32),
        pltpu.VMEM((NPAD,), jnp.float32),
        pltpu.VMEM((ROWS_PW, CH), jnp.float32),
        pltpu.VMEM((NPAD,), jnp.float32),
        pltpu.VMEM((ROWS_PW, CH), jnp.int32),
        pltpu.VMEM((ROWS_PW, CH), jnp.int32),
    ],
)
def _sc_edge_weights(src_hbm, dst_hbm, a8_hbm, ex_hbm, denp_hbm,
                     asrc, adst, exbuf, denl, sidx, didx):
  c = lax.axis_index("c")
  s = lax.axis_index("s")
  w = c * NS + s
  zv = jnp.zeros((L,), jnp.float32)

  def zden(i, _):
    denl[pl.ds(i * L, L)] = zv
    return 0
  lax.fori_loop(0, NPAD // L, zden, 0)

  pltpu.sync_copy(a8_hbm.at[0], asrc)
  pltpu.sync_copy(a8_hbm.at[1], adst)
  pltpu.sync_copy(src_hbm.at[w], sidx)
  pltpu.sync_copy(dst_hbm.at[w], didx)

  def p1(g, _):
    for j in range(CH // L):
      si = sidx[g, pl.ds(j * L, L)]
      di = didx[g, pl.ds(j * L, L)]
      e = plsc.load_gather(asrc, [si]) + plsc.load_gather(adst, [di])
      e = jnp.where(e >= 0.0, e, 0.2 * e)
      ex = jnp.exp(e)
      exbuf[g, pl.ds(j * L, L)] = ex
      plsc.addupdate_scatter(denl, [di], ex)
    return 0
  lax.fori_loop(0, ROWS_PW, p1, 0)

  pltpu.sync_copy(exbuf, ex_hbm.at[w])
  pltpu.sync_copy(denl, denp_hbm.at[w])


def _sc_gat_aggregate(F):

  @functools.partial(
      pl.kernel,
      out_type=jax.ShapeDtypeStruct((NC, NPAD, F), jnp.float32),
      mesh=plsc.VectorSubcoreMesh(core_axis_name="c", subcore_axis_name="s"),
      compiler_params=pltpu.CompilerParams(needs_layout_passes=False),
      scratch_types=[
          pltpu.VMEM((SB, CH), jnp.int32),
          pltpu.VMEM((SB, CH), jnp.int32),
          pltpu.VMEM((SB, CH), jnp.float32),
          pltpu.VMEM((CH, F), jnp.float32),
          pltpu.VMEM_SHARED((NPAD, F), jnp.float32),
          pltpu.SemaphoreType.DMA,
      ],
  )
  def agg_kernel(src_hbm, dst_hbm, ex_hbm, h_hbm, outp_hbm,
                 sidxb, didxb, exb, rows, sout, sem):
    c = lax.axis_index("c")
    s = lax.axis_index("s")
    w = c * NS + s
    zv = jnp.zeros((L,), jnp.float32)

    def zrow(r, _):
      for q in range(F // L):
        rows[r, pl.ds(q * L, L)] = zv
      return 0
    lax.fori_loop(0, CH, zrow, 0)

    def zout(k, _):
      pltpu.sync_copy(rows, sout.at[pl.ds(s * SEG + k * CH, CH), :])
      return 0
    lax.fori_loop(0, SEG // CH, zout, 0)

    plsc.subcore_barrier()

    def outer(sb, _):
      pltpu.sync_copy(src_hbm.at[w, pl.ds(sb * SB, SB)], sidxb)
      pltpu.sync_copy(dst_hbm.at[w, pl.ds(sb * SB, SB)], didxb)
      pltpu.sync_copy(ex_hbm.at[w, pl.ds(sb * SB, SB)], exb)

      def inner(g, _):
        pltpu.async_copy(h_hbm.at[sidxb.at[g]], rows, sem).wait()

        def scale(r, _):
          av = plsc.load_gather(
              exb, [jnp.full((L,), g, jnp.int32),
                    jnp.full((L,), r, jnp.int32)])
          for q in range(F // L):
            rows[r, pl.ds(q * L, L)] = rows[r, pl.ds(q * L, L)] * av
          return 0
        lax.fori_loop(0, CH, scale, 0)

        pltpu.sync_copy(rows, sout.at[didxb.at[g]], add=True)
        return 0
      lax.fori_loop(0, SB, inner, 0)
      return 0
    lax.fori_loop(0, ROWS_PW // SB, outer, 0)

    plsc.subcore_barrier()

    pltpu.sync_copy(sout.at[pl.ds(s * SEG, SEG), :],
                    outp_hbm.at[c, pl.ds(s * SEG, SEG), :])

  return agg_kernel


_sc_agg = _sc_gat_aggregate(HID)

_NB = 2048


def _embed_body(x_ref, w_ref, att_ref, h_ref, a_ref):
  h = jnp.dot(x_ref[...], w_ref[...], preferred_element_type=jnp.float32)
  h_ref[...] = h
  a_ref[...] = lax.dot_general(att_ref[...], h, (((1,), (1,)), ((), ())),
                               preferred_element_type=jnp.float32)


def _embed(x, W, att8):
  fin = x.shape[1]
  F = W.shape[1]
  return pl.pallas_call(
      _embed_body,
      grid=(NPAD // _NB,),
      in_specs=[
          pl.BlockSpec((_NB, fin), lambda i: (i, 0)),
          pl.BlockSpec((fin, F), lambda i: (0, 0)),
          pl.BlockSpec((8, F), lambda i: (0, 0)),
      ],
      out_specs=[
          pl.BlockSpec((_NB, F), lambda i: (i, 0)),
          pl.BlockSpec((8, _NB), lambda i: (0, i)),
      ],
      out_shape=[
          jax.ShapeDtypeStruct((NPAD, F), jnp.float32),
          jax.ShapeDtypeStruct((8, NPAD), jnp.float32),
      ],
  )(x, W, att8)


def _mid_body(p0_ref, p1_ref, dn_ref, b_ref, w_ref, att_ref, h_ref, a_ref):
  d = jnp.sum(dn_ref[...], axis=0)
  z = p0_ref[...] + p1_ref[...]
  z = z / (d[:, None] + 1e-16) + b_ref[0:1, :]
  z = jnp.maximum(z, 0.0)
  h = jnp.dot(z, w_ref[...], preferred_element_type=jnp.float32)
  h_ref[...] = h
  a_ref[...] = lax.dot_general(att_ref[...], h, (((1,), (1,)), ((), ())),
                               preferred_element_type=jnp.float32)


def _mid(p0, p1, denp, b8, W, att8):
  F = W.shape[1]
  return pl.pallas_call(
      _mid_body,
      grid=(NPAD // _NB,),
      in_specs=[
          pl.BlockSpec((_NB, HID), lambda i: (i, 0)),
          pl.BlockSpec((_NB, HID), lambda i: (i, 0)),
          pl.BlockSpec((NW, _NB), lambda i: (0, i)),
          pl.BlockSpec((8, HID), lambda i: (0, 0)),
          pl.BlockSpec((HID, F), lambda i: (0, 0)),
          pl.BlockSpec((8, F), lambda i: (0, 0)),
      ],
      out_specs=[
          pl.BlockSpec((_NB, F), lambda i: (i, 0)),
          pl.BlockSpec((8, _NB), lambda i: (0, i)),
      ],
      out_shape=[
          jax.ShapeDtypeStruct((NPAD, F), jnp.float32),
          jax.ShapeDtypeStruct((8, NPAD), jnp.float32),
      ],
  )(p0, p1, denp, b8, W, att8)


def _fin_body(p0_ref, p1_ref, dn_ref, b_ref, o_ref):
  d = jnp.sum(dn_ref[...], axis=0)
  z = p0_ref[...] + p1_ref[...]
  o_ref[...] = z / (d[:, None] + 1e-16) + b_ref[0:1, :]


def _fin(p0, p1, denp, b8):
  F = p0.shape[1]
  return pl.pallas_call(
      _fin_body,
      grid=(NPAD // _NB,),
      in_specs=[
          pl.BlockSpec((_NB, F), lambda i: (i, 0)),
          pl.BlockSpec((_NB, F), lambda i: (i, 0)),
          pl.BlockSpec((NW, _NB), lambda i: (0, i)),
          pl.BlockSpec((8, F), lambda i: (0, 0)),
      ],
      out_specs=pl.BlockSpec((_NB, F), lambda i: (i, 0)),
      out_shape=jax.ShapeDtypeStruct((NPAD, F), jnp.float32),
  )(p0, p1, denp, b8)


def kernel(x, edge_index, W1, att_src1, att_dst1, b1,
           W2, att_src2, att_dst2, b2):
  pad = jnp.full((EPAD - N_EDGES,), NPAD - 1, jnp.int32)
  src2d = jnp.concatenate(
      [edge_index[0].astype(jnp.int32), pad]).reshape(NW, ROWS_PW, CH)
  dst2d = jnp.concatenate(
      [edge_index[1].astype(jnp.int32), pad]).reshape(NW, ROWS_PW, CH)

  att8_1 = jnp.concatenate(
      [att_src1[None], att_dst1[None], jnp.zeros((6, HID), jnp.float32)])
  att8_2 = jnp.concatenate(
      [jnp.pad(att_src2[None], ((0, 0), (0, HID - OUT_CH))),
       jnp.pad(att_dst2[None], ((0, 0), (0, HID - OUT_CH))),
       jnp.zeros((6, HID), jnp.float32)])
  b8_1 = jnp.broadcast_to(b1[None], (8, HID))
  b8_2 = jnp.broadcast_to(jnp.pad(b2, (0, HID - OUT_CH))[None], (8, HID))
  W2p = jnp.pad(W2, ((0, 0), (0, HID - OUT_CH)))

  xp = jnp.pad(x, ((0, NPAD - N_NODES), (0, 0)))
  h1, a1 = _embed(xp, W1, att8_1)
  ex1, denp1 = _sc_edge_weights(src2d, dst2d, a1)
  outp1 = _sc_agg(src2d, dst2d, ex1, h1)
  h2, a2 = _mid(outp1[0], outp1[1], denp1, b8_1, W2p, att8_2)
  ex2, denp2 = _sc_edge_weights(src2d, dst2d, a2)
  outp2 = _sc_agg(src2d, dst2d, ex2, h2)
  out = _fin(outp2[0], outp2[1], denp2, b8_2)
  return out[:N_NODES, :OUT_CH]

# --- scband reference (transcript-rebuilt; emitter-appended) ---
"""Pipeline reference for scband-gcnencoder-21543555956944 (READ-ONLY COPY).

The authoritative reference and input builder live on the scoring server;
editing this copy changes nothing except your own understanding.
"""

import jax, jax.numpy as jnp
import numpy as np

N_NODES = 10000
IN_CH = 128
OUT_CH = 64
HID = 2 * OUT_CH  # 128
N_EDGES = 320000


def gat_conv(x, edge_index, W, att_src, att_dst, b, num_nodes):
    # PyG GATConv with heads=1, concat=True, add_self_loops=False, negative_slope=0.2
    src = edge_index[0]
    dst = edge_index[1]
    h = x @ W                      # [N, F_out]
    a_src = (h * att_src).sum(-1)  # [N]
    a_dst = (h * att_dst).sum(-1)  # [N]
    e = a_src[src] + a_dst[dst]    # [E]
    e = jax.nn.leaky_relu(e, 0.2)
    # segment softmax over incoming edges of each dst node
    e_max = jax.ops.segment_max(e, dst, num_segments=num_nodes)
    e_max = jnp.where(jnp.isfinite(e_max), e_max, 0.0)
    e_max = jax.lax.stop_gradient(e_max)
    ex = jnp.exp(e - e_max[dst])
    denom = jax.ops.segment_sum(ex, dst, num_segments=num_nodes)
    alpha = ex / (denom[dst] + 1e-16)  # [E]
    msg = h[src] * alpha[:, None]      # gather + weight
    out = jax.ops.segment_sum(msg, dst, num_segments=num_nodes)
    return out + b


def setup_inputs(seed: int = 0) -> dict:
    key = jax.random.key(seed)
    ks = jax.random.split(key, 10)
    x = jax.random.normal(ks[0], (N_NODES, IN_CH), dtype=jnp.float32)
    edge_index = jax.random.randint(ks[1], (2, N_EDGES), 0, N_NODES, dtype=jnp.int64)
    s1 = 1.0 / np.sqrt(IN_CH)
    s2 = 1.0 / np.sqrt(HID)
    W1 = jax.random.normal(ks[2], (IN_CH, HID), dtype=jnp.float32) * s1
    att_src1 = jax.random.normal(ks[3], (HID,), dtype=jnp.float32) * s2
    att_dst1 = jax.random.normal(ks[4], (HID,), dtype=jnp.float32) * s2
    b1 = jnp.zeros((HID,), dtype=jnp.float32)
    W2 = jax.random.normal(ks[5], (HID, OUT_CH), dtype=jnp.float32) * s2
    att_src2 = jax.random.normal(ks[6], (OUT_CH,), dtype=jnp.float32) / np.sqrt(OUT_CH)
    att_dst2 = jax.random.normal(ks[7], (OUT_CH,), dtype=jnp.float32) / np.sqrt(OUT_CH)
    b2 = jnp.zeros((OUT_CH,), dtype=jnp.float32)
    return {"x": x, "edge_index": edge_index, "W1": W1, "att_src1": att_src1,
            "att_dst1": att_dst1, "b1": b1, "W2": W2, "att_src2": att_src2,
            "att_dst2": att_dst2, "b2": b2}


def reference(x, edge_index, W1, att_src1, att_dst1, b1, W2, att_src2, att_dst2, b2):
    h = gat_conv(x, edge_index, W1, att_src1, att_dst1, b1, N_NODES)
    h = jax.nn.relu(h)
    out = gat_conv(h, edge_index, W2, att_src2, att_dst2, b2, N_NODES)
    return out

if __name__ == "__main__":
    import jax
    _d = setup_inputs()
    print(jax.jit(kernel)(*tuple(_d.values())))

</pallas_src>

<mosaic_0001>
#map = affine_map<(d0, d1) -> (0, 0, 0)>
#map1 = affine_map<(d0, d1) -> (0, 0)>
module attributes {stable_mosaic.version = 14 : i64} {
  func.func @_sc_edge_weights(%arg0: i32, %arg1: i32, %arg2: memref<32x80x128xi32, #tpu.memory_space<hbm>>, %arg3: memref<32x80x128xi32, #tpu.memory_space<hbm>>, %arg4: memref<8x10240xf32, #tpu.memory_space<hbm>>, %arg5: memref<32x80x128xf32, #tpu.memory_space<hbm>>, %arg6: memref<32x10240xf32, #tpu.memory_space<hbm>>, %arg7: memref<10240xf32, #tpu.memory_space<vmem>>, %arg8: memref<10240xf32, #tpu.memory_space<vmem>>, %arg9: memref<80x128xf32, #tpu.memory_space<vmem>>, %arg10: memref<10240xf32, #tpu.memory_space<vmem>>, %arg11: memref<80x128xi32, #tpu.memory_space<vmem>>, %arg12: memref<80x128xi32, #tpu.memory_space<vmem>>) attributes {dimension_semantics = [#tpu.dimension_semantics<core_parallel>, #tpu.dimension_semantics<subcore_parallel>], iteration_bounds = array<i64: 2, 16>, scalar_prefetch = 0 : i64, scratch_operands = 6 : i64, tpu.core_type = #tpu.core_type<sc_vector_subcore>, window_params = [{transform_indices = #map}, {transform_indices = #map}, {transform_indices = #map1}, {transform_indices = #map}, {transform_indices = #map1}]} {
    %mul3A = arith.constant 16 : i32
    %mul3A_0 = arith.muli %arg0, %mul3A : i32
    %add3A = arith.addi %mul3A_0, %arg1 : i32
    %broadcast_in_dim3A = arith.constant 0.000000e+00 : f32
    %broadcast_in_dim3A_1 = vector.broadcast %broadcast_in_dim3A : f32 to vector<16xf32>
    %scan3A = arith.constant 0 : i32
    %scan3A_2 = arith.constant 0 : i32
    %scan3A_3 = arith.constant 640 : i32
    %scan3A_4 = arith.addi %scan3A_2, %scan3A_3 : i32
    %scan3A_5 = arith.constant 1 : i32
    %scan3A_6 = scf.for %scan3A_16 = %scan3A_2 to %scan3A_4 step %scan3A_5 iter_args(%scan3A_17 = %scan3A) -> (i32)  : i32 {
      %mul3A_18 = arith.constant 16 : i32
      %mul3A_19 = arith.muli %scan3A_16, %mul3A_18 : i32
      %swap3A = arith.index_cast %mul3A_19 : i32 to index
      %swap3A_20 = tpu.vector_load %arg10[%swap3A] {strides = array<i32>} : memref<10240xf32, #tpu.memory_space<vmem>>, vector<16xf32>,
      tpu.vector_store %arg10[%swap3A], %broadcast_in_dim3A_1 {strides = array<i32>} : memref<10240xf32, #tpu.memory_space<vmem>>, vector<16xf32>,
      %scan3A_21 = arith.constant 0 : i32
      scf.yield %scan3A_21 : i32
    }
    %scan3A_7 = arith.constant 640 : i32
    %run_scoped3A = arith.constant 0 : i32
    "tpu.region"() ({
      %run_scoped3A_16 = tpu.sem_alloc : memref<!tpu.dma_semaphore, #tpu.memory_space<semaphore_mem>>
      %dma_start3A = arith.constant 0 : i32
      %dma_start3A_17 = tpu.memref_slice %arg4[%run_scoped3A, %dma_start3A] : memref<8x10240xf32, #tpu.memory_space<hbm>> -> memref<1x10240xf32, #tpu.memory_space<hbm>>
      %dma_start3A_18 = tpu.memref_squeeze %dma_start3A_17 : memref<1x10240xf32, #tpu.memory_space<hbm>> -> memref<10240xf32, #tpu.memory_space<hbm>>
      %dma_start3A_19 = arith.constant 0 : i32
      %dma_start3A_20 = tpu.memref_slice %arg4[%run_scoped3A, %dma_start3A_19] : memref<8x10240xf32, #tpu.memory_space<hbm>> -> memref<1x10240xf32, #tpu.memory_space<hbm>>
      %dma_start3A_21 = tpu.memref_squeeze %dma_start3A_20 : memref<1x10240xf32, #tpu.memory_space<hbm>> -> memref<10240xf32, #tpu.memory_space<hbm>>
      tpu.enqueue_dma source(%dma_start3A_21 : memref<10240xf32, #tpu.memory_space<hbm>>) target(%arg7 : memref<10240xf32, #tpu.memory_space<vmem>>) target_semaphore(%run_scoped3A_16 : memref<!tpu.dma_semaphore, #tpu.memory_space<semaphore_mem>>)
      %dma_wait3A = arith.constant 0 : i32
      %dma_wait3A_22 = tpu.memref_slice %arg4[%run_scoped3A, %dma_wait3A] : memref<8x10240xf32, #tpu.memory_space<hbm>> -> memref<1x10240xf32, #tpu.memory_space<hbm>>
      %dma_wait3A_23 = tpu.memref_squeeze %dma_wait3A_22 : memref<1x10240xf32, #tpu.memory_space<hbm>> -> memref<10240xf32, #tpu.memory_space<hbm>>
      %dma_wait3A_24 = arith.constant 0 : i32
      %dma_wait3A_25 = tpu.memref_slice %arg4[%run_scoped3A, %dma_wait3A_24] : memref<8x10240xf32, #tpu.memory_space<hbm>> -> memref<1x10240xf32, #tpu.memory_space<hbm>>
      %dma_wait3A_26 = tpu.memref_squeeze %dma_wait3A_25 : memref<1x10240xf32, #tpu.memory_space<hbm>> -> memref<10240xf32, #tpu.memory_space<hbm>>
      tpu.wait_dma2 semaphore(%run_scoped3A_16 : memref<!tpu.dma_semaphore, #tpu.memory_space<semaphore_mem>>) src(%dma_wait3A_26 : memref<10240xf32, #tpu.memory_space<hbm>>) dst(%arg7 : memref<10240xf32, #tpu.memory_space<vmem>>)
      tpu.yield
    }) : () -> ()
    %run_scoped3A_8 = arith.constant 1 : i32
    "tpu.region"() ({
      %run_scoped3A_16 = tpu.sem_alloc : memref<!tpu.dma_semaphore, #tpu.memory_space<semaphore_mem>>
      %dma_start3A = arith.constant 0 : i32
      %dma_start3A_17 = tpu.memref_slice %arg4[%run_scoped3A_8, %dma_start3A] : memref<8x10240xf32, #tpu.memory_space<hbm>> -> memref<1x10240xf32, #tpu.memory_space<hbm>>
      %dma_start3A_18 = tpu.memref_squeeze %dma_start3A_17 : memref<1x10240xf32, #tpu.memory_space<hbm>> -> memref<10240xf32, #tpu.memory_space<hbm>>
      %dma_start3A_19 = arith.constant 0 : i32
      %dma_start3A_20 = tpu.memref_slice %arg4[%run_scoped3A_8, %dma_start3A_19] : memref<8x10240xf32, #tpu.memory_space<hbm>> -> memref<1x10240xf32, #tpu.memory_space<hbm>>
      %dma_start3A_21 = tpu.memref_squeeze %dma_start3A_20 : memref<1x10240xf32, #tpu.memory_space<hbm>> -> memref<10240xf32, #tpu.memory_space<hbm>>
      tpu.enqueue_dma source(%dma_start3A_21 : memref<10240xf32, #tpu.memory_space<hbm>>) target(%arg8 : memref<10240xf32, #tpu.memory_space<vmem>>) target_semaphore(%run_scoped3A_16 : memref<!tpu.dma_semaphore, #tpu.memory_space<semaphore_mem>>)
      %dma_wait3A = arith.constant 0 : i32
      %dma_wait3A_22 = tpu.memref_slice %arg4[%run_scoped3A_8, %dma_wait3A] : memref<8x10240xf32, #tpu.memory_space<hbm>> -> memref<1x10240xf32, #tpu.memory_space<hbm>>
      %dma_wait3A_23 = tpu.memref_squeeze %dma_wait3A_22 : memref<1x10240xf32, #tpu.memory_space<hbm>> -> memref<10240xf32, #tpu.memory_space<hbm>>
      %dma_wait3A_24 = arith.constant 0 : i32
      %dma_wait3A_25 = tpu.memref_slice %arg4[%run_scoped3A_8, %dma_wait3A_24] : memref<8x10240xf32, #tpu.memory_space<hbm>> -> memref<1x10240xf32, #tpu.memory_space<hbm>>
      %dma_wait3A_26 = tpu.memref_squeeze %dma_wait3A_25 : memref<1x10240xf32, #tpu.memory_space<hbm>> -> memref<10240xf32, #tpu.memory_space<hbm>>
      tpu.wait_dma2 semaphore(%run_scoped3A_16 : memref<!tpu.dma_semaphore, #tpu.memory_space<semaphore_mem>>) src(%dma_wait3A_26 : memref<10240xf32, #tpu.memory_space<hbm>>) dst(%arg8 : memref<10240xf32, #tpu.memory_space<vmem>>)
      tpu.yield
    }) : () -> ()
    "tpu.region"() ({
      %run_scoped3A_16 = tpu.sem_alloc : memref<!tpu.dma_semaphore, #tpu.memory_space<semaphore_mem>>
      %dma_start3A = arith.constant 0 : i32
      %dma_start3A_17 = arith.constant 0 : i32
      %dma_start3A_18 = tpu.memref_slice %arg2[%add3A, %dma_start3A, %dma_start3A_17] : memref<32x80x128xi32, #tpu.memory_space<hbm>> -> memref<1x80x128xi32, #tpu.memory_space<hbm>>
      %dma_start3A_19 = tpu.memref_squeeze %dma_start3A_18 : memref<1x80x128xi32, #tpu.memory_space<hbm>> -> memref<80x128xi32, #tpu.memory_space<hbm>>
      %dma_start3A_20 = arith.constant 0 : i32
      %dma_start3A_21 = arith.constant 0 : i32
      %dma_start3A_22 = tpu.memref_slice %arg2[%add3A, %dma_start3A_20, %dma_start3A_21] : memref<32x80x128xi32, #tpu.memory_space<hbm>> -> memref<1x80x128xi32, #tpu.memory_space<hbm>>
      %dma_start3A_23 = tpu.memref_squeeze %dma_start3A_22 : memref<1x80x128xi32, #tpu.memory_space<hbm>> -> memref<80x128xi32, #tpu.memory_space<hbm>>
      tpu.enqueue_dma source(%dma_start3A_23 : memref<80x128xi32, #tpu.memory_space<hbm>>) target(%arg11 : memref<80x128xi32, #tpu.memory_space<vmem>>) target_semaphore(%run_scoped3A_16 : memref<!tpu.dma_semaphore, #tpu.memory_space<semaphore_mem>>)
      %dma_wait3A = arith.constant 0 : i32
      %dma_wait3A_24 = arith.constant 0 : i32
      %dma_wait3A_25 = tpu.memref_slice %arg2[%add3A, %dma_wait3A, %dma_wait3A_24] : memref<32x80x128xi32, #tpu.memory_space<hbm>> -> memref<1x80x128xi32, #tpu.memory_space<hbm>>
      %dma_wait3A_26 = tpu.memref_squeeze %dma_wait3A_25 : memref<1x80x128xi32, #tpu.memory_space<hbm>> -> memref<80x128xi32, #tpu.memory_space<hbm>>
      %dma_wait3A_27 = arith.constant 0 : i32
      %dma_wait3A_28 = arith.constant 0 : i32
      %dma_wait3A_29 = tpu.memref_slice %arg2[%add3A, %dma_wait3A_27, %dma_wait3A_28] : memref<32x80x128xi32, #tpu.memory_space<hbm>> -> memref<1x80x128xi32, #tpu.memory_space<hbm>>
      %dma_wait3A_30 = tpu.memref_squeeze %dma_wait3A_29 : memref<1x80x128xi32, #tpu.memory_space<hbm>> -> memref<80x128xi32, #tpu.memory_space<hbm>>
      tpu.wait_dma2 semaphore(%run_scoped3A_16 : memref<!tpu.dma_semaphore, #tpu.memory_space<semaphore_mem>>) src(%dma_wait3A_30 : memref<80x128xi32, #tpu.memory_space<hbm>>) dst(%arg11 : memref<80x128xi32, #tpu.memory_space<vmem>>)
      tpu.yield
    }) : () -> ()
    "tpu.region"() ({
      %run_scoped3A_16 = tpu.sem_alloc : memref<!tpu.dma_semaphore, #tpu.memory_space<semaphore_mem>>
      %dma_start3A = arith.constant 0 : i32
      %dma_start3A_17 = arith.constant 0 : i32
      %dma_start3A_18 = tpu.memref_slice %arg3[%add3A, %dma_start3A, %dma_start3A_17] : memref<32x80x128xi32, #tpu.memory_space<hbm>> -> memref<1x80x128xi32, #tpu.memory_space<hbm>>
      %dma_start3A_19 = tpu.memref_squeeze %dma_start3A_18 : memref<1x80x128xi32, #tpu.memory_space<hbm>> -> memref<80x128xi32, #tpu.memory_space<hbm>>
      %dma_start3A_20 = arith.constant 0 : i32
      %dma_start3A_21 = arith.constant 0 : i32
      %dma_start3A_22 = tpu.memref_slice %arg3[%add3A, %dma_start3A_20, %dma_start3A_21] : memref<32x80x128xi32, #tpu.memory_space<hbm>> -> memref<1x80x128xi32, #tpu.memory_space<hbm>>
      %dma_start3A_23 = tpu.memref_squeeze %dma_start3A_22 : memref<1x80x128xi32, #tpu.memory_space<hbm>> -> memref<80x128xi32, #tpu.memory_space<hbm>>
      tpu.enqueue_dma source(%dma_start3A_23 : memref<80x128xi32, #tpu.memory_space<hbm>>) target(%arg12 : memref<80x128xi32, #tpu.memory_space<vmem>>) target_semaphore(%run_scoped3A_16 : memref<!tpu.dma_semaphore, #tpu.memory_space<semaphore_mem>>)
      %dma_wait3A = arith.constant 0 : i32
      %dma_wait3A_24 = arith.constant 0 : i32
      %dma_wait3A_25 = tpu.memref_slice %arg3[%add3A, %dma_wait3A, %dma_wait3A_24] : memref<32x80x128xi32, #tpu.memory_space<hbm>> -> memref<1x80x128xi32, #tpu.memory_space<hbm>>
      %dma_wait3A_26 = tpu.memref_squeeze %dma_wait3A_25 : memref<1x80x128xi32, #tpu.memory_space<hbm>> -> memref<80x128xi32, #tpu.memory_space<hbm>>
      %dma_wait3A_27 = arith.constant 0 : i32
      %dma_wait3A_28 = arith.constant 0 : i32
      %dma_wait3A_29 = tpu.memref_slice %arg3[%add3A, %dma_wait3A_27, %dma_wait3A_28] : memref<32x80x128xi32, #tpu.memory_space<hbm>> -> memref<1x80x128xi32, #tpu.memory_space<hbm>>
      %dma_wait3A_30 = tpu.memref_squeeze %dma_wait3A_29 : memref<1x80x128xi32, #tpu.memory_space<hbm>> -> memref<80x128xi32, #tpu.memory_space<hbm>>
      tpu.wait_dma2 semaphore(%run_scoped3A_16 : memref<!tpu.dma_semaphore, #tpu.memory_space<semaphore_mem>>) src(%dma_wait3A_30 : memref<80x128xi32, #tpu.memory_space<hbm>>) dst(%arg12 : memref<80x128xi32, #tpu.memory_space<vmem>>)
      tpu.yield
    }) : () -> ()
    %scan3A_9 = arith.constant 0 : i32
    %scan3A_10 = arith.constant 0 : i32
    %scan3A_11 = arith.constant 80 : i32
    %scan3A_12 = arith.addi %scan3A_10, %scan3A_11 : i32
    %scan3A_13 = arith.constant 1 : i32
    %scan3A_14 = scf.for %scan3A_16 = %scan3A_10 to %scan3A_12 step %scan3A_13 iter_args(%scan3A_17 = %scan3A_9) -> (i32)  : i32 {
      %get3A = arith.index_cast %scan3A_16 : i32 to index
      %get3A_18 = arith.constant 0 : index
      %get3A_19 = tpu.vector_load %arg11[%get3A, %get3A_18] {strides = array<i32>} : memref<80x128xi32, #tpu.memory_space<vmem>>, vector<16xi32>,
      %get3A_20 = arith.index_cast %scan3A_16 : i32 to index
      %get3A_21 = arith.constant 0 : index
      %get3A_22 = tpu.vector_load %arg12[%get3A_20, %get3A_21] {strides = array<i32>} : memref<80x128xi32, #tpu.memory_space<vmem>>, vector<16xi32>,
      %gather3A = tpu.vector_load_idx %arg7[%get3A_19] : memref<10240xf32, #tpu.memory_space<vmem>>[vector<16xi32>], vector<16xf32>,
      %gather3A_23 = tpu.vector_load_idx %arg8[%get3A_22] : memref<10240xf32, #tpu.memory_space<vmem>>[vector<16xi32>], vector<16xf32>,
      %add3A_24 = arith.addf %gather3A, %gather3A_23 : vector<16xf32>
      %ge3A = arith.constant 0.000000e+00 : f32
      %ge3A_25 = vector.broadcast %ge3A : f32 to vector<16xf32>
      %ge3A_26 = arith.cmpf oge, %add3A_24, %ge3A_25 : vector<16xf32>
      %mul3A_27 = arith.constant 2.000000e-01 : f32
      %mul3A_28 = vector.broadcast %mul3A_27 : f32 to vector<16xf32>
      %mul3A_29 = arith.mulf %mul3A_28, %add3A_24 : vector<16xf32>
      %select_n3A = arith.select %ge3A_26, %add3A_24, %mul3A_29 : vector<16xi1>, vector<16xf32>
      %exp3A = math.exp %select_n3A : vector<16xf32>
      %swap3A = arith.index_cast %scan3A_16 : i32 to index
      %swap3A_30 = arith.constant 0 : index
      %swap3A_31 = tpu.vector_load %arg9[%swap3A, %swap3A_30] {strides = array<i32>} : memref<80x128xf32, #tpu.memory_space<vmem>>, vector<16xf32>,
      tpu.vector_store %arg9[%swap3A, %swap3A_30], %exp3A {strides = array<i32>} : memref<80x128xf32, #tpu.memory_space<vmem>>, vector<16xf32>,
      tpu.vector_store_idx %arg10[%get3A_22], %exp3A {add = true} : memref<10240xf32, #tpu.memory_space<vmem>>[vector<16xi32>], vector<16xf32>,
      %get3A_32 = arith.index_cast %scan3A_16 : i32 to index
      %get3A_33 = arith.constant 16 : index
      %get3A_34 = tpu.vector_load %arg11[%get3A_32, %get3A_33] {strides = array<i32>} : memref<80x128xi32, #tpu.memory_space<vmem>>, vector<16xi32>,
      %get3A_35 = arith.index_cast %scan3A_16 : i32 to index
      %get3A_36 = arith.constant 16 : index
      %get3A_37 = tpu.vector_load %arg12[%get3A_35, %get3A_36] {strides = array<i32>} : memref<80x128xi32, #tpu.memory_space<vmem>>, vector<16xi32>,
      %gather3A_38 = tpu.vector_load_idx %arg7[%get3A_34] : memref<10240xf32, #tpu.memory_space<vmem>>[vector<16xi32>], vector<16xf32>,
      %gather3A_39 = tpu.vector_load_idx %arg8[%get3A_37] : memref<10240xf32, #tpu.memory_space<vmem>>[vector<16xi32>], vector<16xf32>,
      %add3A_40 = arith.addf %gather3A_38, %gather3A_39 : vector<16xf32>
      %ge3A_41 = arith.constant 0.000000e+00 : f32
      %ge3A_42 = vector.broadcast %ge3A_41 : f32 to vector<16xf32>
      %ge3A_43 = arith.cmpf oge, %add3A_40, %ge3A_42 : vector<16xf32>
      %mul3A_44 = arith.constant 2.000000e-01 : f32
      %mul3A_45 = vector.broadcast %mul3A_44 : f32 to vector<16xf32>
      %mul3A_46 = arith.mulf %mul3A_45, %add3A_40 : vector<16xf32>
      %select_n3A_47 = arith.select %ge3A_43, %add3A_40, %mul3A_46 : vector<16xi1>, vector<16xf32>
      %exp3A_48 = math.exp %select_n3A_47 : vector<16xf32>
      %swap3A_49 = arith.index_cast %scan3A_16 : i32 to index
      %swap3A_50 = arith.constant 16 : index
      %swap3A_51 = tpu.vector_load %arg9[%swap3A_49, %swap3A_50] {strides = array<i32>} : memref<80x128xf32, #tpu.memory_space<vmem>>, vector<16xf32>,
      tpu.vector_store %arg9[%swap3A_49, %swap3A_50], %exp3A_48 {strides = array<i32>} : memref<80x128xf32, #tpu.memory_space<vmem>>, vector<16xf32>,
      tpu.vector_store_idx %arg10[%get3A_37], %exp3A_48 {add = true} : memref<10240xf32, #tpu.memory_space<vmem>>[vector<16xi32>], vector<16xf32>,
      %get3A_52 = arith.index_cast %scan3A_16 : i32 to index
      %get3A_53 = arith.constant 32 : index
      %get3A_54 = tpu.vector_load %arg11[%get3A_52, %get3A_53] {strides = array<i32>} : memref<80x128xi32, #tpu.memory_space<vmem>>, vector<16xi32>,
      %get3A_55 = arith.index_cast %scan3A_16 : i32 to index
      %get3A_56 = arith.constant 32 : index
      %get3A_57 = tpu.vector_load %arg12[%get3A_55, %get3A_56] {strides = array<i32>} : memref<80x128xi32, #tpu.memory_space<vmem>>, vector<16xi32>,
      %gather3A_58 = tpu.vector_load_idx %arg7[%get3A_54] : memref<10240xf32, #tpu.memory_space<vmem>>[vector<16xi32>], vector<16xf32>,
      %gather3A_59 = tpu.vector_load_idx %arg8[%get3A_57] : memref<10240xf32, #tpu.memory_space<vmem>>[vector<16xi32>], vector<16xf32>,
      %add3A_60 = arith.addf %gather3A_58, %gather3A_59 : vector<16xf32>
      %ge3A_61 = arith.constant 0.000000e+00 : f32
      %ge3A_62 = vector.broadcast %ge3A_61 : f32 to vector<16xf32>
      %ge3A_63 = arith.cmpf oge, %add3A_60, %ge3A_62 : vector<16xf32>
      %mul3A_64 = arith.constant 2.000000e-01 : f32
      %mul3A_65 = vector.broadcast %mul3A_64 : f32 to vector<16xf32>
      %mul3A_66 = arith.mulf %mul3A_65, %add3A_60 : vector<16xf32>
      %select_n3A_67 = arith.select %ge3A_63, %add3A_60, %mul3A_66 : vector<16xi1>, vector<16xf32>
      %exp3A_68 = math.exp %select_n3A_67 : vector<16xf32>
      %swap3A_69 = arith.index_cast %scan3A_16 : i32 to index
      %swap3A_70 = arith.constant 32 : index
      %swap3A_71 = tpu.vector_load %arg9[%swap3A_69, %swap3A_70] {strides = array<i32>} : memref<80x128xf32, #tpu.memory_space<vmem>>, vector<16xf32>,
      tpu.vector_store %arg9[%swap3A_69, %swap3A_70], %exp3A_68 {strides = array<i32>} : memref<80x128xf32, #tpu.memory_space<vmem>>, vector<16xf32>,
      tpu.vector_store_idx %arg10[%get3A_57], %exp3A_68 {add = true} : memref<10240xf32, #tpu.memory_space<vmem>>[vector<16xi32>], vector<16xf32>,
      %get3A_72 = arith.index_cast %scan3A_16 : i32 to index
      %get3A_73 = arith.constant 48 : index
      %get3A_74 = tpu.vector_load %arg11[%get3A_72, %get3A_73] {strides = array<i32>} : memref<80x128xi32, #tpu.memory_space<vmem>>, vector<16xi32>,
      %get3A_75 = arith.index_cast %scan3A_16 : i32 to index
      %get3A_76 = arith.constant 48 : index
      %get3A_77 = tpu.vector_load %arg12[%get3A_75, %get3A_76] {strides = array<i32>} : memref<80x128xi32, #tpu.memory_space<vmem>>, vector<16xi32>,
      %gather3A_78 = tpu.vector_load_idx %arg7[%get3A_74] : memref<10240xf32, #tpu.memory_space<vmem>>[vector<16xi32>], vector<16xf32>,
      %gather3A_79 = tpu.vector_load_idx %arg8[%get3A_77] : memref<10240xf32, #tpu.memory_space<vmem>>[vector<16xi32>], vector<16xf32>,
      %add3A_80 = arith.addf %gather3A_78, %gather3A_79 : vector<16xf32>
      %ge3A_81 = arith.constant 0.000000e+00 : f32
      %ge3A_82 = vector.broadcast %ge3A_81 : f32 to vector<16xf32>
      %ge3A_83 = arith.cmpf oge, %add3A_80, %ge3A_82 : vector<16xf32>
      %mul3A_84 = arith.constant 2.000000e-01 : f32
      %mul3A_85 = vector.broadcast %mul3A_84 : f32 to vector<16xf32>
      %mul3A_86 = arith.mulf %mul3A_85, %add3A_80 : vector<16xf32>
      %select_n3A_87 = arith.select %ge3A_83, %add3A_80, %mul3A_86 : vector<16xi1>, vector<16xf32>
      %exp3A_88 = math.exp %select_n3A_87 : vector<16xf32>
      %swap3A_89 = arith.index_cast %scan3A_16 : i32 to index
      %swap3A_90 = arith.constant 48 : index
      %swap3A_91 = tpu.vector_load %arg9[%swap3A_89, %swap3A_90] {strides = array<i32>} : memref<80x128xf32, #tpu.memory_space<vmem>>, vector<16xf32>,
      tpu.vector_store %arg9[%swap3A_89, %swap3A_90], %exp3A_88 {strides = array<i32>} : memref<80x128xf32, #tpu.memory_space<vmem>>, vector<16xf32>,
      tpu.vector_store_idx %arg10[%get3A_77], %exp3A_88 {add = true} : memref<10240xf32, #tpu.memory_space<vmem>>[vector<16xi32>], vector<16xf32>,
      %get3A_92 = arith.index_cast %scan3A_16 : i32 to index
      %get3A_93 = arith.constant 64 : index
      %get3A_94 = tpu.vector_load %arg11[%get3A_92, %get3A_93] {strides = array<i32>} : memref<80x128xi32, #tpu.memory_space<vmem>>, vector<16xi32>,
      %get3A_95 = arith.index_cast %scan3A_16 : i32 to index
      %get3A_96 = arith.constant 64 : index
      %get3A_97 = tpu.vector_load %arg12[%get3A_95, %get3A_96] {strides = array<i32>} : memref<80x128xi32, #tpu.memory_space<vmem>>, vector<16xi32>,
      %gather3A_98 = tpu.vector_load_idx %arg7[%get3A_94] : memref<10240xf32, #tpu.memory_space<vmem>>[vector<16xi32>], vector<16xf32>,
      %gather3A_99 = tpu.vector_load_idx %arg8[%get3A_97] : memref<10240xf32, #tpu.memory_space<vmem>>[vector<16xi32>], vector<16xf32>,
      %add3A_100 = arith.addf %gather3A_98, %gather3A_99 : vector<16xf32>
      %ge3A_101 = arith.constant 0.000000e+00 : f32
      %ge3A_102 = vector.broadcast %ge3A_101 : f32 to vector<16xf32>
      %ge3A_103 = arith.cmpf oge, %add3A_100, %ge3A_102 : vector<16xf32>
      %mul3A_104 = arith.constant 2.000000e-01 : f32
      %mul3A_105 = vector.broadcast %mul3A_104 : f32 to vector<16xf32>
      %mul3A_106 = arith.mulf %mul3A_105, %add3A_100 : vector<16xf32>
      %select_n3A_107 = arith.select %ge3A_103, %add3A_100, %mul3A_106 : vector<16xi1>, vector<16xf32>
      %exp3A_108 = math.exp %select_n3A_107 : vector<16xf32>
      %swap3A_109 = arith.index_cast %scan3A_16 : i32 to index
      %swap3A_110 = arith.constant 64 : index
      %swap3A_111 = tpu.vector_load %arg9[%swap3A_109, %swap3A_110] {strides = array<i32>} : memref<80x128xf32, #tpu.memory_space<vmem>>, vector<16xf32>,
      tpu.vector_store %arg9[%swap3A_109, %swap3A_110], %exp3A_108 {strides = array<i32>} : memref<80x128xf32, #tpu.memory_space<vmem>>, vector<16xf32>,
      tpu.vector_store_idx %arg10[%get3A_97], %exp3A_108 {add = true} : memref<10240xf32, #tpu.memory_space<vmem>>[vector<16xi32>], vector<16xf32>,
      %get3A_112 = arith.index_cast %scan3A_16 : i32 to index
      %get3A_113 = arith.constant 80 : index
      %get3A_114 = tpu.vector_load %arg11[%get3A_112, %get3A_113] {strides = array<i32>} : memref<80x128xi32, #tpu.memory_space<vmem>>, vector<16xi32>,
      %get3A_115 = arith.index_cast %scan3A_16 : i32 to index
      %get3A_116 = arith.constant 80 : index
      %get3A_117 = tpu.vector_load %arg12[%get3A_115, %get3A_116] {strides = array<i32>} : memref<80x128xi32, #tpu.memory_space<vmem>>, vector<16xi32>,
      %gather3A_118 = tpu.vector_load_idx %arg7[%get3A_114] : memref<10240xf32, #tpu.memory_space<vmem>>[vector<16xi32>], vector<16xf32>,
      %gather3A_119 = tpu.vector_load_idx %arg8[%get3A_117] : memref<10240xf32, #tpu.memory_space<vmem>>[vector<16xi32>], vector<16xf32>,
      %add3A_120 = arith.addf %gather3A_118, %gather3A_119 : vector<16xf32>
      %ge3A_121 = arith.constant 0.000000e+00 : f32
      %ge3A_122 = vector.broadcast %ge3A_121 : f32 to vector<16xf32>
      %ge3A_123 = arith.cmpf oge, %add3A_120, %ge3A_122 : vector<16xf32>
      %mul3A_124 = arith.constant 2.000000e-01 : f32
      %mul3A_125 = vector.broadcast %mul3A_124 : f32 to vector<16xf32>
      %mul3A_126 = arith.mulf %mul3A_125, %add3A_120 : vector<16xf32>
      %select_n3A_127 = arith.select %ge3A_123, %add3A_120, %mul3A_126 : vector<16xi1>, vector<16xf32>
      %exp3A_128 = math.exp %select_n3A_127 : vector<16xf32>
      %swap3A_129 = arith.index_cast %scan3A_16 : i32 to index
      %swap3A_130 = arith.constant 80 : index
      %swap3A_131 = tpu.vector_load %arg9[%swap3A_129, %swap3A_130] {strides = array<i32>} : memref<80x128xf32, #tpu.memory_space<vmem>>, vector<16xf32>,
      tpu.vector_store %arg9[%swap3A_129, %swap3A_130], %exp3A_128 {strides = array<i32>} : memref<80x128xf32, #tpu.memory_space<vmem>>, vector<16xf32>,
      tpu.vector_store_idx %arg10[%get3A_117], %exp3A_128 {add = true} : memref<10240xf32, #tpu.memory_space<vmem>>[vector<16xi32>], vector<16xf32>,
      %get3A_132 = arith.index_cast %scan3A_16 : i32 to index
      %get3A_133 = arith.constant 96 : index
      %get3A_134 = tpu.vector_load %arg11[%get3A_132, %get3A_133] {strides = array<i32>} : memref<80x128xi32, #tpu.memory_space<vmem>>, vector<16xi32>,
      %get3A_135 = arith.index_cast %scan3A_16 : i32 to index
      %get3A_136 = arith.constant 96 : index
      %get3A_137 = tpu.vector_load %arg12[%get3A_135, %get3A_136] {strides = array<i32>} : memref<80x128xi32, #tpu.memory_space<vmem>>, vector<16xi32>,
      %gather3A_138 = tpu.vector_load_idx %arg7[%get3A_134] : memref<10240xf32, #tpu.memory_space<vmem>>[vector<16xi32>], vector<16xf32>,
      %gather3A_139 = tpu.vector_load_idx %arg8[%get3A_137] : memref<10240xf32, #tpu.memory_space<vmem>>[vector<16xi32>], vector<16xf32>,
      %add3A_140 = arith.addf %gather3A_138, %gather3A_139 : vector<16xf32>
      %ge3A_141 = arith.constant 0.000000e+00 : f32
      %ge3A_142 = vector.broadcast %ge3A_141 : f32 to vector<16xf32>
      %ge3A_143 = arith.cmpf oge, %add3A_140, %ge3A_142 : vector<16xf32>
      %mul3A_144 = arith.constant 2.000000e-01 : f32
      %mul3A_145 = vector.broadcast %mul3A_144 : f32 to vector<16xf32>
      %mul3A_146 = arith.mulf %mul3A_145, %add3A_140 : vector<16xf32>
      %select_n3A_147 = arith.select %ge3A_143, %add3A_140, %mul3A_146 : vector<16xi1>, vector<16xf32>
      %exp3A_148 = math.exp %select_n3A_147 : vector<16xf32>
      %swap3A_149 = arith.index_cast %scan3A_16 : i32 to index
      %swap3A_150 = arith.constant 96 : index
      %swap3A_151 = tpu.vector_load %arg9[%swap3A_149, %swap3A_150] {strides = array<i32>} : memref<80x128xf32, #tpu.memory_space<vmem>>, vector<16xf32>,
      tpu.vector_store %arg9[%swap3A_149, %swap3A_150], %exp3A_148 {strides = array<i32>} : memref<80x128xf32, #tpu.memory_space<vmem>>, vector<16xf32>,
      tpu.vector_store_idx %arg10[%get3A_137], %exp3A_148 {add = true} : memref<10240xf32, #tpu.memory_space<vmem>>[vector<16xi32>], vector<16xf32>,
      %get3A_152 = arith.index_cast %scan3A_16 : i32 to index
      %get3A_153 = arith.constant 112 : index
      %get3A_154 = tpu.vector_load %arg11[%get3A_152, %get3A_153] {strides = array<i32>} : memref<80x128xi32, #tpu.memory_space<vmem>>, vector<16xi32>,
      %get3A_155 = arith.index_cast %scan3A_16 : i32 to index
      %get3A_156 = arith.constant 112 : index
      %get3A_157 = tpu.vector_load %arg12[%get3A_155, %get3A_156] {strides = array<i32>} : memref<80x128xi32, #tpu.memory_space<vmem>>, vector<16xi32>,
      %gather3A_158 = tpu.vector_load_idx %arg7[%get3A_154] : memref<10240xf32, #tpu.memory_space<vmem>>[vector<16xi32>], vector<16xf32>,
      %gather3A_159 = tpu.vector_load_idx %arg8[%get3A_157] : memref<10240xf32, #tpu.memory_space<vmem>>[vector<16xi32>], vector<16xf32>,
      %add3A_160 = arith.addf %gather3A_158, %gather3A_159 : vector<16xf32>
      %ge3A_161 = arith.constant 0.000000e+00 : f32
      %ge3A_162 = vector.broadcast %ge3A_161 : f32 to vector<16xf32>
      %ge3A_163 = arith.cmpf oge, %add3A_160, %ge3A_162 : vector<16xf32>
      %mul3A_164 = arith.constant 2.000000e-01 : f32
      %mul3A_165 = vector.broadcast %mul3A_164 : f32 to vector<16xf32>
      %mul3A_166 = arith.mulf %mul3A_165, %add3A_160 : vector<16xf32>
      %select_n3A_167 = arith.select %ge3A_163, %add3A_160, %mul3A_166 : vector<16xi1>, vector<16xf32>
      %exp3A_168 = math.exp %select_n3A_167 : vector<16xf32>
      %swap3A_169 = arith.index_cast %scan3A_16 : i32 to index
      %swap3A_170 = arith.constant 112 : index
      %swap3A_171 = tpu.vector_load %arg9[%swap3A_169, %swap3A_170] {strides = array<i32>} : memref<80x128xf32, #tpu.memory_space<vmem>>, vector<16xf32>,
      tpu.vector_store %arg9[%swap3A_169, %swap3A_170], %exp3A_168 {strides = array<i32>} : memref<80x128xf32, #tpu.memory_space<vmem>>, vector<16xf32>,
      tpu.vector_store_idx %arg10[%get3A_157], %exp3A_168 {add = true} : memref<10240xf32, #tpu.memory_space<vmem>>[vector<16xi32>], vector<16xf32>,
      %scan3A_172 = arith.constant 0 : i32
      scf.yield %scan3A_172 : i32
    }
    %scan3A_15 = arith.constant 80 : i32
    "tpu.region"() ({
      %run_scoped3A_16 = tpu.sem_alloc : memref<!tpu.dma_semaphore, #tpu.memory_space<semaphore_mem>>
      %dma_start3A = arith.constant 0 : i32
      %dma_start3A_17 = arith.constant 0 : i32
      %dma_start3A_18 = tpu.memref_slice %arg5[%add3A, %dma_start3A, %dma_start3A_17] : memref<32x80x128xf32, #tpu.memory_space<hbm>> -> memref<1x80x128xf32, #tpu.memory_space<hbm>>
      %dma_start3A_19 = tpu.memref_squeeze %dma_start3A_18 : memref<1x80x128xf32, #tpu.memory_space<hbm>> -> memref<80x128xf32, #tpu.memory_space<hbm>>
      %dma_start3A_20 = arith.constant 0 : i32
      %dma_start3A_21 = arith.constant 0 : i32
      %dma_start3A_22 = tpu.memref_slice %arg5[%add3A, %dma_start3A_20, %dma_start3A_21] : memref<32x80x128xf32, #tpu.memory_space<hbm>> -> memref<1x80x128xf32, #tpu.memory_space<hbm>>
      %dma_start3A_23 = tpu.memref_squeeze %dma_start3A_22 : memref<1x80x128xf32, #tpu.memory_space<hbm>> -> memref<80x128xf32, #tpu.memory_space<hbm>>
      tpu.enqueue_dma source(%arg9 : memref<80x128xf32, #tpu.memory_space<vmem>>) target(%dma_start3A_23 : memref<80x128xf32, #tpu.memory_space<hbm>>) target_semaphore(%run_scoped3A_16 : memref<!tpu.dma_semaphore, #tpu.memory_space<semaphore_mem>>)
      %dma_wait3A = arith.constant 0 : i32
      %dma_wait3A_24 = arith.constant 0 : i32
      %dma_wait3A_25 = tpu.memref_slice %arg5[%add3A, %dma_wait3A, %dma_wait3A_24] : memref<32x80x128xf32, #tpu.memory_space<hbm>> -> memref<1x80x128xf32, #tpu.memory_space<hbm>>
      %dma_wait3A_26 = tpu.memref_squeeze %dma_wait3A_25 : memref<1x80x128xf32, #tpu.memory_space<hbm>> -> memref<80x128xf32, #tpu.memory_space<hbm>>
      %dma_wait3A_27 = arith.constant 0 : i32
      %dma_wait3A_28 = arith.constant 0 : i32
      %dma_wait3A_29 = tpu.memref_slice %arg5[%add3A, %dma_wait3A_27, %dma_wait3A_28] : memref<32x80x128xf32, #tpu.memory_space<hbm>> -> memref<1x80x128xf32, #tpu.memory_space<hbm>>
      %dma_wait3A_30 = tpu.memref_squeeze %dma_wait3A_29 : memref<1x80x128xf32, #tpu.memory_space<hbm>> -> memref<80x128xf32, #tpu.memory_space<hbm>>
      tpu.wait_dma2 semaphore(%run_scoped3A_16 : memref<!tpu.dma_semaphore, #tpu.memory_space<semaphore_mem>>) src(%arg9 : memref<80x128xf32, #tpu.memory_space<vmem>>) dst(%dma_wait3A_30 : memref<80x128xf32, #tpu.memory_space<hbm>>)
      tpu.yield
    }) : () -> ()
    "tpu.region"() ({
      %run_scoped3A_16 = tpu.sem_alloc : memref<!tpu.dma_semaphore, #tpu.memory_space<semaphore_mem>>
      %dma_start3A = arith.constant 0 : i32
      %dma_start3A_17 = tpu.memref_slice %arg6[%add3A, %dma_start3A] : memref<32x10240xf32, #tpu.memory_space<hbm>> -> memref<1x10240xf32, #tpu.memory_space<hbm>>
      %dma_start3A_18 = tpu.memref_squeeze %dma_start3A_17 : memref<1x10240xf32, #tpu.memory_space<hbm>> -> memref<10240xf32, #tpu.memory_space<hbm>>
      %dma_start3A_19 = arith.constant 0 : i32
      %dma_start3A_20 = tpu.memref_slice %arg6[%add3A, %dma_start3A_19] : memref<32x10240xf32, #tpu.memory_space<hbm>> -> memref<1x10240xf32, #tpu.memory_space<hbm>>
      %dma_start3A_21 = tpu.memref_squeeze %dma_start3A_20 : memref<1x10240xf32, #tpu.memory_space<hbm>> -> memref<10240xf32, #tpu.memory_space<hbm>>
      tpu.enqueue_dma source(%arg10 : memref<10240xf32, #tpu.memory_space<vmem>>) target(%dma_start3A_21 : memref<10240xf32, #tpu.memory_space<hbm>>) target_semaphore(%run_scoped3A_16 : memref<!tpu.dma_semaphore, #tpu.memory_space<semaphore_mem>>)
      %dma_wait3A = arith.constant 0 : i32
      %dma_wait3A_22 = tpu.memref_slice %arg6[%add3A, %dma_wait3A] : memref<32x10240xf32, #tpu.memory_space<hbm>> -> memref<1x10240xf32, #tpu.memory_space<hbm>>
      %dma_wait3A_23 = tpu.memref_squeeze %dma_wait3A_22 : memref<1x10240xf32, #tpu.memory_space<hbm>> -> memref<10240xf32, #tpu.memory_space<hbm>>
      %dma_wait3A_24 = arith.constant 0 : i32
      %dma_wait3A_25 = tpu.memref_slice %arg6[%add3A, %dma_wait3A_24] : memref<32x10240xf32, #tpu.memory_space<hbm>> -> memref<1x10240xf32, #tpu.memory_space<hbm>>
      %dma_wait3A_26 = tpu.memref_squeeze %dma_wait3A_25 : memref<1x10240xf32, #tpu.memory_space<hbm>> -> memref<10240xf32, #tpu.memory_space<hbm>>
      tpu.wait_dma2 semaphore(%run_scoped3A_16 : memref<!tpu.dma_semaphore, #tpu.memory_space<semaphore_mem>>) src(%arg10 : memref<10240xf32, #tpu.memory_space<vmem>>) dst(%dma_wait3A_26 : memref<10240xf32, #tpu.memory_space<hbm>>)
      tpu.yield
    }) : () -> ()
    return
  }
}

#map = affine_map<(d0, d1) -> (0, 0, 0)>
#map1 = affine_map<(d0, d1) -> (0, 0)>
module attributes {stable_mosaic.version = 14 : i64} {
  func.func @agg_kernel(%arg0: i32, %arg1: i32, %arg2: memref<32x80x128xi32, #tpu.memory_space<hbm>>, %arg3: memref<32x80x128xi32, #tpu.memory_space<hbm>>, %arg4: memref<32x80x128xf32, #tpu.memory_space<hbm>>, %arg5: memref<10240x128xf32, #tpu.memory_space<hbm>>, %arg6: memref<2x10240x128xf32, #tpu.memory_space<hbm>>, %arg7: memref<16x128xi32, #tpu.memory_space<vmem>>, %arg8: memref<16x128xi32, #tpu.memory_space<vmem>>, %arg9: memref<16x128xf32, #tpu.memory_space<vmem>>, %arg10: memref<128x128xf32, #tpu.memory_space<vmem>>, %arg11: memref<10240x128xf32, #tpu.memory_space<vmem_shared>>, %arg12: memref<!tpu.dma_semaphore, #tpu.memory_space<semaphore_mem>>) attributes {dimension_semantics = [#tpu.dimension_semantics<core_parallel>, #tpu.dimension_semantics<subcore_parallel>], iteration_bounds = array<i64: 2, 16>, scalar_prefetch = 0 : i64, scratch_operands = 6 : i64, tpu.core_type = #tpu.core_type<sc_vector_subcore>, window_params = [{transform_indices = #map}, {transform_indices = #map}, {transform_indices = #map}, {transform_indices = #map1}, {transform_indices = #map}]} {
    %mul3A = arith.constant 16 : i32
    %mul3A_0 = arith.muli %arg0, %mul3A : i32
    %add3A = arith.addi %mul3A_0, %arg1 : i32
    %broadcast_in_dim3A = arith.constant 0.000000e+00 : f32
    %broadcast_in_dim3A_1 = vector.broadcast %broadcast_in_dim3A : f32 to vector<16xf32>
    %scan3A = arith.constant 0 : i32
    %scan3A_2 = arith.constant 0 : i32
    %scan3A_3 = arith.constant 128 : i32
    %scan3A_4 = arith.addi %scan3A_2, %scan3A_3 : i32
    %scan3A_5 = arith.constant 1 : i32
    %scan3A_6 = scf.for %scan3A_27 = %scan3A_2 to %scan3A_4 step %scan3A_5 iter_args(%scan3A_28 = %scan3A) -> (i32)  : i32 {
      %swap3A = arith.index_cast %scan3A_27 : i32 to index
      %swap3A_29 = arith.constant 0 : index
      %swap3A_30 = tpu.vector_load %arg10[%swap3A, %swap3A_29] {strides = array<i32>} : memref<128x128xf32, #tpu.memory_space<vmem>>, vector<16xf32>,
      tpu.vector_store %arg10[%swap3A, %swap3A_29], %broadcast_in_dim3A_1 {strides = array<i32>} : memref<128x128xf32, #tpu.memory_space<vmem>>, vector<16xf32>,
      %swap3A_31 = arith.index_cast %scan3A_27 : i32 to index
      %swap3A_32 = arith.constant 16 : index
      %swap3A_33 = tpu.vector_load %arg10[%swap3A_31, %swap3A_32] {strides = array<i32>} : memref<128x128xf32, #tpu.memory_space<vmem>>, vector<16xf32>,
      tpu.vector_store %arg10[%swap3A_31, %swap3A_32], %broadcast_in_dim3A_1 {strides = array<i32>} : memref<128x128xf32, #tpu.memory_space<vmem>>, vector<16xf32>,
      %swap3A_34 = arith.index_cast %scan3A_27 : i32 to index
      %swap3A_35 = arith.constant 32 : index
      %swap3A_36 = tpu.vector_load %arg10[%swap3A_34, %swap3A_35] {strides = array<i32>} : memref<128x128xf32, #tpu.memory_space<vmem>>, vector<16xf32>,
      tpu.vector_store %arg10[%swap3A_34, %swap3A_35], %broadcast_in_dim3A_1 {strides = array<i32>} : memref<128x128xf32, #tpu.memory_space<vmem>>, vector<16xf32>,
      %swap3A_37 = arith.index_cast %scan3A_27 : i32 to index
      %swap3A_38 = arith.constant 48 : index
      %swap3A_39 = tpu.vector_load %arg10[%swap3A_37, %swap3A_38] {strides = array<i32>} : memref<128x128xf32, #tpu.memory_space<vmem>>, vector<16xf32>,
      tpu.vector_store %arg10[%swap3A_37, %swap3A_38], %broadcast_in_dim3A_1 {strides = array<i32>} : memref<128x128xf32, #tpu.memory_space<vmem>>, vector<16xf32>,
      %swap3A_40 = arith.index_cast %scan3A_27 : i32 to index
      %swap3A_41 = arith.constant 64 : index
      %swap3A_42 = tpu.vector_load %arg10[%swap3A_40, %swap3A_41] {strides = array<i32>} : memref<128x128xf32, #tpu.memory_space<vmem>>, vector<16xf32>,
      tpu.vector_store %arg10[%swap3A_40, %swap3A_41], %broadcast_in_dim3A_1 {strides = array<i32>} : memref<128x128xf32, #tpu.memory_space<vmem>>, vector<16xf32>,
      %swap3A_43 = arith.index_cast %scan3A_27 : i32 to index
      %swap3A_44 = arith.constant 80 : index
      %swap3A_45 = tpu.vector_load %arg10[%swap3A_43, %swap3A_44] {strides = array<i32>} : memref<128x128xf32, #tpu.memory_space<vmem>>, vector<16xf32>,
      tpu.vector_store %arg10[%swap3A_43, %swap3A_44], %broadcast_in_dim3A_1 {strides = array<i32>} : memref<128x128xf32, #tpu.memory_space<vmem>>, vector<16xf32>,
      %swap3A_46 = arith.index_cast %scan3A_27 : i32 to index
      %swap3A_47 = arith.constant 96 : index
      %swap3A_48 = tpu.vector_load %arg10[%swap3A_46, %swap3A_47] {strides = array<i32>} : memref<128x128xf32, #tpu.memory_space<vmem>>, vector<16xf32>,
      tpu.vector_store %arg10[%swap3A_46, %swap3A_47], %broadcast_in_dim3A_1 {strides = array<i32>} : memref<128x128xf32, #tpu.memory_space<vmem>>, vector<16xf32>,
      %swap3A_49 = arith.index_cast %scan3A_27 : i32 to index
      %swap3A_50 = arith.constant 112 : index
      %swap3A_51 = tpu.vector_load %arg10[%swap3A_49, %swap3A_50] {strides = array<i32>} : memref<128x128xf32, #tpu.memory_space<vmem>>, vector<16xf32>,
      tpu.vector_store %arg10[%swap3A_49, %swap3A_50], %broadcast_in_dim3A_1 {strides = array<i32>} : memref<128x128xf32, #tpu.memory_space<vmem>>, vector<16xf32>,
      %scan3A_52 = arith.constant 0 : i32
      scf.yield %scan3A_52 : i32
    }
    %scan3A_7 = arith.constant 128 : i32
    %scan3A_8 = arith.constant 0 : i32
    %scan3A_9 = arith.constant 0 : i32
    %scan3A_10 = arith.constant 5 : i32
    %scan3A_11 = arith.addi %scan3A_9, %scan3A_10 : i32
    %scan3A_12 = arith.constant 1 : i32
    %scan3A_13 = scf.for %scan3A_27 = %scan3A_9 to %scan3A_11 step %scan3A_12 iter_args(%scan3A_28 = %scan3A_8) -> (i32)  : i32 {
      %mul3A_29 = arith.constant 640 : i32
      %mul3A_30 = arith.muli %arg1, %mul3A_29 : i32
      %mul3A_31 = arith.constant 128 : i32
      %mul3A_32 = arith.muli %scan3A_27, %mul3A_31 : i32
      %add3A_33 = arith.addi %mul3A_30, %mul3A_32 : i32
      "tpu.region"() ({
        %run_scoped3A = tpu.sem_alloc : memref<!tpu.dma_semaphore, #tpu.memory_space<semaphore_mem>>
        %dma_start3A = arith.constant 0 : i32
        %dma_start3A_35 = tpu.memref_slice %arg11[%add3A_33, %dma_start3A] : memref<10240x128xf32, #tpu.memory_space<vmem_shared>> -> memref<128x128xf32, #tpu.memory_space<vmem_shared>>
        %dma_start3A_36 = arith.constant 0 : i32
        %dma_start3A_37 = tpu.memref_slice %arg11[%add3A_33, %dma_start3A_36] : memref<10240x128xf32, #tpu.memory_space<vmem_shared>> -> memref<128x128xf32, #tpu.memory_space<vmem_shared>>
        tpu.enqueue_dma source(%arg10 : memref<128x128xf32, #tpu.memory_space<vmem>>) target(%dma_start3A_37 : memref<128x128xf32, #tpu.memory_space<vmem_shared>>) target_semaphore(%run_scoped3A : memref<!tpu.dma_semaphore, #tpu.memory_space<semaphore_mem>>)
        %dma_wait3A = arith.constant 0 : i32
        %dma_wait3A_38 = tpu.memref_slice %arg11[%add3A_33, %dma_wait3A] : memref<10240x128xf32, #tpu.memory_space<vmem_shared>> -> memref<128x128xf32, #tpu.memory_space<vmem_shared>>
        %dma_wait3A_39 = arith.constant 0 : i32
        %dma_wait3A_40 = tpu.memref_slice %arg11[%add3A_33, %dma_wait3A_39] : memref<10240x128xf32, #tpu.memory_space<vmem_shared>> -> memref<128x128xf32, #tpu.memory_space<vmem_shared>>
        tpu.wait_dma2 semaphore(%run_scoped3A : memref<!tpu.dma_semaphore, #tpu.memory_space<semaphore_mem>>) src(%arg10 : memref<128x128xf32, #tpu.memory_space<vmem>>) dst(%dma_wait3A_40 : memref<128x128xf32, #tpu.memory_space<vmem_shared>>)
        tpu.yield
      }) : () -> ()
      %scan3A_34 = arith.constant 0 : i32
      scf.yield %scan3A_34 : i32
    }
    %scan3A_14 = arith.constant 5 : i32
    %barrier3A = arith.constant 0 : index
    tpu.barrier barrier_id(%barrier3A)
    %scan3A_15 = arith.constant 0 : i32
    %scan3A_16 = arith.constant 0 : i32
    %scan3A_17 = arith.constant 5 : i32
    %scan3A_18 = arith.addi %scan3A_16, %scan3A_17 : i32
    %scan3A_19 = arith.constant 1 : i32
    %scan3A_20 = scf.for %scan3A_27 = %scan3A_16 to %scan3A_18 step %scan3A_19 iter_args(%scan3A_28 = %scan3A_15) -> (i32)  : i32 {
      %mul3A_29 = arith.constant 16 : i32
      %mul3A_30 = arith.muli %scan3A_27, %mul3A_29 : i32
      "tpu.region"() ({
        %run_scoped3A = tpu.sem_alloc : memref<!tpu.dma_semaphore, #tpu.memory_space<semaphore_mem>>
        %dma_start3A = arith.constant 0 : i32
        %dma_start3A_43 = tpu.memref_slice %arg2[%add3A, %mul3A_30, %dma_start3A] : memref<32x80x128xi32, #tpu.memory_space<hbm>> -> memref<1x16x128xi32, #tpu.memory_space<hbm>>
        %dma_start3A_44 = tpu.memref_squeeze %dma_start3A_43 : memref<1x16x128xi32, #tpu.memory_space<hbm>> -> memref<16x128xi32, #tpu.memory_space<hbm>>
        %dma_start3A_45 = arith.constant 0 : i32
        %dma_start3A_46 = tpu.memref_slice %arg2[%add3A, %mul3A_30, %dma_start3A_45] : memref<32x80x128xi32, #tpu.memory_space<hbm>> -> memref<1x16x128xi32, #tpu.memory_space<hbm>>
        %dma_start3A_47 = tpu.memref_squeeze %dma_start3A_46 : memref<1x16x128xi32, #tpu.memory_space<hbm>> -> memref<16x128xi32, #tpu.memory_space<hbm>>
        tpu.enqueue_dma source(%dma_start3A_47 : memref<16x128xi32, #tpu.memory_space<hbm>>) target(%arg7 : memref<16x128xi32, #tpu.memory_space<vmem>>) target_semaphore(%run_scoped3A : memref<!tpu.dma_semaphore, #tpu.memory_space<semaphore_mem>>)
        %dma_wait3A = arith.constant 0 : i32
        %dma_wait3A_48 = tpu.memref_slice %arg2[%add3A, %mul3A_30, %dma_wait3A] : memref<32x80x128xi32, #tpu.memory_space<hbm>> -> memref<1x16x128xi32, #tpu.memory_space<hbm>>
        %dma_wait3A_49 = tpu.memref_squeeze %dma_wait3A_48 : memref<1x16x128xi32, #tpu.memory_space<hbm>> -> memref<16x128xi32, #tpu.memory_space<hbm>>
        %dma_wait3A_50 = arith.constant 0 : i32
        %dma_wait3A_51 = tpu.memref_slice %arg2[%add3A, %mul3A_30, %dma_wait3A_50] : memref<32x80x128xi32, #tpu.memory_space<hbm>> -> memref<1x16x128xi32, #tpu.memory_space<hbm>>
        %dma_wait3A_52 = tpu.memref_squeeze %dma_wait3A_51 : memref<1x16x128xi32, #tpu.memory_space<hbm>> -> memref<16x128xi32, #tpu.memory_space<hbm>>
        tpu.wait_dma2 semaphore(%run_scoped3A : memref<!tpu.dma_semaphore, #tpu.memory_space<semaphore_mem>>) src(%dma_wait3A_52 : memref<16x128xi32, #tpu.memory_space<hbm>>) dst(%arg7 : memref<16x128xi32, #tpu.memory_space<vmem>>)
        tpu.yield
      }) : () -> ()
      %mul3A_31 = arith.constant 16 : i32
      %mul3A_32 = arith.muli %scan3A_27, %mul3A_31 : i32
      "tpu.region"() ({
        %run_scoped3A = tpu.sem_alloc : memref<!tpu.dma_semaphore, #tpu.memory_space<semaphore_mem>>
        %dma_start3A = arith.constant 0 : i32
        %dma_start3A_43 = tpu.memref_slice %arg3[%add3A, %mul3A_32, %dma_start3A] : memref<32x80x128xi32, #tpu.memory_space<hbm>> -> memref<1x16x128xi32, #tpu.memory_space<hbm>>
        %dma_start3A_44 = tpu.memref_squeeze %dma_start3A_43 : memref<1x16x128xi32, #tpu.memory_space<hbm>> -> memref<16x128xi32, #tpu.memory_space<hbm>>
        %dma_start3A_45 = arith.constant 0 : i32
        %dma_start3A_46 = tpu.memref_slice %arg3[%add3A, %mul3A_32, %dma_start3A_45] : memref<32x80x128xi32, #tpu.memory_space<hbm>> -> memref<1x16x128xi32, #tpu.memory_space<hbm>>
        %dma_start3A_47 = tpu.memref_squeeze %dma_start3A_46 : memref<1x16x128xi32, #tpu.memory_space<hbm>> -> memref<16x128xi32, #tpu.memory_space<hbm>>
        tpu.enqueue_dma source(%dma_start3A_47 : memref<16x128xi32, #tpu.memory_space<hbm>>) target(%arg8 : memref<16x128xi32, #tpu.memory_space<vmem>>) target_semaphore(%run_scoped3A : memref<!tpu.dma_semaphore, #tpu.memory_space<semaphore_mem>>)
        %dma_wait3A = arith.constant 0 : i32
        %dma_wait3A_48 = tpu.memref_slice %arg3[%add3A, %mul3A_32, %dma_wait3A] : memref<32x80x128xi32, #tpu.memory_space<hbm>> -> memref<1x16x128xi32, #tpu.memory_space<hbm>>
        %dma_wait3A_49 = tpu.memref_squeeze %dma_wait3A_48 : memref<1x16x128xi32, #tpu.memory_space<hbm>> -> memref<16x128xi32, #tpu.memory_space<hbm>>
        %dma_wait3A_50 = arith.constant 0 : i32
        %dma_wait3A_51 = tpu.memref_slice %arg3[%add3A, %mul3A_32, %dma_wait3A_50] : memref<32x80x128xi32, #tpu.memory_space<hbm>> -> memref<1x16x128xi32, #tpu.memory_space<hbm>>
        %dma_wait3A_52 = tpu.memref_squeeze %dma_wait3A_51 : memref<1x16x128xi32, #tpu.memory_space<hbm>> -> memref<16x128xi32, #tpu.memory_space<hbm>>
        tpu.wait_dma2 semaphore(%run_scoped3A : memref<!tpu.dma_semaphore, #tpu.memory_space<semaphore_mem>>) src(%dma_wait3A_52 : memref<16x128xi32, #tpu.memory_space<hbm>>) dst(%arg8 : memref<16x128xi32, #tpu.memory_space<vmem>>)
        tpu.yield
      }) : () -> ()
      %mul3A_33 = arith.constant 16 : i32
      %mul3A_34 = arith.muli %scan3A_27, %mul3A_33 : i32
      "tpu.region"() ({
        %run_scoped3A = tpu.sem_alloc : memref<!tpu.dma_semaphore, #tpu.memory_space<semaphore_mem>>
        %dma_start3A = arith.constant 0 : i32
        %dma_start3A_43 = tpu.memref_slice %arg4[%add3A, %mul3A_34, %dma_start3A] : memref<32x80x128xf32, #tpu.memory_space<hbm>> -> memref<1x16x128xf32, #tpu.memory_space<hbm>>
        %dma_start3A_44 = tpu.memref_squeeze %dma_start3A_43 : memref<1x16x128xf32, #tpu.memory_space<hbm>> -> memref<16x128xf32, #tpu.memory_space<hbm>>
        %dma_start3A_45 = arith.constant 0 : i32
        %dma_start3A_46 = tpu.memref_slice %arg4[%add3A, %mul3A_34, %dma_start3A_45] : memref<32x80x128xf32, #tpu.memory_space<hbm>> -> memref<1x16x128xf32, #tpu.memory_space<hbm>>
        %dma_start3A_47 = tpu.memref_squeeze %dma_start3A_46 : memref<1x16x128xf32, #tpu.memory_space<hbm>> -> memref<16x128xf32, #tpu.memory_space<hbm>>
        tpu.enqueue_dma source(%dma_start3A_47 : memref<16x128xf32, #tpu.memory_space<hbm>>) target(%arg9 : memref<16x128xf32, #tpu.memory_space<vmem>>) target_semaphore(%run_scoped3A : memref<!tpu.dma_semaphore, #tpu.memory_space<semaphore_mem>>)
        %dma_wait3A = arith.constant 0 : i32
        %dma_wait3A_48 = tpu.memref_slice %arg4[%add3A, %mul3A_34, %dma_wait3A] : memref<32x80x128xf32, #tpu.memory_space<hbm>> -> memref<1x16x128xf32, #tpu.memory_space<hbm>>
        %dma_wait3A_49 = tpu.memref_squeeze %dma_wait3A_48 : memref<1x16x128xf32, #tpu.memory_space<hbm>> -> memref<16x128xf32, #tpu.memory_space<hbm>>
        %dma_wait3A_50 = arith.constant 0 : i32
        %dma_wait3A_51 = tpu.memref_slice %arg4[%add3A, %mul3A_34, %dma_wait3A_50] : memref<32x80x128xf32, #tpu.memory_space<hbm>> -> memref<1x16x128xf32, #tpu.memory_space<hbm>>
        %dma_wait3A_52 = tpu.memref_squeeze %dma_wait3A_51 : memref<1x16x128xf32, #tpu.memory_space<hbm>> -> memref<16x128xf32, #tpu.memory_space<hbm>>
        tpu.wait_dma2 semaphore(%run_scoped3A : memref<!tpu.dma_semaphore, #tpu.memory_space<semaphore_mem>>) src(%dma_wait3A_52 : memref<16x128xf32, #tpu.memory_space<hbm>>) dst(%arg9 : memref<16x128xf32, #tpu.memory_space<vmem>>)
        tpu.yield
      }) : () -> ()
      %scan3A_35 = arith.constant 0 : i32
      %scan3A_36 = arith.constant 0 : i32
      %scan3A_37 = arith.constant 16 : i32
      %scan3A_38 = arith.addi %scan3A_36, %scan3A_37 : i32
      %scan3A_39 = arith.constant 1 : i32
      %scan3A_40 = scf.for %scan3A_43 = %scan3A_36 to %scan3A_38 step %scan3A_39 iter_args(%scan3A_44 = %scan3A_35) -> (i32)  : i32 {
        %dma_start3A = arith.constant 0 : i32
        %dma_start3A_45 = tpu.memref_slice %arg7[%scan3A_43, %dma_start3A] : memref<16x128xi32, #tpu.memory_space<vmem>> -> memref<1x128xi32, #tpu.memory_space<vmem>>
        %dma_start3A_46 = tpu.memref_squeeze %dma_start3A_45 : memref<1x128xi32, #tpu.memory_space<vmem>> -> memref<128xi32, #tpu.memory_space<vmem>>
        %dma_start3A_47 = arith.constant 0 : i32
        %dma_start3A_48 = arith.constant 0 : i32
        %dma_start3A_49 = tpu.memref_slice %arg5[%dma_start3A_47, %dma_start3A_48] : memref<10240x128xf32, #tpu.memory_space<hbm>> -> memref<10240x128xf32, #tpu.memory_space<hbm>>
        tpu.enqueue_indirect_dma source(%dma_start3A_49 : memref<10240x128xf32, #tpu.memory_space<hbm>>) target(%arg10 : memref<128x128xf32, #tpu.memory_space<vmem>>) offsets(%dma_start3A_46 : memref<128xi32, #tpu.memory_space<vmem>>) semaphore(%arg12 : memref<!tpu.dma_semaphore, #tpu.memory_space<semaphore_mem>>)
        %dma_wait3A = arith.constant 0 : i32
        %dma_wait3A_50 = tpu.memref_slice %arg7[%scan3A_43, %dma_wait3A] : memref<16x128xi32, #tpu.memory_space<vmem>> -> memref<1x128xi32, #tpu.memory_space<vmem>>
        %dma_wait3A_51 = tpu.memref_squeeze %dma_wait3A_50 : memref<1x128xi32, #tpu.memory_space<vmem>> -> memref<128xi32, #tpu.memory_space<vmem>>
        %dma_wait3A_52 = arith.constant 0 : i32
        %dma_wait3A_53 = arith.constant 0 : i32
        %dma_wait3A_54 = tpu.memref_slice %arg5[%dma_wait3A_52, %dma_wait3A_53] : memref<10240x128xf32, #tpu.memory_space<hbm>> -> memref<10240x128xf32, #tpu.memory_space<hbm>>
        tpu.wait_indirect_dma semaphore(%arg12 : memref<!tpu.dma_semaphore, #tpu.memory_space<semaphore_mem>>) src(%dma_wait3A_54 : memref<10240x128xf32, #tpu.memory_space<hbm>>) dst(%arg10 : memref<128x128xf32, #tpu.memory_space<vmem>>)
        %scan3A_55 = arith.constant 0 : i32
        %scan3A_56 = arith.constant 0 : i32
        %scan3A_57 = arith.constant 128 : i32
        %scan3A_58 = arith.addi %scan3A_56, %scan3A_57 : i32
        %scan3A_59 = arith.constant 1 : i32
        %scan3A_60 = scf.for %scan3A_63 = %scan3A_56 to %scan3A_58 step %scan3A_59 iter_args(%scan3A_64 = %scan3A_55) -> (i32)  : i32 {
          %broadcast_in_dim3A_65 = vector.broadcast %scan3A_43 : i32 to vector<16xi32>
          %broadcast_in_dim3A_66 = vector.broadcast %scan3A_63 : i32 to vector<16xi32>
          %gather3A = tpu.vector_load_idx %arg9[%broadcast_in_dim3A_65, %broadcast_in_dim3A_66] : memref<16x128xf32, #tpu.memory_space<vmem>>[vector<16xi32>, vector<16xi32>], vector<16xf32>,
          %get3A = arith.index_cast %scan3A_63 : i32 to index
          %get3A_67 = arith.constant 0 : index
          %get3A_68 = tpu.vector_load %arg10[%get3A, %get3A_67] {strides = array<i32>} : memref<128x128xf32, #tpu.memory_space<vmem>>, vector<16xf32>,
          %mul3A_69 = arith.mulf %get3A_68, %gather3A : vector<16xf32>
          %swap3A = arith.index_cast %scan3A_63 : i32 to index
          %swap3A_70 = arith.constant 0 : index
          %swap3A_71 = tpu.vector_load %arg10[%swap3A, %swap3A_70] {strides = array<i32>} : memref<128x128xf32, #tpu.memory_space<vmem>>, vector<16xf32>,
          tpu.vector_store %arg10[%swap3A, %swap3A_70], %mul3A_69 {strides = array<i32>} : memref<128x128xf32, #tpu.memory_space<vmem>>, vector<16xf32>,
          %get3A_72 = arith.index_cast %scan3A_63 : i32 to index
          %get3A_73 = arith.constant 16 : index
          %get3A_74 = tpu.vector_load %arg10[%get3A_72, %get3A_73] {strides = array<i32>} : memref<128x128xf32, #tpu.memory_space<vmem>>, vector<16xf32>,
          %mul3A_75 = arith.mulf %get3A_74, %gather3A : vector<16xf32>
          %swap3A_76 = arith.index_cast %scan3A_63 : i32 to index
          %swap3A_77 = arith.constant 16 : index
          %swap3A_78 = tpu.vector_load %arg10[%swap3A_76, %swap3A_77] {strides = array<i32>} : memref<128x128xf32, #tpu.memory_space<vmem>>, vector<16xf32>,
          tpu.vector_store %arg10[%swap3A_76, %swap3A_77], %mul3A_75 {strides = array<i32>} : memref<128x128xf32, #tpu.memory_space<vmem>>, vector<16xf32>,
          %get3A_79 = arith.index_cast %scan3A_63 : i32 to index
          %get3A_80 = arith.constant 32 : index
          %get3A_81 = tpu.vector_load %arg10[%get3A_79, %get3A_80] {strides = array<i32>} : memref<128x128xf32, #tpu.memory_space<vmem>>, vector<16xf32>,
          %mul3A_82 = arith.mulf %get3A_81, %gather3A : vector<16xf32>
          %swap3A_83 = arith.index_cast %scan3A_63 : i32 to index
          %swap3A_84 = arith.constant 32 : index
          %swap3A_85 = tpu.vector_load %arg10[%swap3A_83, %swap3A_84] {strides = array<i32>} : memref<128x128xf32, #tpu.memory_space<vmem>>, vector<16xf32>,
          tpu.vector_store %arg10[%swap3A_83, %swap3A_84], %mul3A_82 {strides = array<i32>} : memref<128x128xf32, #tpu.memory_space<vmem>>, vector<16xf32>,
          %get3A_86 = arith.index_cast %scan3A_63 : i32 to index
          %get3A_87 = arith.constant 48 : index
          %get3A_88 = tpu.vector_load %arg10[%get3A_86, %get3A_87] {strides = array<i32>} : memref<128x128xf32, #tpu.memory_space<vmem>>, vector<16xf32>,
          %mul3A_89 = arith.mulf %get3A_88, %gather3A : vector<16xf32>
          %swap3A_90 = arith.index_cast %scan3A_63 : i32 to index
          %swap3A_91 = arith.constant 48 : index
          %swap3A_92 = tpu.vector_load %arg10[%swap3A_90, %swap3A_91] {strides = array<i32>} : memref<128x128xf32, #tpu.memory_space<vmem>>, vector<16xf32>,
          tpu.vector_store %arg10[%swap3A_90, %swap3A_91], %mul3A_89 {strides = array<i32>} : memref<128x128xf32, #tpu.memory_space<vmem>>, vector<16xf32>,
          %get3A_93 = arith.index_cast %scan3A_63 : i32 to index
          %get3A_94 = arith.constant 64 : index
          %get3A_95 = tpu.vector_load %arg10[%get3A_93, %get3A_94] {strides = array<i32>} : memref<128x128xf32, #tpu.memory_space<vmem>>, vector<16xf32>,
          %mul3A_96 = arith.mulf %get3A_95, %gather3A : vector<16xf32>
          %swap3A_97 = arith.index_cast %scan3A_63 : i32 to index
          %swap3A_98 = arith.constant 64 : index
          %swap3A_99 = tpu.vector_load %arg10[%swap3A_97, %swap3A_98] {strides = array<i32>} : memref<128x128xf32, #tpu.memory_space<vmem>>, vector<16xf32>,
          tpu.vector_store %arg10[%swap3A_97, %swap3A_98], %mul3A_96 {strides = array<i32>} : memref<128x128xf32, #tpu.memory_space<vmem>>, vector<16xf32>,
          %get3A_100 = arith.index_cast %scan3A_63 : i32 to index
          %get3A_101 = arith.constant 80 : index
          %get3A_102 = tpu.vector_load %arg10[%get3A_100, %get3A_101] {strides = array<i32>} : memref<128x128xf32, #tpu.memory_space<vmem>>, vector<16xf32>,
          %mul3A_103 = arith.mulf %get3A_102, %gather3A : vector<16xf32>
          %swap3A_104 = arith.index_cast %scan3A_63 : i32 to index
          %swap3A_105 = arith.constant 80 : index
          %swap3A_106 = tpu.vector_load %arg10[%swap3A_104, %swap3A_105] {strides = array<i32>} : memref<128x128xf32, #tpu.memory_space<vmem>>, vector<16xf32>,
          tpu.vector_store %arg10[%swap3A_104, %swap3A_105], %mul3A_103 {strides = array<i32>} : memref<128x128xf32, #tpu.memory_space<vmem>>, vector<16xf32>,
          %get3A_107 = arith.index_cast %scan3A_63 : i32 to index
          %get3A_108 = arith.constant 96 : index
          %get3A_109 = tpu.vector_load %arg10[%get3A_107, %get3A_108] {strides = array<i32>} : memref<128x128xf32, #tpu.memory_space<vmem>>, vector<16xf32>,
          %mul3A_110 = arith.mulf %get3A_109, %gather3A : vector<16xf32>
          %swap3A_111 = arith.index_cast %scan3A_63 : i32 to index
          %swap3A_112 = arith.constant 96 : index
          %swap3A_113 = tpu.vector_load %arg10[%swap3A_111, %swap3A_112] {strides = array<i32>} : memref<128x128xf32, #tpu.memory_space<vmem>>, vector<16xf32>,
          tpu.vector_store %arg10[%swap3A_111, %swap3A_112], %mul3A_110 {strides = array<i32>} : memref<128x128xf32, #tpu.memory_space<vmem>>, vector<16xf32>,
          %get3A_114 = arith.index_cast %scan3A_63 : i32 to index
          %get3A_115 = arith.constant 112 : index
          %get3A_116 = tpu.vector_load %arg10[%get3A_114, %get3A_115] {strides = array<i32>} : memref<128x128xf32, #tpu.memory_space<vmem>>, vector<16xf32>,
          %mul3A_117 = arith.mulf %get3A_116, %gather3A : vector<16xf32>
          %swap3A_118 = arith.index_cast %scan3A_63 : i32 to index
          %swap3A_119 = arith.constant 112 : index
          %swap3A_120 = tpu.vector_load %arg10[%swap3A_118, %swap3A_119] {strides = array<i32>} : memref<128x128xf32, #tpu.memory_space<vmem>>, vector<16xf32>,
          tpu.vector_store %arg10[%swap3A_118, %swap3A_119], %mul3A_117 {strides = array<i32>} : memref<128x128xf32, #tpu.memory_space<vmem>>, vector<16xf32>,
          %scan3A_121 = arith.constant 0 : i32
          scf.yield %scan3A_121 : i32
        }
        %scan3A_61 = arith.constant 128 : i32
        "tpu.region"() ({
          %run_scoped3A = tpu.sem_alloc : memref<!tpu.dma_semaphore, #tpu.memory_space<semaphore_mem>>
          %dma_start3A_63 = arith.constant 0 : i32
          %dma_start3A_64 = tpu.memref_slice %arg8[%scan3A_43, %dma_start3A_63] : memref<16x128xi32, #tpu.memory_space<vmem>> -> memref<1x128xi32, #tpu.memory_space<vmem>>
          %dma_start3A_65 = tpu.memref_squeeze %dma_start3A_64 : memref<1x128xi32, #tpu.memory_space<vmem>> -> memref<128xi32, #tpu.memory_space<vmem>>
          %dma_start3A_66 = arith.constant 0 : i32
          %dma_start3A_67 = arith.constant 0 : i32
          %dma_start3A_68 = tpu.memref_slice %arg11[%dma_start3A_66, %dma_start3A_67] : memref<10240x128xf32, #tpu.memory_space<vmem_shared>> -> memref<10240x128xf32, #tpu.memory_space<vmem_shared>>
          tpu.enqueue_indirect_dma source(%arg10 : memref<128x128xf32, #tpu.memory_space<vmem>>) target(%dma_start3A_68 : memref<10240x128xf32, #tpu.memory_space<vmem_shared>>) offsets(%dma_start3A_65 : memref<128xi32, #tpu.memory_space<vmem>>) semaphore(%run_scoped3A : memref<!tpu.dma_semaphore, #tpu.memory_space<semaphore_mem>>) {add = true}
          %dma_wait3A_69 = arith.constant 0 : i32
          %dma_wait3A_70 = tpu.memref_slice %arg8[%scan3A_43, %dma_wait3A_69] : memref<16x128xi32, #tpu.memory_space<vmem>> -> memref<1x128xi32, #tpu.memory_space<vmem>>
          %dma_wait3A_71 = tpu.memref_squeeze %dma_wait3A_70 : memref<1x128xi32, #tpu.memory_space<vmem>> -> memref<128xi32, #tpu.memory_space<vmem>>
          %dma_wait3A_72 = arith.constant 0 : i32
          %dma_wait3A_73 = arith.constant 0 : i32
          %dma_wait3A_74 = tpu.memref_slice %arg11[%dma_wait3A_72, %dma_wait3A_73] : memref<10240x128xf32, #tpu.memory_space<vmem_shared>> -> memref<10240x128xf32, #tpu.memory_space<vmem_shared>>
          tpu.wait_indirect_dma semaphore(%run_scoped3A : memref<!tpu.dma_semaphore, #tpu.memory_space<semaphore_mem>>) src(%arg10 : memref<128x128xf32, #tpu.memory_space<vmem>>) dst(%dma_wait3A_74 : memref<10240x128xf32, #tpu.memory_space<vmem_shared>>)
          tpu.yield
        }) : () -> ()
        %scan3A_62 = arith.constant 0 : i32
        scf.yield %scan3A_62 : i32
      }
      %scan3A_41 = arith.constant 16 : i32
      %scan3A_42 = arith.constant 0 : i32
      scf.yield %scan3A_42 : i32
    }
    %scan3A_21 = arith.constant 5 : i32
    %barrier3A_22 = arith.constant 0 : index
    tpu.barrier barrier_id(%barrier3A_22)
    %mul3A_23 = arith.constant 640 : i32
    %mul3A_24 = arith.muli %arg1, %mul3A_23 : i32
    %mul3A_25 = arith.constant 640 : i32
    %mul3A_26 = arith.muli %arg1, %mul3A_25 : i32
    "tpu.region"() ({
      %run_scoped3A = tpu.sem_alloc : memref<!tpu.dma_semaphore, #tpu.memory_space<semaphore_mem>>
      %dma_start3A = arith.constant 0 : i32
      %dma_start3A_27 = tpu.memref_slice %arg6[%arg0, %mul3A_26, %dma_start3A] : memref<2x10240x128xf32, #tpu.memory_space<hbm>> -> memref<1x640x128xf32, #tpu.memory_space<hbm>>
      %dma_start3A_28 = tpu.memref_squeeze %dma_start3A_27 : memref<1x640x128xf32, #tpu.memory_space<hbm>> -> memref<640x128xf32, #tpu.memory_space<hbm>>
      %dma_start3A_29 = arith.constant 0 : i32
      %dma_start3A_30 = tpu.memref_slice %arg11[%mul3A_24, %dma_start3A_29] : memref<10240x128xf32, #tpu.memory_space<vmem_shared>> -> memref<640x128xf32, #tpu.memory_space<vmem_shared>>
      tpu.enqueue_dma source(%dma_start3A_30 : memref<640x128xf32, #tpu.memory_space<vmem_shared>>) target(%dma_start3A_28 : memref<640x128xf32, #tpu.memory_space<hbm>>) target_semaphore(%run_scoped3A : memref<!tpu.dma_semaphore, #tpu.memory_space<semaphore_mem>>)
      %dma_wait3A = arith.constant 0 : i32
      %dma_wait3A_31 = tpu.memref_slice %arg6[%arg0, %mul3A_26, %dma_wait3A] : memref<2x10240x128xf32, #tpu.memory_space<hbm>> -> memref<1x640x128xf32, #tpu.memory_space<hbm>>
      %dma_wait3A_32 = tpu.memref_squeeze %dma_wait3A_31 : memref<1x640x128xf32, #tpu.memory_space<hbm>> -> memref<640x128xf32, #tpu.memory_space<hbm>>
      %dma_wait3A_33 = arith.constant 0 : i32
      %dma_wait3A_34 = tpu.memref_slice %arg11[%mul3A_24, %dma_wait3A_33] : memref<10240x128xf32, #tpu.memory_space<vmem_shared>> -> memref<640x128xf32, #tpu.memory_space<vmem_shared>>
      tpu.wait_dma2 semaphore(%run_scoped3A : memref<!tpu.dma_semaphore, #tpu.memory_space<semaphore_mem>>) src(%dma_wait3A_34 : memref<640x128xf32, #tpu.memory_space<vmem_shared>>) dst(%dma_wait3A_32 : memref<640x128xf32, #tpu.memory_space<hbm>>)
      tpu.yield
    }) : () -> ()
    return
  }
}

#map = affine_map<(d0, d1) -> (0, 0, 0)>
#map1 = affine_map<(d0, d1) -> (0, 0)>
module attributes {stable_mosaic.version = 14 : i64} {
  func.func @_sc_edge_weights(%arg0: i32, %arg1: i32, %arg2: memref<32x80x128xi32, #tpu.memory_space<hbm>>, %arg3: memref<32x80x128xi32, #tpu.memory_space<hbm>>, %arg4: memref<8x10240xf32, #tpu.memory_space<hbm>>, %arg5: memref<32x80x128xf32, #tpu.memory_space<hbm>>, %arg6: memref<32x10240xf32, #tpu.memory_space<hbm>>, %arg7: memref<10240xf32, #tpu.memory_space<vmem>>, %arg8: memref<10240xf32, #tpu.memory_space<vmem>>, %arg9: memref<80x128xf32, #tpu.memory_space<vmem>>, %arg10: memref<10240xf32, #tpu.memory_space<vmem>>, %arg11: memref<80x128xi32, #tpu.memory_space<vmem>>, %arg12: memref<80x128xi32, #tpu.memory_space<vmem>>) attributes {dimension_semantics = [#tpu.dimension_semantics<core_parallel>, #tpu.dimension_semantics<subcore_parallel>], iteration_bounds = array<i64: 2, 16>, scalar_prefetch = 0 : i64, scratch_operands = 6 : i64, tpu.core_type = #tpu.core_type<sc_vector_subcore>, window_params = [{transform_indices = #map}, {transform_indices = #map}, {transform_indices = #map1}, {transform_indices = #map}, {transform_indices = #map1}]} {
    %mul3A = arith.constant 16 : i32
    %mul3A_0 = arith.muli %arg0, %mul3A : i32
    %add3A = arith.addi %mul3A_0, %arg1 : i32
    %broadcast_in_dim3A = arith.constant 0.000000e+00 : f32
    %broadcast_in_dim3A_1 = vector.broadcast %broadcast_in_dim3A : f32 to vector<16xf32>
    %scan3A = arith.constant 0 : i32
    %scan3A_2 = arith.constant 0 : i32
    %scan3A_3 = arith.constant 640 : i32
    %scan3A_4 = arith.addi %scan3A_2, %scan3A_3 : i32
    %scan3A_5 = arith.constant 1 : i32
    %scan3A_6 = scf.for %scan3A_16 = %scan3A_2 to %scan3A_4 step %scan3A_5 iter_args(%scan3A_17 = %scan3A) -> (i32)  : i32 {
      %mul3A_18 = arith.constant 16 : i32
      %mul3A_19 = arith.muli %scan3A_16, %mul3A_18 : i32
      %swap3A = arith.index_cast %mul3A_19 : i32 to index
      %swap3A_20 = tpu.vector_load %arg10[%swap3A] {strides = array<i32>} : memref<10240xf32, #tpu.memory_space<vmem>>, vector<16xf32>,
      tpu.vector_store %arg10[%swap3A], %broadcast_in_dim3A_1 {strides = array<i32>} : memref<10240xf32, #tpu.memory_space<vmem>>, vector<16xf32>,
      %scan3A_21 = arith.constant 0 : i32
      scf.yield %scan3A_21 : i32
    }
    %scan3A_7 = arith.constant 640 : i32
    %run_scoped3A = arith.constant 0 : i32
    "tpu.region"() ({
      %run_scoped3A_16 = tpu.sem_alloc : memref<!tpu.dma_semaphore, #tpu.memory_space<semaphore_mem>>
      %dma_start3A = arith.constant 0 : i32
      %dma_start3A_17 = tpu.memref_slice %arg4[%run_scoped3A, %dma_start3A] : memref<8x10240xf32, #tpu.memory_space<hbm>> -> memref<1x10240xf32, #tpu.memory_space<hbm>>
      %dma_start3A_18 = tpu.memref_squeeze %dma_start3A_17 : memref<1x10240xf32, #tpu.memory_space<hbm>> -> memref<10240xf32, #tpu.memory_space<hbm>>
      %dma_start3A_19 = arith.constant 0 : i32
      %dma_start3A_20 = tpu.memref_slice %arg4[%run_scoped3A, %dma_start3A_19] : memref<8x10240xf32, #tpu.memory_space<hbm>> -> memref<1x10240xf32, #tpu.memory_space<hbm>>
      %dma_start3A_21 = tpu.memref_squeeze %dma_start3A_20 : memref<1x10240xf32, #tpu.memory_space<hbm>> -> memref<10240xf32, #tpu.memory_space<hbm>>
      tpu.enqueue_dma source(%dma_start3A_21 : memref<10240xf32, #tpu.memory_space<hbm>>) target(%arg7 : memref<10240xf32, #tpu.memory_space<vmem>>) target_semaphore(%run_scoped3A_16 : memref<!tpu.dma_semaphore, #tpu.memory_space<semaphore_mem>>)
      %dma_wait3A = arith.constant 0 : i32
      %dma_wait3A_22 = tpu.memref_slice %arg4[%run_scoped3A, %dma_wait3A] : memref<8x10240xf32, #tpu.memory_space<hbm>> -> memref<1x10240xf32, #tpu.memory_space<hbm>>
      %dma_wait3A_23 = tpu.memref_squeeze %dma_wait3A_22 : memref<1x10240xf32, #tpu.memory_space<hbm>> -> memref<10240xf32, #tpu.memory_space<hbm>>
      %dma_wait3A_24 = arith.constant 0 : i32
      %dma_wait3A_25 = tpu.memref_slice %arg4[%run_scoped3A, %dma_wait3A_24] : memref<8x10240xf32, #tpu.memory_space<hbm>> -> memref<1x10240xf32, #tpu.memory_space<hbm>>
      %dma_wait3A_26 = tpu.memref_squeeze %dma_wait3A_25 : memref<1x10240xf32, #tpu.memory_space<hbm>> -> memref<10240xf32, #tpu.memory_space<hbm>>
      tpu.wait_dma2 semaphore(%run_scoped3A_16 : memref<!tpu.dma_semaphore, #tpu.memory_space<semaphore_mem>>) src(%dma_wait3A_26 : memref<10240xf32, #tpu.memory_space<hbm>>) dst(%arg7 : memref<10240xf32, #tpu.memory_space<vmem>>)
      tpu.yield
    }) : () -> ()
    %run_scoped3A_8 = arith.constant 1 : i32
    "tpu.region"() ({
      %run_scoped3A_16 = tpu.sem_alloc : memref<!tpu.dma_semaphore, #tpu.memory_space<semaphore_mem>>
      %dma_start3A = arith.constant 0 : i32
      %dma_start3A_17 = tpu.memref_slice %arg4[%run_scoped3A_8, %dma_start3A] : memref<8x10240xf32, #tpu.memory_space<hbm>> -> memref<1x10240xf32, #tpu.memory_space<hbm>>
      %dma_start3A_18 = tpu.memref_squeeze %dma_start3A_17 : memref<1x10240xf32, #tpu.memory_space<hbm>> -> memref<10240xf32, #tpu.memory_space<hbm>>
      %dma_start3A_19 = arith.constant 0 : i32
      %dma_start3A_20 = tpu.memref_slice %arg4[%run_scoped3A_8, %dma_start3A_19] : memref<8x10240xf32, #tpu.memory_space<hbm>> -> memref<1x10240xf32, #tpu.memory_space<hbm>>
      %dma_start3A_21 = tpu.memref_squeeze %dma_start3A_20 : memref<1x10240xf32, #tpu.memory_space<hbm>> -> memref<10240xf32, #tpu.memory_space<hbm>>
      tpu.enqueue_dma source(%dma_start3A_21 : memref<10240xf32, #tpu.memory_space<hbm>>) target(%arg8 : memref<10240xf32, #tpu.memory_space<vmem>>) target_semaphore(%run_scoped3A_16 : memref<!tpu.dma_semaphore, #tpu.memory_space<semaphore_mem>>)
      %dma_wait3A = arith.constant 0 : i32
      %dma_wait3A_22 = tpu.memref_slice %arg4[%run_scoped3A_8, %dma_wait3A] : memref<8x10240xf32, #tpu.memory_space<hbm>> -> memref<1x10240xf32, #tpu.memory_space<hbm>>
      %dma_wait3A_23 = tpu.memref_squeeze %dma_wait3A_22 : memref<1x10240xf32, #tpu.memory_space<hbm>> -> memref<10240xf32, #tpu.memory_space<hbm>>
      %dma_wait3A_24 = arith.constant 0 : i32
      %dma_wait3A_25 = tpu.memref_slice %arg4[%run_scoped3A_8, %dma_wait3A_24] : memref<8x10240xf32, #tpu.memory_space<hbm>> -> memref<1x10240xf32, #tpu.memory_space<hbm>>
      %dma_wait3A_26 = tpu.memref_squeeze %dma_wait3A_25 : memref<1x10240xf32, #tpu.memory_space<hbm>> -> memref<10240xf32, #tpu.memory_space<hbm>>
      tpu.wait_dma2 semaphore(%run_scoped3A_16 : memref<!tpu.dma_semaphore, #tpu.memory_space<semaphore_mem>>) src(%dma_wait3A_26 : memref<10240xf32, #tpu.memory_space<hbm>>) dst(%arg8 : memref<10240xf32, #tpu.memory_space<vmem>>)
      tpu.yield
    }) : () -> ()
    "tpu.region"() ({
      %run_scoped3A_16 = tpu.sem_alloc : memref<!tpu.dma_semaphore, #tpu.memory_space<semaphore_mem>>
      %dma_start3A = arith.constant 0 : i32
      %dma_start3A_17 = arith.constant 0 : i32
      %dma_start3A_18 = tpu.memref_slice %arg2[%add3A, %dma_start3A, %dma_start3A_17] : memref<32x80x128xi32, #tpu.memory_space<hbm>> -> memref<1x80x128xi32, #tpu.memory_space<hbm>>
      %dma_start3A_19 = tpu.memref_squeeze %dma_start3A_18 : memref<1x80x128xi32, #tpu.memory_space<hbm>> -> memref<80x128xi32, #tpu.memory_space<hbm>>
      %dma_start3A_20 = arith.constant 0 : i32
      %dma_start3A_21 = arith.constant 0 : i32
      %dma_start3A_22 = tpu.memref_slice %arg2[%add3A, %dma_start3A_20, %dma_start3A_21] : memref<32x80x128xi32, #tpu.memory_space<hbm>> -> memref<1x80x128xi32, #tpu.memory_space<hbm>>
      %dma_start3A_23 = tpu.memref_squeeze %dma_start3A_22 : memref<1x80x128xi32, #tpu.memory_space<hbm>> -> memref<80x128xi32, #tpu.memory_space<hbm>>
      tpu.enqueue_dma source(%dma_start3A_23 : memref<80x128xi32, #tpu.memory_space<hbm>>) target(%arg11 : memref<80x128xi32, #tpu.memory_space<vmem>>) target_semaphore(%run_scoped3A_16 : memref<!tpu.dma_semaphore, #tpu.memory_space<semaphore_mem>>)
      %dma_wait3A = arith.constant 0 : i32
      %dma_wait3A_24 = arith.constant 0 : i32
      %dma_wait3A_25 = tpu.memref_slice %arg2[%add3A, %dma_wait3A, %dma_wait3A_24] : memref<32x80x128xi32, #tpu.memory_space<hbm>> -> memref<1x80x128xi32, #tpu.memory_space<hbm>>
      %dma_wait3A_26 = tpu.memref_squeeze %dma_wait3A_25 : memref<1x80x128xi32, #tpu.memory_space<hbm>> -> memref<80x128xi32, #tpu.memory_space<hbm>>
      %dma_wait3A_27 = arith.constant 0 : i32
      %dma_wait3A_28 = arith.constant 0 : i32
      %dma_wait3A_29 = tpu.memref_slice %arg2[%add3A, %dma_wait3A_27, %dma_wait3A_28] : memref<32x80x128xi32, #tpu.memory_space<hbm>> -> memref<1x80x128xi32, #tpu.memory_space<hbm>>
      %dma_wait3A_30 = tpu.memref_squeeze %dma_wait3A_29 : memref<1x80x128xi32, #tpu.memory_space<hbm>> -> memref<80x128xi32, #tpu.memory_space<hbm>>
      tpu.wait_dma2 semaphore(%run_scoped3A_16 : memref<!tpu.dma_semaphore, #tpu.memory_space<semaphore_mem>>) src(%dma_wait3A_30 : memref<80x128xi32, #tpu.memory_space<hbm>>) dst(%arg11 : memref<80x128xi32, #tpu.memory_space<vmem>>)
      tpu.yield
    }) : () -> ()
    "tpu.region"() ({
      %run_scoped3A_16 = tpu.sem_alloc : memref<!tpu.dma_semaphore, #tpu.memory_space<semaphore_mem>>
      %dma_start3A = arith.constant 0 : i32
      %dma_start3A_17 = arith.constant 0 : i32
      %dma_start3A_18 = tpu.memref_slice %arg3[%add3A, %dma_start3A, %dma_start3A_17] : memref<32x80x128xi32, #tpu.memory_space<hbm>> -> memref<1x80x128xi32, #tpu.memory_space<hbm>>
      %dma_start3A_19 = tpu.memref_squeeze %dma_start3A_18 : memref<1x80x128xi32, #tpu.memory_space<hbm>> -> memref<80x128xi32, #tpu.memory_space<hbm>>
      %dma_start3A_20 = arith.constant 0 : i32
      %dma_start3A_21 = arith.constant 0 : i32
      %dma_start3A_22 = tpu.memref_slice %arg3[%add3A, %dma_start3A_20, %dma_start3A_21] : memref<32x80x128xi32, #tpu.memory_space<hbm>> -> memref<1x80x128xi32, #tpu.memory_space<hbm>>
      %dma_start3A_23 = tpu.memref_squeeze %dma_start3A_22 : memref<1x80x128xi32, #tpu.memory_space<hbm>> -> memref<80x128xi32, #tpu.memory_space<hbm>>
      tpu.enqueue_dma source(%dma_start3A_23 : memref<80x128xi32, #tpu.memory_space<hbm>>) target(%arg12 : memref<80x128xi32, #tpu.memory_space<vmem>>) target_semaphore(%run_scoped3A_16 : memref<!tpu.dma_semaphore, #tpu.memory_space<semaphore_mem>>)
      %dma_wait3A = arith.constant 0 : i32
      %dma_wait3A_24 = arith.constant 0 : i32
      %dma_wait3A_25 = tpu.memref_slice %arg3[%add3A, %dma_wait3A, %dma_wait3A_24] : memref<32x80x128xi32, #tpu.memory_space<hbm>> -> memref<1x80x128xi32, #tpu.memory_space<hbm>>
      %dma_wait3A_26 = tpu.memref_squeeze %dma_wait3A_25 : memref<1x80x128xi32, #tpu.memory_space<hbm>> -> memref<80x128xi32, #tpu.memory_space<hbm>>
      %dma_wait3A_27 = arith.constant 0 : i32
      %dma_wait3A_28 = arith.constant 0 : i32
      %dma_wait3A_29 = tpu.memref_slice %arg3[%add3A, %dma_wait3A_27, %dma_wait3A_28] : memref<32x80x128xi32, #tpu.memory_space<hbm>> -> memref<1x80x128xi32, #tpu.memory_space<hbm>>
      %dma_wait3A_30 = tpu.memref_squeeze %dma_wait3A_29 : memref<1x80x128xi32, #tpu.memory_space<hbm>> -> memref<80x128xi32, #tpu.memory_space<hbm>>
      tpu.wait_dma2 semaphore(%run_scoped3A_16 : memref<!tpu.dma_semaphore, #tpu.memory_space<semaphore_mem>>) src(%dma_wait3A_30 : memref<80x128xi32, #tpu.memory_space<hbm>>) dst(%arg12 : memref<80x128xi32, #tpu.memory_space<vmem>>)
      tpu.yield
    }) : () -> ()
    %scan3A_9 = arith.constant 0 : i32
    %scan3A_10 = arith.constant 0 : i32
    %scan3A_11 = arith.constant 80 : i32
    %scan3A_12 = arith.addi %scan3A_10, %scan3A_11 : i32
    %scan3A_13 = arith.constant 1 : i32
    %scan3A_14 = scf.for %scan3A_16 = %scan3A_10 to %scan3A_12 step %scan3A_13 iter_args(%scan3A_17 = %scan3A_9) -> (i32)  : i32 {
      %get3A = arith.index_cast %scan3A_16 : i32 to index
      %get3A_18 = arith.constant 0 : index
      %get3A_19 = tpu.vector_load %arg11[%get3A, %get3A_18] {strides = array<i32>} : memref<80x128xi32, #tpu.memory_space<vmem>>, vector<16xi32>,
      %get3A_20 = arith.index_cast %scan3A_16 : i32 to index
      %get3A_21 = arith.constant 0 : index
      %get3A_22 = tpu.vector_load %arg12[%get3A_20, %get3A_21] {strides = array<i32>} : memref<80x128xi32, #tpu.memory_space<vmem>>, vector<16xi32>,
      %gather3A = tpu.vector_load_idx %arg7[%get3A_19] : memref<10240xf32, #tpu.memory_space<vmem>>[vector<16xi32>], vector<16xf32>,
      %gather3A_23 = tpu.vector_load_idx %arg8[%get3A_22] : memref<10240xf32, #tpu.memory_space<vmem>>[vector<16xi32>], vector<16xf32>,
      %add3A_24 = arith.addf %gather3A, %gather3A_23 : vector<16xf32>
      %ge3A = arith.constant 0.000000e+00 : f32
      %ge3A_25 = vector.broadcast %ge3A : f32 to vector<16xf32>
      %ge3A_26 = arith.cmpf oge, %add3A_24, %ge3A_25 : vector<16xf32>
      %mul3A_27 = arith.constant 2.000000e-01 : f32
      %mul3A_28 = vector.broadcast %mul3A_27 : f32 to vector<16xf32>
      %mul3A_29 = arith.mulf %mul3A_28, %add3A_24 : vector<16xf32>
      %select_n3A = arith.select %ge3A_26, %add3A_24, %mul3A_29 : vector<16xi1>, vector<16xf32>
      %exp3A = math.exp %select_n3A : vector<16xf32>
      %swap3A = arith.index_cast %scan3A_16 : i32 to index
      %swap3A_30 = arith.constant 0 : index
      %swap3A_31 = tpu.vector_load %arg9[%swap3A, %swap3A_30] {strides = array<i32>} : memref<80x128xf32, #tpu.memory_space<vmem>>, vector<16xf32>,
      tpu.vector_store %arg9[%swap3A, %swap3A_30], %exp3A {strides = array<i32>} : memref<80x128xf32, #tpu.memory_space<vmem>>, vector<16xf32>,
      tpu.vector_store_idx %arg10[%get3A_22], %exp3A {add = true} : memref<10240xf32, #tpu.memory_space<vmem>>[vector<16xi32>], vector<16xf32>,
      %get3A_32 = arith.index_cast %scan3A_16 : i32 to index
      %get3A_33 = arith.constant 16 : index
      %get3A_34 = tpu.vector_load %arg11[%get3A_32, %get3A_33] {strides = array<i32>} : memref<80x128xi32, #tpu.memory_space<vmem>>, vector<16xi32>,
      %get3A_35 = arith.index_cast %scan3A_16 : i32 to index
      %get3A_36 = arith.constant 16 : index
      %get3A_37 = tpu.vector_load %arg12[%get3A_35, %get3A_36] {strides = array<i32>} : memref<80x128xi32, #tpu.memory_space<vmem>>, vector<16xi32>,
      %gather3A_38 = tpu.vector_load_idx %arg7[%get3A_34] : memref<10240xf32, #tpu.memory_space<vmem>>[vector<16xi32>], vector<16xf32>,
      %gather3A_39 = tpu.vector_load_idx %arg8[%get3A_37] : memref<10240xf32, #tpu.memory_space<vmem>>[vector<16xi32>], vector<16xf32>,
      %add3A_40 = arith.addf %gather3A_38, %gather3A_39 : vector<16xf32>
      %ge3A_41 = arith.constant 0.000000e+00 : f32
      %ge3A_42 = vector.broadcast %ge3A_41 : f32 to vector<16xf32>
      %ge3A_43 = arith.cmpf oge, %add3A_40, %ge3A_42 : vector<16xf32>
      %mul3A_44 = arith.constant 2.000000e-01 : f32
      %mul3A_45 = vector.broadcast %mul3A_44 : f32 to vector<16xf32>
      %mul3A_46 = arith.mulf %mul3A_45, %add3A_40 : vector<16xf32>
      %select_n3A_47 = arith.select %ge3A_43, %add3A_40, %mul3A_46 : vector<16xi1>, vector<16xf32>
      %exp3A_48 = math.exp %select_n3A_47 : vector<16xf32>
      %swap3A_49 = arith.index_cast %scan3A_16 : i32 to index
      %swap3A_50 = arith.constant 16 : index
      %swap3A_51 = tpu.vector_load %arg9[%swap3A_49, %swap3A_50] {strides = array<i32>} : memref<80x128xf32, #tpu.memory_space<vmem>>, vector<16xf32>,
      tpu.vector_store %arg9[%swap3A_49, %swap3A_50], %exp3A_48 {strides = array<i32>} : memref<80x128xf32, #tpu.memory_space<vmem>>, vector<16xf32>,
      tpu.vector_store_idx %arg10[%get3A_37], %exp3A_48 {add = true} : memref<10240xf32, #tpu.memory_space<vmem>>[vector<16xi32>], vector<16xf32>,
      %get3A_52 = arith.index_cast %scan3A_16 : i32 to index
      %get3A_53 = arith.constant 32 : index
      %get3A_54 = tpu.vector_load %arg11[%get3A_52, %get3A_53] {strides = array<i32>} : memref<80x128xi32, #tpu.memory_space<vmem>>, vector<16xi32>,
      %get3A_55 = arith.index_cast %scan3A_16 : i32 to index
      %get3A_56 = arith.constant 32 : index
      %get3A_57 = tpu.vector_load %arg12[%get3A_55, %get3A_56] {strides = array<i32>} : memref<80x128xi32, #tpu.memory_space<vmem>>, vector<16xi32>,
      %gather3A_58 = tpu.vector_load_idx %arg7[%get3A_54] : memref<10240xf32, #tpu.memory_space<vmem>>[vector<16xi32>], vector<16xf32>,
      %gather3A_59 = tpu.vector_load_idx %arg8[%get3A_57] : memref<10240xf32, #tpu.memory_space<vmem>>[vector<16xi32>], vector<16xf32>,
      %add3A_60 = arith.addf %gather3A_58, %gather3A_59 : vector<16xf32>
      %ge3A_61 = arith.constant 0.000000e+00 : f32
      %ge3A_62 = vector.broadcast %ge3A_61 : f32 to vector<16xf32>
      %ge3A_63 = arith.cmpf oge, %add3A_60, %ge3A_62 : vector<16xf32>
      %mul3A_64 = arith.constant 2.000000e-01 : f32
      %mul3A_65 = vector.broadcast %mul3A_64 : f32 to vector<16xf32>
      %mul3A_66 = arith.mulf %mul3A_65, %add3A_60 : vector<16xf32>
      %select_n3A_67 = arith.select %ge3A_63, %add3A_60, %mul3A_66 : vector<16xi1>, vector<16xf32>
      %exp3A_68 = math.exp %select_n3A_67 : vector<16xf32>
      %swap3A_69 = arith.index_cast %scan3A_16 : i32 to index
      %swap3A_70 = arith.constant 32 : index
      %swap3A_71 = tpu.vector_load %arg9[%swap3A_69, %swap3A_70] {strides = array<i32>} : memref<80x128xf32, #tpu.memory_space<vmem>>, vector<16xf32>,
      tpu.vector_store %arg9[%swap3A_69, %swap3A_70], %exp3A_68 {strides = array<i32>} : memref<80x128xf32, #tpu.memory_space<vmem>>, vector<16xf32>,
      tpu.vector_store_idx %arg10[%get3A_57], %exp3A_68 {add = true} : memref<10240xf32, #tpu.memory_space<vmem>>[vector<16xi32>], vector<16xf32>,
      %get3A_72 = arith.index_cast %scan3A_16 : i32 to index
      %get3A_73 = arith.constant 48 : index
      %get3A_74 = tpu.vector_load %arg11[%get3A_72, %get3A_73] {strides = array<i32>} : memref<80x128xi32, #tpu.memory_space<vmem>>, vector<16xi32>,
      %get3A_75 = arith.index_cast %scan3A_16 : i32 to index
      %get3A_76 = arith.constant 48 : index
      %get3A_77 = tpu.vector_load %arg12[%get3A_75, %get3A_76] {strides = array<i32>} : memref<80x128xi32, #tpu.memory_space<vmem>>, vector<16xi32>,
      %gather3A_78 = tpu.vector_load_idx %arg7[%get3A_74] : memref<10240xf32, #tpu.memory_space<vmem>>[vector<16xi32>], vector<16xf32>,
      %gather3A_79 = tpu.vector_load_idx %arg8[%get3A_77] : memref<10240xf32, #tpu.memory_space<vmem>>[vector<16xi32>], vector<16xf32>,
      %add3A_80 = arith.addf %gather3A_78, %gather3A_79 : vector<16xf32>
      %ge3A_81 = arith.constant 0.000000e+00 : f32
      %ge3A_82 = vector.broadcast %ge3A_81 : f32 to vector<16xf32>
      %ge3A_83 = arith.cmpf oge, %add3A_80, %ge3A_82 : vector<16xf32>
      %mul3A_84 = arith.constant 2.000000e-01 : f32
      %mul3A_85 = vector.broadcast %mul3A_84 : f32 to vector<16xf32>
      %mul3A_86 = arith.mulf %mul3A_85, %add3A_80 : vector<16xf32>
      %select_n3A_87 = arith.select %ge3A_83, %add3A_80, %mul3A_86 : vector<16xi1>, vector<16xf32>
      %exp3A_88 = math.exp %select_n3A_87 : vector<16xf32>
      %swap3A_89 = arith.index_cast %scan3A_16 : i32 to index
      %swap3A_90 = arith.constant 48 : index
      %swap3A_91 = tpu.vector_load %arg9[%swap3A_89, %swap3A_90] {strides = array<i32>} : memref<80x128xf32, #tpu.memory_space<vmem>>, vector<16xf32>,
      tpu.vector_store %arg9[%swap3A_89, %swap3A_90], %exp3A_88 {strides = array<i32>} : memref<80x128xf32, #tpu.memory_space<vmem>>, vector<16xf32>,
      tpu.vector_store_idx %arg10[%get3A_77], %exp3A_88 {add = true} : memref<10240xf32, #tpu.memory_space<vmem>>[vector<16xi32>], vector<16xf32>,
      %get3A_92 = arith.index_cast %scan3A_16 : i32 to index
      %get3A_93 = arith.constant 64 : index
      %get3A_94 = tpu.vector_load %arg11[%get3A_92, %get3A_93] {strides = array<i32>} : memref<80x128xi32, #tpu.memory_space<vmem>>, vector<16xi32>,
      %get3A_95 = arith.index_cast %scan3A_16 : i32 to index
      %get3A_96 = arith.constant 64 : index
      %get3A_97 = tpu.vector_load %arg12[%get3A_95, %get3A_96] {strides = array<i32>} : memref<80x128xi32, #tpu.memory_space<vmem>>, vector<16xi32>,
      %gather3A_98 = tpu.vector_load_idx %arg7[%get3A_94] : memref<10240xf32, #tpu.memory_space<vmem>>[vector<16xi32>], vector<16xf32>,
      %gather3A_99 = tpu.vector_load_idx %arg8[%get3A_97] : memref<10240xf32, #tpu.memory_space<vmem>>[vector<16xi32>], vector<16xf32>,
      %add3A_100 = arith.addf %gather3A_98, %gather3A_99 : vector<16xf32>
      %ge3A_101 = arith.constant 0.000000e+00 : f32
      %ge3A_102 = vector.broadcast %ge3A_101 : f32 to vector<16xf32>
      %ge3A_103 = arith.cmpf oge, %add3A_100, %ge3A_102 : vector<16xf32>
      %mul3A_104 = arith.constant 2.000000e-01 : f32
      %mul3A_105 = vector.broadcast %mul3A_104 : f32 to vector<16xf32>
      %mul3A_106 = arith.mulf %mul3A_105, %add3A_100 : vector<16xf32>
      %select_n3A_107 = arith.select %ge3A_103, %add3A_100, %mul3A_106 : vector<16xi1>, vector<16xf32>
      %exp3A_108 = math.exp %select_n3A_107 : vector<16xf32>
      %swap3A_109 = arith.index_cast %scan3A_16 : i32 to index
      %swap3A_110 = arith.constant 64 : index
      %swap3A_111 = tpu.vector_load %arg9[%swap3A_109, %swap3A_110] {strides = array<i32>} : memref<80x128xf32, #tpu.memory_space<vmem>>, vector<16xf32>,
      tpu.vector_store %arg9[%swap3A_109, %swap3A_110], %exp3A_108 {strides = array<i32>} : memref<80x128xf32, #tpu.memory_space<vmem>>, vector<16xf32>,
      tpu.vector_store_idx %arg10[%get3A_97], %exp3A_108 {add = true} : memref<10240xf32, #tpu.memory_space<vmem>>[vector<16xi32>], vector<16xf32>,
      %get3A_112 = arith.index_cast %scan3A_16 : i32 to index
      %get3A_113 = arith.constant 80 : index
      %get3A_114 = tpu.vector_load %arg11[%get3A_112, %get3A_113] {strides = array<i32>} : memref<80x128xi32, #tpu.memory_space<vmem>>, vector<16xi32>,
      %get3A_115 = arith.index_cast %scan3A_16 : i32 to index
      %get3A_116 = arith.constant 80 : index
      %get3A_117 = tpu.vector_load %arg12[%get3A_115, %get3A_116] {strides = array<i32>} : memref<80x128xi32, #tpu.memory_space<vmem>>, vector<16xi32>,
      %gather3A_118 = tpu.vector_load_idx %arg7[%get3A_114] : memref<10240xf32, #tpu.memory_space<vmem>>[vector<16xi32>], vector<16xf32>,
      %gather3A_119 = tpu.vector_load_idx %arg8[%get3A_117] : memref<10240xf32, #tpu.memory_space<vmem>>[vector<16xi32>], vector<16xf32>,
      %add3A_120 = arith.addf %gather3A_118, %gather3A_119 : vector<16xf32>
      %ge3A_121 = arith.constant 0.000000e+00 : f32
      %ge3A_122 = vector.broadcast %ge3A_121 : f32 to vector<16xf32>
      %ge3A_123 = arith.cmpf oge, %add3A_120, %ge3A_122 : vector<16xf32>
      %mul3A_124 = arith.constant 2.000000e-01 : f32
      %mul3A_125 = vector.broadcast %mul3A_124 : f32 to vector<16xf32>
      %mul3A_126 = arith.mulf %mul3A_125, %add3A_120 : vector<16xf32>
      %select_n3A_127 = arith.select %ge3A_123, %add3A_120, %mul3A_126 : vector<16xi1>, vector<16xf32>
      %exp3A_128 = math.exp %select_n3A_127 : vector<16xf32>
      %swap3A_129 = arith.index_cast %scan3A_16 : i32 to index
      %swap3A_130 = arith.constant 80 : index
      %swap3A_131 = tpu.vector_load %arg9[%swap3A_129, %swap3A_130] {strides = array<i32>} : memref<80x128xf32, #tpu.memory_space<vmem>>, vector<16xf32>,
      tpu.vector_store %arg9[%swap3A_129, %swap3A_130], %exp3A_128 {strides = array<i32>} : memref<80x128xf32, #tpu.memory_space<vmem>>, vector<16xf32>,
      tpu.vector_store_idx %arg10[%get3A_117], %exp3A_128 {add = true} : memref<10240xf32, #tpu.memory_space<vmem>>[vector<16xi32>], vector<16xf32>,
      %get3A_132 = arith.index_cast %scan3A_16 : i32 to index
      %get3A_133 = arith.constant 96 : index
      %get3A_134 = tpu.vector_load %arg11[%get3A_132, %get3A_133] {strides = array<i32>} : memref<80x128xi32, #tpu.memory_space<vmem>>, vector<16xi32>,
      %get3A_135 = arith.index_cast %scan3A_16 : i32 to index
      %get3A_136 = arith.constant 96 : index
      %get3A_137 = tpu.vector_load %arg12[%get3A_135, %get3A_136] {strides = array<i32>} : memref<80x128xi32, #tpu.memory_space<vmem>>, vector<16xi32>,
      %gather3A_138 = tpu.vector_load_idx %arg7[%get3A_134] : memref<10240xf32, #tpu.memory_space<vmem>>[vector<16xi32>], vector<16xf32>,
      %gather3A_139 = tpu.vector_load_idx %arg8[%get3A_137] : memref<10240xf32, #tpu.memory_space<vmem>>[vector<16xi32>], vector<16xf32>,
      %add3A_140 = arith.addf %gather3A_138, %gather3A_139 : vector<16xf32>
      %ge3A_141 = arith.constant 0.000000e+00 : f32
      %ge3A_142 = vector.broadcast %ge3A_141 : f32 to vector<16xf32>
      %ge3A_143 = arith.cmpf oge, %add3A_140, %ge3A_142 : vector<16xf32>
      %mul3A_144 = arith.constant 2.000000e-01 : f32
      %mul3A_145 = vector.broadcast %mul3A_144 : f32 to vector<16xf32>
      %mul3A_146 = arith.mulf %mul3A_145, %add3A_140 : vector<16xf32>
      %select_n3A_147 = arith.select %ge3A_143, %add3A_140, %mul3A_146 : vector<16xi1>, vector<16xf32>
      %exp3A_148 = math.exp %select_n3A_147 : vector<16xf32>
      %swap3A_149 = arith.index_cast %scan3A_16 : i32 to index
      %swap3A_150 = arith.constant 96 : index
      %swap3A_151 = tpu.vector_load %arg9[%swap3A_149, %swap3A_150] {strides = array<i32>} : memref<80x128xf32, #tpu.memory_space<vmem>>, vector<16xf32>,
      tpu.vector_store %arg9[%swap3A_149, %swap3A_150], %exp3A_148 {strides = array<i32>} : memref<80x128xf32, #tpu.memory_space<vmem>>, vector<16xf32>,
      tpu.vector_store_idx %arg10[%get3A_137], %exp3A_148 {add = true} : memref<10240xf32, #tpu.memory_space<vmem>>[vector<16xi32>], vector<16xf32>,
      %get3A_152 = arith.index_cast %scan3A_16 : i32 to index
      %get3A_153 = arith.constant 112 : index
      %get3A_154 = tpu.vector_load %arg11[%get3A_152, %get3A_153] {strides = array<i32>} : memref<80x128xi32, #tpu.memory_space<vmem>>, vector<16xi32>,
      %get3A_155 = arith.index_cast %scan3A_16 : i32 to index
      %get3A_156 = arith.constant 112 : index
      %get3A_157 = tpu.vector_load %arg12[%get3A_155, %get3A_156] {strides = array<i32>} : memref<80x128xi32, #tpu.memory_space<vmem>>, vector<16xi32>,
      %gather3A_158 = tpu.vector_load_idx %arg7[%get3A_154] : memref<10240xf32, #tpu.memory_space<vmem>>[vector<16xi32>], vector<16xf32>,
      %gather3A_159 = tpu.vector_load_idx %arg8[%get3A_157] : memref<10240xf32, #tpu.memory_space<vmem>>[vector<16xi32>], vector<16xf32>,
      %add3A_160 = arith.addf %gather3A_158, %gather3A_159 : vector<16xf32>
      %ge3A_161 = arith.constant 0.000000e+00 : f32
      %ge3A_162 = vector.broadcast %ge3A_161 : f32 to vector<16xf32>
      %ge3A_163 = arith.cmpf oge, %add3A_160, %ge3A_162 : vector<16xf32>
      %mul3A_164 = arith.constant 2.000000e-01 : f32
      %mul3A_165 = vector.broadcast %mul3A_164 : f32 to vector<16xf32>
      %mul3A_166 = arith.mulf %mul3A_165, %add3A_160 : vector<16xf32>
      %select_n3A_167 = arith.select %ge3A_163, %add3A_160, %mul3A_166 : vector<16xi1>, vector<16xf32>
      %exp3A_168 = math.exp %select_n3A_167 : vector<16xf32>
      %swap3A_169 = arith.index_cast %scan3A_16 : i32 to index
      %swap3A_170 = arith.constant 112 : index
      %swap3A_171 = tpu.vector_load %arg9[%swap3A_169, %swap3A_170] {strides = array<i32>} : memref<80x128xf32, #tpu.memory_space<vmem>>, vector<16xf32>,
      tpu.vector_store %arg9[%swap3A_169, %swap3A_170], %exp3A_168 {strides = array<i32>} : memref<80x128xf32, #tpu.memory_space<vmem>>, vector<16xf32>,
      tpu.vector_store_idx %arg10[%get3A_157], %exp3A_168 {add = true} : memref<10240xf32, #tpu.memory_space<vmem>>[vector<16xi32>], vector<16xf32>,
      %scan3A_172 = arith.constant 0 : i32
      scf.yield %scan3A_172 : i32
    }
    %scan3A_15 = arith.constant 80 : i32
    "tpu.region"() ({
      %run_scoped3A_16 = tpu.sem_alloc : memref<!tpu.dma_semaphore, #tpu.memory_space<semaphore_mem>>
      %dma_start3A = arith.constant 0 : i32
      %dma_start3A_17 = arith.constant 0 : i32
      %dma_start3A_18 = tpu.memref_slice %arg5[%add3A, %dma_start3A, %dma_start3A_17] : memref<32x80x128xf32, #tpu.memory_space<hbm>> -> memref<1x80x128xf32, #tpu.memory_space<hbm>>
      %dma_start3A_19 = tpu.memref_squeeze %dma_start3A_18 : memref<1x80x128xf32, #tpu.memory_space<hbm>> -> memref<80x128xf32, #tpu.memory_space<hbm>>
      %dma_start3A_20 = arith.constant 0 : i32
      %dma_start3A_21 = arith.constant 0 : i32
      %dma_start3A_22 = tpu.memref_slice %arg5[%add3A, %dma_start3A_20, %dma_start3A_21] : memref<32x80x128xf32, #tpu.memory_space<hbm>> -> memref<1x80x128xf32, #tpu.memory_space<hbm>>
      %dma_start3A_23 = tpu.memref_squeeze %dma_start3A_22 : memref<1x80x128xf32, #tpu.memory_space<hbm>> -> memref<80x128xf32, #tpu.memory_space<hbm>>
      tpu.enqueue_dma source(%arg9 : memref<80x128xf32, #tpu.memory_space<vmem>>) target(%dma_start3A_23 : memref<80x128xf32, #tpu.memory_space<hbm>>) target_semaphore(%run_scoped3A_16 : memref<!tpu.dma_semaphore, #tpu.memory_space<semaphore_mem>>)
      %dma_wait3A = arith.constant 0 : i32
      %dma_wait3A_24 = arith.constant 0 : i32
      %dma_wait3A_25 = tpu.memref_slice %arg5[%add3A, %dma_wait3A, %dma_wait3A_24] : memref<32x80x128xf32, #tpu.memory_space<hbm>> -> memref<1x80x128xf32, #tpu.memory_space<hbm>>
      %dma_wait3A_26 = tpu.memref_squeeze %dma_wait3A_25 : memref<1x80x128xf32, #tpu.memory_space<hbm>> -> memref<80x128xf32, #tpu.memory_space<hbm>>
      %dma_wait3A_27 = arith.constant 0 : i32
      %dma_wait3A_28 = arith.constant 0 : i32
      %dma_wait3A_29 = tpu.memref_slice %arg5[%add3A, %dma_wait3A_27, %dma_wait3A_28] : memref<32x80x128xf32, #tpu.memory_space<hbm>> -> memref<1x80x128xf32, #tpu.memory_space<hbm>>
      %dma_wait3A_30 = tpu.memref_squeeze %dma_wait3A_29 : memref<1x80x128xf32, #tpu.memory_space<hbm>> -> memref<80x128xf32, #tpu.memory_space<hbm>>
      tpu.wait_dma2 semaphore(%run_scoped3A_16 : memref<!tpu.dma_semaphore, #tpu.memory_space<semaphore_mem>>) src(%arg9 : memref<80x128xf32, #tpu.memory_space<vmem>>) dst(%dma_wait3A_30 : memref<80x128xf32, #tpu.memory_space<hbm>>)
      tpu.yield
    }) : () -> ()
    "tpu.region"() ({
      %run_scoped3A_16 = tpu.sem_alloc : memref<!tpu.dma_semaphore, #tpu.memory_space<semaphore_mem>>
      %dma_start3A = arith.constant 0 : i32
      %dma_start3A_17 = tpu.memref_slice %arg6[%add3A, %dma_start3A] : memref<32x10240xf32, #tpu.memory_space<hbm>> -> memref<1x10240xf32, #tpu.memory_space<hbm>>
      %dma_start3A_18 = tpu.memref_squeeze %dma_start3A_17 : memref<1x10240xf32, #tpu.memory_space<hbm>> -> memref<10240xf32, #tpu.memory_space<hbm>>
      %dma_start3A_19 = arith.constant 0 : i32
      %dma_start3A_20 = tpu.memref_slice %arg6[%add3A, %dma_start3A_19] : memref<32x10240xf32, #tpu.memory_space<hbm>> -> memref<1x10240xf32, #tpu.memory_space<hbm>>
      %dma_start3A_21 = tpu.memref_squeeze %dma_start3A_20 : memref<1x10240xf32, #tpu.memory_space<hbm>> -> memref<10240xf32, #tpu.memory_space<hbm>>
      tpu.enqueue_dma source(%arg10 : memref<10240xf32, #tpu.memory_space<vmem>>) target(%dma_start3A_21 : memref<10240xf32, #tpu.memory_space<hbm>>) target_semaphore(%run_scoped3A_16 : memref<!tpu.dma_semaphore, #tpu.memory_space<semaphore_mem>>)
      %dma_wait3A = arith.constant 0 : i32
      %dma_wait3A_22 = tpu.memref_slice %arg6[%add3A, %dma_wait3A] : memref<32x10240xf32, #tpu.memory_space<hbm>> -> memref<1x10240xf32, #tpu.memory_space<hbm>>
      %dma_wait3A_23 = tpu.memref_squeeze %dma_wait3A_22 : memref<1x10240xf32, #tpu.memory_space<hbm>> -> memref<10240xf32, #tpu.memory_space<hbm>>
      %dma_wait3A_24 = arith.constant 0 : i32
      %dma_wait3A_25 = tpu.memref_slice %arg6[%add3A, %dma_wait3A_24] : memref<32x10240xf32, #tpu.memory_space<hbm>> -> memref<1x10240xf32, #tpu.memory_space<hbm>>
      %dma_wait3A_26 = tpu.memref_squeeze %dma_wait3A_25 : memref<1x10240xf32, #tpu.memory_space<hbm>> -> memref<10240xf32, #tpu.memory_space<hbm>>
      tpu.wait_dma2 semaphore(%run_scoped3A_16 : memref<!tpu.dma_semaphore, #tpu.memory_space<semaphore_mem>>) src(%arg10 : memref<10240xf32, #tpu.memory_space<vmem>>) dst(%dma_wait3A_26 : memref<10240xf32, #tpu.memory_space<hbm>>)
      tpu.yield
    }) : () -> ()
    return
  }
}

#map = affine_map<(d0, d1) -> (0, 0, 0)>
#map1 = affine_map<(d0, d1) -> (0, 0)>
module attributes {stable_mosaic.version = 14 : i64} {
  func.func @agg_kernel(%arg0: i32, %arg1: i32, %arg2: memref<32x80x128xi32, #tpu.memory_space<hbm>>, %arg3: memref<32x80x128xi32, #tpu.memory_space<hbm>>, %arg4: memref<32x80x128xf32, #tpu.memory_space<hbm>>, %arg5: memref<10240x128xf32, #tpu.memory_space<hbm>>, %arg6: memref<2x10240x128xf32, #tpu.memory_space<hbm>>, %arg7: memref<16x128xi32, #tpu.memory_space<vmem>>, %arg8: memref<16x128xi32, #tpu.memory_space<vmem>>, %arg9: memref<16x128xf32, #tpu.memory_space<vmem>>, %arg10: memref<128x128xf32, #tpu.memory_space<vmem>>, %arg11: memref<10240x128xf32, #tpu.memory_space<vmem_shared>>, %arg12: memref<!tpu.dma_semaphore, #tpu.memory_space<semaphore_mem>>) attributes {dimension_semantics = [#tpu.dimension_semantics<core_parallel>, #tpu.dimension_semantics<subcore_parallel>], iteration_bounds = array<i64: 2, 16>, scalar_prefetch = 0 : i64, scratch_operands = 6 : i64, tpu.core_type = #tpu.core_type<sc_vector_subcore>, window_params = [{transform_indices = #map}, {transform_indices = #map}, {transform_indices = #map}, {transform_indices = #map1}, {transform_indices = #map}]} {
    %mul3A = arith.constant 16 : i32
    %mul3A_0 = arith.muli %arg0, %mul3A : i32
    %add3A = arith.addi %mul3A_0, %arg1 : i32
    %broadcast_in_dim3A = arith.constant 0.000000e+00 : f32
    %broadcast_in_dim3A_1 = vector.broadcast %broadcast_in_dim3A : f32 to vector<16xf32>
    %scan3A = arith.constant 0 : i32
    %scan3A_2 = arith.constant 0 : i32
    %scan3A_3 = arith.constant 128 : i32
    %scan3A_4 = arith.addi %scan3A_2, %scan3A_3 : i32
    %scan3A_5 = arith.constant 1 : i32
    %scan3A_6 = scf.for %scan3A_27 = %scan3A_2 to %scan3A_4 step %scan3A_5 iter_args(%scan3A_28 = %scan3A) -> (i32)  : i32 {
      %swap3A = arith.index_cast %scan3A_27 : i32 to index
      %swap3A_29 = arith.constant 0 : index
      %swap3A_30 = tpu.vector_load %arg10[%swap3A, %swap3A_29] {strides = array<i32>} : memref<128x128xf32, #tpu.memory_space<vmem>>, vector<16xf32>,
      tpu.vector_store %arg10[%swap3A, %swap3A_29], %broadcast_in_dim3A_1 {strides = array<i32>} : memref<128x128xf32, #tpu.memory_space<vmem>>, vector<16xf32>,
      %swap3A_31 = arith.index_cast %scan3A_27 : i32 to index
      %swap3A_32 = arith.constant 16 : index
      %swap3A_33 = tpu.vector_load %arg10[%swap3A_31, %swap3A_32] {strides = array<i32>} : memref<128x128xf32, #tpu.memory_space<vmem>>, vector<16xf32>,
      tpu.vector_store %arg10[%swap3A_31, %swap3A_32], %broadcast_in_dim3A_1 {strides = array<i32>} : memref<128x128xf32, #tpu.memory_space<vmem>>, vector<16xf32>,
      %swap3A_34 = arith.index_cast %scan3A_27 : i32 to index
      %swap3A_35 = arith.constant 32 : index
      %swap3A_36 = tpu.vector_load %arg10[%swap3A_34, %swap3A_35] {strides = array<i32>} : memref<128x128xf32, #tpu.memory_space<vmem>>, vector<16xf32>,
      tpu.vector_store %arg10[%swap3A_34, %swap3A_35], %broadcast_in_dim3A_1 {strides = array<i32>} : memref<128x128xf32, #tpu.memory_space<vmem>>, vector<16xf32>,
      %swap3A_37 = arith.index_cast %scan3A_27 : i32 to index
      %swap3A_38 = arith.constant 48 : index
      %swap3A_39 = tpu.vector_load %arg10[%swap3A_37, %swap3A_38] {strides = array<i32>} : memref<128x128xf32, #tpu.memory_space<vmem>>, vector<16xf32>,
      tpu.vector_store %arg10[%swap3A_37, %swap3A_38], %broadcast_in_dim3A_1 {strides = array<i32>} : memref<128x128xf32, #tpu.memory_space<vmem>>, vector<16xf32>,
      %swap3A_40 = arith.index_cast %scan3A_27 : i32 to index
      %swap3A_41 = arith.constant 64 : index
      %swap3A_42 = tpu.vector_load %arg10[%swap3A_40, %swap3A_41] {strides = array<i32>} : memref<128x128xf32, #tpu.memory_space<vmem>>, vector<16xf32>,
      tpu.vector_store %arg10[%swap3A_40, %swap3A_41], %broadcast_in_dim3A_1 {strides = array<i32>} : memref<128x128xf32, #tpu.memory_space<vmem>>, vector<16xf32>,
      %swap3A_43 = arith.index_cast %scan3A_27 : i32 to index
      %swap3A_44 = arith.constant 80 : index
      %swap3A_45 = tpu.vector_load %arg10[%swap3A_43, %swap3A_44] {strides = array<i32>} : memref<128x128xf32, #tpu.memory_space<vmem>>, vector<16xf32>,
      tpu.vector_store %arg10[%swap3A_43, %swap3A_44], %broadcast_in_dim3A_1 {strides = array<i32>} : memref<128x128xf32, #tpu.memory_space<vmem>>, vector<16xf32>,
      %swap3A_46 = arith.index_cast %scan3A_27 : i32 to index
      %swap3A_47 = arith.constant 96 : index
      %swap3A_48 = tpu.vector_load %arg10[%swap3A_46, %swap3A_47] {strides = array<i32>} : memref<128x128xf32, #tpu.memory_space<vmem>>, vector<16xf32>,
      tpu.vector_store %arg10[%swap3A_46, %swap3A_47], %broadcast_in_dim3A_1 {strides = array<i32>} : memref<128x128xf32, #tpu.memory_space<vmem>>, vector<16xf32>,
      %swap3A_49 = arith.index_cast %scan3A_27 : i32 to index
      %swap3A_50 = arith.constant 112 : index
      %swap3A_51 = tpu.vector_load %arg10[%swap3A_49, %swap3A_50] {strides = array<i32>} : memref<128x128xf32, #tpu.memory_space<vmem>>, vector<16xf32>,
      tpu.vector_store %arg10[%swap3A_49, %swap3A_50], %broadcast_in_dim3A_1 {strides = array<i32>} : memref<128x128xf32, #tpu.memory_space<vmem>>, vector<16xf32>,
      %scan3A_52 = arith.constant 0 : i32
      scf.yield %scan3A_52 : i32
    }
    %scan3A_7 = arith.constant 128 : i32
    %scan3A_8 = arith.constant 0 : i32
    %scan3A_9 = arith.constant 0 : i32
    %scan3A_10 = arith.constant 5 : i32
    %scan3A_11 = arith.addi %scan3A_9, %scan3A_10 : i32
    %scan3A_12 = arith.constant 1 : i32
    %scan3A_13 = scf.for %scan3A_27 = %scan3A_9 to %scan3A_11 step %scan3A_12 iter_args(%scan3A_28 = %scan3A_8) -> (i32)  : i32 {
      %mul3A_29 = arith.constant 640 : i32
      %mul3A_30 = arith.muli %arg1, %mul3A_29 : i32
      %mul3A_31 = arith.constant 128 : i32
      %mul3A_32 = arith.muli %scan3A_27, %mul3A_31 : i32
      %add3A_33 = arith.addi %mul3A_30, %mul3A_32 : i32
      "tpu.region"() ({
        %run_scoped3A = tpu.sem_alloc : memref<!tpu.dma_semaphore, #tpu.memory_space<semaphore_mem>>
        %dma_start3A = arith.constant 0 : i32
        %dma_start3A_35 = tpu.memref_slice %arg11[%add3A_33, %dma_start3A] : memref<10240x128xf32, #tpu.memory_space<vmem_shared>> -> memref<128x128xf32, #tpu.memory_space<vmem_shared>>
        %dma_start3A_36 = arith.constant 0 : i32
        %dma_start3A_37 = tpu.memref_slice %arg11[%add3A_33, %dma_start3A_36] : memref<10240x128xf32, #tpu.memory_space<vmem_shared>> -> memref<128x128xf32, #tpu.memory_space<vmem_shared>>
        tpu.enqueue_dma source(%arg10 : memref<128x128xf32, #tpu.memory_space<vmem>>) target(%dma_start3A_37 : memref<128x128xf32, #tpu.memory_space<vmem_shared>>) target_semaphore(%run_scoped3A : memref<!tpu.dma_semaphore, #tpu.memory_space<semaphore_mem>>)
        %dma_wait3A = arith.constant 0 : i32
        %dma_wait3A_38 = tpu.memref_slice %arg11[%add3A_33, %dma_wait3A] : memref<10240x128xf32, #tpu.memory_space<vmem_shared>> -> memref<128x128xf32, #tpu.memory_space<vmem_shared>>
        %dma_wait3A_39 = arith.constant 0 : i32
        %dma_wait3A_40 = tpu.memref_slice %arg11[%add3A_33, %dma_wait3A_39] : memref<10240x128xf32, #tpu.memory_space<vmem_shared>> -> memref<128x128xf32, #tpu.memory_space<vmem_shared>>
        tpu.wait_dma2 semaphore(%run_scoped3A : memref<!tpu.dma_semaphore, #tpu.memory_space<semaphore_mem>>) src(%arg10 : memref<128x128xf32, #tpu.memory_space<vmem>>) dst(%dma_wait3A_40 : memref<128x128xf32, #tpu.memory_space<vmem_shared>>)
        tpu.yield
      }) : () -> ()
      %scan3A_34 = arith.constant 0 : i32
      scf.yield %scan3A_34 : i32
    }
    %scan3A_14 = arith.constant 5 : i32
    %barrier3A = arith.constant 0 : index
    tpu.barrier barrier_id(%barrier3A)
    %scan3A_15 = arith.constant 0 : i32
    %scan3A_16 = arith.constant 0 : i32
    %scan3A_17 = arith.constant 5 : i32
    %scan3A_18 = arith.addi %scan3A_16, %scan3A_17 : i32
    %scan3A_19 = arith.constant 1 : i32
    %scan3A_20 = scf.for %scan3A_27 = %scan3A_16 to %scan3A_18 step %scan3A_19 iter_args(%scan3A_28 = %scan3A_15) -> (i32)  : i32 {
      %mul3A_29 = arith.constant 16 : i32
      %mul3A_30 = arith.muli %scan3A_27, %mul3A_29 : i32
      "tpu.region"() ({
        %run_scoped3A = tpu.sem_alloc : memref<!tpu.dma_semaphore, #tpu.memory_space<semaphore_mem>>
        %dma_start3A = arith.constant 0 : i32
        %dma_start3A_43 = tpu.memref_slice %arg2[%add3A, %mul3A_30, %dma_start3A] : memref<32x80x128xi32, #tpu.memory_space<hbm>> -> memref<1x16x128xi32, #tpu.memory_space<hbm>>
        %dma_start3A_44 = tpu.memref_squeeze %dma_start3A_43 : memref<1x16x128xi32, #tpu.memory_space<hbm>> -> memref<16x128xi32, #tpu.memory_space<hbm>>
        %dma_start3A_45 = arith.constant 0 : i32
        %dma_start3A_46 = tpu.memref_slice %arg2[%add3A, %mul3A_30, %dma_start3A_45] : memref<32x80x128xi32, #tpu.memory_space<hbm>> -> memref<1x16x128xi32, #tpu.memory_space<hbm>>
        %dma_start3A_47 = tpu.memref_squeeze %dma_start3A_46 : memref<1x16x128xi32, #tpu.memory_space<hbm>> -> memref<16x128xi32, #tpu.memory_space<hbm>>
        tpu.enqueue_dma source(%dma_start3A_47 : memref<16x128xi32, #tpu.memory_space<hbm>>) target(%arg7 : memref<16x128xi32, #tpu.memory_space<vmem>>) target_semaphore(%run_scoped3A : memref<!tpu.dma_semaphore, #tpu.memory_space<semaphore_mem>>)
        %dma_wait3A = arith.constant 0 : i32
        %dma_wait3A_48 = tpu.memref_slice %arg2[%add3A, %mul3A_30, %dma_wait3A] : memref<32x80x128xi32, #tpu.memory_space<hbm>> -> memref<1x16x128xi32, #tpu.memory_space<hbm>>
        %dma_wait3A_49 = tpu.memref_squeeze %dma_wait3A_48 : memref<1x16x128xi32, #tpu.memory_space<hbm>> -> memref<16x128xi32, #tpu.memory_space<hbm>>
        %dma_wait3A_50 = arith.constant 0 : i32
        %dma_wait3A_51 = tpu.memref_slice %arg2[%add3A, %mul3A_30, %dma_wait3A_50] : memref<32x80x128xi32, #tpu.memory_space<hbm>> -> memref<1x16x128xi32, #tpu.memory_space<hbm>>
        %dma_wait3A_52 = tpu.memref_squeeze %dma_wait3A_51 : memref<1x16x128xi32, #tpu.memory_space<hbm>> -> memref<16x128xi32, #tpu.memory_space<hbm>>
        tpu.wait_dma2 semaphore(%run_scoped3A : memref<!tpu.dma_semaphore, #tpu.memory_space<semaphore_mem>>) src(%dma_wait3A_52 : memref<16x128xi32, #tpu.memory_space<hbm>>) dst(%arg7 : memref<16x128xi32, #tpu.memory_space<vmem>>)
        tpu.yield
      }) : () -> ()
      %mul3A_31 = arith.constant 16 : i32
      %mul3A_32 = arith.muli %scan3A_27, %mul3A_31 : i32
      "tpu.region"() ({
        %run_scoped3A = tpu.sem_alloc : memref<!tpu.dma_semaphore, #tpu.memory_space<semaphore_mem>>
        %dma_start3A = arith.constant 0 : i32
        %dma_start3A_43 = tpu.memref_slice %arg3[%add3A, %mul3A_32, %dma_start3A] : memref<32x80x128xi32, #tpu.memory_space<hbm>> -> memref<1x16x128xi32, #tpu.memory_space<hbm>>
        %dma_start3A_44 = tpu.memref_squeeze %dma_start3A_43 : memref<1x16x128xi32, #tpu.memory_space<hbm>> -> memref<16x128xi32, #tpu.memory_space<hbm>>
        %dma_start3A_45 = arith.constant 0 : i32
        %dma_start3A_46 = tpu.memref_slice %arg3[%add3A, %mul3A_32, %dma_start3A_45] : memref<32x80x128xi32, #tpu.memory_space<hbm>> -> memref<1x16x128xi32, #tpu.memory_space<hbm>>
        %dma_start3A_47 = tpu.memref_squeeze %dma_start3A_46 : memref<1x16x128xi32, #tpu.memory_space<hbm>> -> memref<16x128xi32, #tpu.memory_space<hbm>>
        tpu.enqueue_dma source(%dma_start3A_47 : memref<16x128xi32, #tpu.memory_space<hbm>>) target(%arg8 : memref<16x128xi32, #tpu.memory_space<vmem>>) target_semaphore(%run_scoped3A : memref<!tpu.dma_semaphore, #tpu.memory_space<semaphore_mem>>)
        %dma_wait3A = arith.constant 0 : i32
        %dma_wait3A_48 = tpu.memref_slice %arg3[%add3A, %mul3A_32, %dma_wait3A] : memref<32x80x128xi32, #tpu.memory_space<hbm>> -> memref<1x16x128xi32, #tpu.memory_space<hbm>>
        %dma_wait3A_49 = tpu.memref_squeeze %dma_wait3A_48 : memref<1x16x128xi32, #tpu.memory_space<hbm>> -> memref<16x128xi32, #tpu.memory_space<hbm>>
        %dma_wait3A_50 = arith.constant 0 : i32
        %dma_wait3A_51 = tpu.memref_slice %arg3[%add3A, %mul3A_32, %dma_wait3A_50] : memref<32x80x128xi32, #tpu.memory_space<hbm>> -> memref<1x16x128xi32, #tpu.memory_space<hbm>>
        %dma_wait3A_52 = tpu.memref_squeeze %dma_wait3A_51 : memref<1x16x128xi32, #tpu.memory_space<hbm>> -> memref<16x128xi32, #tpu.memory_space<hbm>>
        tpu.wait_dma2 semaphore(%run_scoped3A : memref<!tpu.dma_semaphore, #tpu.memory_space<semaphore_mem>>) src(%dma_wait3A_52 : memref<16x128xi32, #tpu.memory_space<hbm>>) dst(%arg8 : memref<16x128xi32, #tpu.memory_space<vmem>>)
        tpu.yield
      }) : () -> ()
      %mul3A_33 = arith.constant 16 : i32
      %mul3A_34 = arith.muli %scan3A_27, %mul3A_33 : i32
      "tpu.region"() ({
        %run_scoped3A = tpu.sem_alloc : memref<!tpu.dma_semaphore, #tpu.memory_space<semaphore_mem>>
        %dma_start3A = arith.constant 0 : i32
        %dma_start3A_43 = tpu.memref_slice %arg4[%add3A, %mul3A_34, %dma_start3A] : memref<32x80x128xf32, #tpu.memory_space<hbm>> -> memref<1x16x128xf32, #tpu.memory_space<hbm>>
        %dma_start3A_44 = tpu.memref_squeeze %dma_start3A_43 : memref<1x16x128xf32, #tpu.memory_space<hbm>> -> memref<16x128xf32, #tpu.memory_space<hbm>>
        %dma_start3A_45 = arith.constant 0 : i32
        %dma_start3A_46 = tpu.memref_slice %arg4[%add3A, %mul3A_34, %dma_start3A_45] : memref<32x80x128xf32, #tpu.memory_space<hbm>> -> memref<1x16x128xf32, #tpu.memory_space<hbm>>
        %dma_start3A_47 = tpu.memref_squeeze %dma_start3A_46 : memref<1x16x128xf32, #tpu.memory_space<hbm>> -> memref<16x128xf32, #tpu.memory_space<hbm>>
        tpu.enqueue_dma source(%dma_start3A_47 : memref<16x128xf32, #tpu.memory_space<hbm>>) target(%arg9 : memref<16x128xf32, #tpu.memory_space<vmem>>) target_semaphore(%run_scoped3A : memref<!tpu.dma_semaphore, #tpu.memory_space<semaphore_mem>>)
        %dma_wait3A = arith.constant 0 : i32
        %dma_wait3A_48 = tpu.memref_slice %arg4[%add3A, %mul3A_34, %dma_wait3A] : memref<32x80x128xf32, #tpu.memory_space<hbm>> -> memref<1x16x128xf32, #tpu.memory_space<hbm>>
        %dma_wait3A_49 = tpu.memref_squeeze %dma_wait3A_48 : memref<1x16x128xf32, #tpu.memory_space<hbm>> -> memref<16x128xf32, #tpu.memory_space<hbm>>
        %dma_wait3A_50 = arith.constant 0 : i32
        %dma_wait3A_51 = tpu.memref_slice %arg4[%add3A, %mul3A_34, %dma_wait3A_50] : memref<32x80x128xf32, #tpu.memory_space<hbm>> -> memref<1x16x128xf32, #tpu.memory_space<hbm>>
        %dma_wait3A_52 = tpu.memref_squeeze %dma_wait3A_51 : memref<1x16x128xf32, #tpu.memory_space<hbm>> -> memref<16x128xf32, #tpu.memory_space<hbm>>
        tpu.wait_dma2 semaphore(%run_scoped3A : memref<!tpu.dma_semaphore, #tpu.memory_space<semaphore_mem>>) src(%dma_wait3A_52 : memref<16x128xf32, #tpu.memory_space<hbm>>) dst(%arg9 : memref<16x128xf32, #tpu.memory_space<vmem>>)
        tpu.yield
      }) : () -> ()
      %scan3A_35 = arith.constant 0 : i32
      %scan3A_36 = arith.constant 0 : i32
      %scan3A_37 = arith.constant 16 : i32
      %scan3A_38 = arith.addi %scan3A_36, %scan3A_37 : i32
      %scan3A_39 = arith.constant 1 : i32
      %scan3A_40 = scf.for %scan3A_43 = %scan3A_36 to %scan3A_38 step %scan3A_39 iter_args(%scan3A_44 = %scan3A_35) -> (i32)  : i32 {
        %dma_start3A = arith.constant 0 : i32
        %dma_start3A_45 = tpu.memref_slice %arg7[%scan3A_43, %dma_start3A] : memref<16x128xi32, #tpu.memory_space<vmem>> -> memref<1x128xi32, #tpu.memory_space<vmem>>
        %dma_start3A_46 = tpu.memref_squeeze %dma_start3A_45 : memref<1x128xi32, #tpu.memory_space<vmem>> -> memref<128xi32, #tpu.memory_space<vmem>>
        %dma_start3A_47 = arith.constant 0 : i32
        %dma_start3A_48 = arith.constant 0 : i32
        %dma_start3A_49 = tpu.memref_slice %arg5[%dma_start3A_47, %dma_start3A_48] : memref<10240x128xf32, #tpu.memory_space<hbm>> -> memref<10240x128xf32, #tpu.memory_space<hbm>>
        tpu.enqueue_indirect_dma source(%dma_start3A_49 : memref<10240x128xf32, #tpu.memory_space<hbm>>) target(%arg10 : memref<128x128xf32, #tpu.memory_space<vmem>>) offsets(%dma_start3A_46 : memref<128xi32, #tpu.memory_space<vmem>>) semaphore(%arg12 : memref<!tpu.dma_semaphore, #tpu.memory_space<semaphore_mem>>)
        %dma_wait3A = arith.constant 0 : i32
        %dma_wait3A_50 = tpu.memref_slice %arg7[%scan3A_43, %dma_wait3A] : memref<16x128xi32, #tpu.memory_space<vmem>> -> memref<1x128xi32, #tpu.memory_space<vmem>>
        %dma_wait3A_51 = tpu.memref_squeeze %dma_wait3A_50 : memref<1x128xi32, #tpu.memory_space<vmem>> -> memref<128xi32, #tpu.memory_space<vmem>>
        %dma_wait3A_52 = arith.constant 0 : i32
        %dma_wait3A_53 = arith.constant 0 : i32
        %dma_wait3A_54 = tpu.memref_slice %arg5[%dma_wait3A_52, %dma_wait3A_53] : memref<10240x128xf32, #tpu.memory_space<hbm>> -> memref<10240x128xf32, #tpu.memory_space<hbm>>
        tpu.wait_indirect_dma semaphore(%arg12 : memref<!tpu.dma_semaphore, #tpu.memory_space<semaphore_mem>>) src(%dma_wait3A_54 : memref<10240x128xf32, #tpu.memory_space<hbm>>) dst(%arg10 : memref<128x128xf32, #tpu.memory_space<vmem>>)
        %scan3A_55 = arith.constant 0 : i32
        %scan3A_56 = arith.constant 0 : i32
        %scan3A_57 = arith.constant 128 : i32
        %scan3A_58 = arith.addi %scan3A_56, %scan3A_57 : i32
        %scan3A_59 = arith.constant 1 : i32
        %scan3A_60 = scf.for %scan3A_63 = %scan3A_56 to %scan3A_58 step %scan3A_59 iter_args(%scan3A_64 = %scan3A_55) -> (i32)  : i32 {
          %broadcast_in_dim3A_65 = vector.broadcast %scan3A_43 : i32 to vector<16xi32>
          %broadcast_in_dim3A_66 = vector.broadcast %scan3A_63 : i32 to vector<16xi32>
          %gather3A = tpu.vector_load_idx %arg9[%broadcast_in_dim3A_65, %broadcast_in_dim3A_66] : memref<16x128xf32, #tpu.memory_space<vmem>>[vector<16xi32>, vector<16xi32>], vector<16xf32>,
          %get3A = arith.index_cast %scan3A_63 : i32 to index
          %get3A_67 = arith.constant 0 : index
          %get3A_68 = tpu.vector_load %arg10[%get3A, %get3A_67] {strides = array<i32>} : memref<128x128xf32, #tpu.memory_space<vmem>>, vector<16xf32>,
          %mul3A_69 = arith.mulf %get3A_68, %gather3A : vector<16xf32>
          %swap3A = arith.index_cast %scan3A_63 : i32 to index
          %swap3A_70 = arith.constant 0 : index
          %swap3A_71 = tpu.vector_load %arg10[%swap3A, %swap3A_70] {strides = array<i32>} : memref<128x128xf32, #tpu.memory_space<vmem>>, vector<16xf32>,
          tpu.vector_store %arg10[%swap3A, %swap3A_70], %mul3A_69 {strides = array<i32>} : memref<128x128xf32, #tpu.memory_space<vmem>>, vector<16xf32>,
          %get3A_72 = arith.index_cast %scan3A_63 : i32 to index
          %get3A_73 = arith.constant 16 : index
          %get3A_74 = tpu.vector_load %arg10[%get3A_72, %get3A_73] {strides = array<i32>} : memref<128x128xf32, #tpu.memory_space<vmem>>, vector<16xf32>,
          %mul3A_75 = arith.mulf %get3A_74, %gather3A : vector<16xf32>
          %swap3A_76 = arith.index_cast %scan3A_63 : i32 to index
          %swap3A_77 = arith.constant 16 : index
          %swap3A_78 = tpu.vector_load %arg10[%swap3A_76, %swap3A_77] {strides = array<i32>} : memref<128x128xf32, #tpu.memory_space<vmem>>, vector<16xf32>,
          tpu.vector_store %arg10[%swap3A_76, %swap3A_77], %mul3A_75 {strides = array<i32>} : memref<128x128xf32, #tpu.memory_space<vmem>>, vector<16xf32>,
          %get3A_79 = arith.index_cast %scan3A_63 : i32 to index
          %get3A_80 = arith.constant 32 : index
          %get3A_81 = tpu.vector_load %arg10[%get3A_79, %get3A_80] {strides = array<i32>} : memref<128x128xf32, #tpu.memory_space<vmem>>, vector<16xf32>,
          %mul3A_82 = arith.mulf %get3A_81, %gather3A : vector<16xf32>
          %swap3A_83 = arith.index_cast %scan3A_63 : i32 to index
          %swap3A_84 = arith.constant 32 : index
          %swap3A_85 = tpu.vector_load %arg10[%swap3A_83, %swap3A_84] {strides = array<i32>} : memref<128x128xf32, #tpu.memory_space<vmem>>, vector<16xf32>,
          tpu.vector_store %arg10[%swap3A_83, %swap3A_84], %mul3A_82 {strides = array<i32>} : memref<128x128xf32, #tpu.memory_space<vmem>>, vector<16xf32>,
          %get3A_86 = arith.index_cast %scan3A_63 : i32 to index
          %get3A_87 = arith.constant 48 : index
          %get3A_88 = tpu.vector_load %arg10[%get3A_86, %get3A_87] {strides = array<i32>} : memref<128x128xf32, #tpu.memory_space<vmem>>, vector<16xf32>,
          %mul3A_89 = arith.mulf %get3A_88, %gather3A : vector<16xf32>
          %swap3A_90 = arith.index_cast %scan3A_63 : i32 to index
          %swap3A_91 = arith.constant 48 : index
          %swap3A_92 = tpu.vector_load %arg10[%swap3A_90, %swap3A_91] {strides = array<i32>} : memref<128x128xf32, #tpu.memory_space<vmem>>, vector<16xf32>,
          tpu.vector_store %arg10[%swap3A_90, %swap3A_91], %mul3A_89 {strides = array<i32>} : memref<128x128xf32, #tpu.memory_space<vmem>>, vector<16xf32>,
          %get3A_93 = arith.index_cast %scan3A_63 : i32 to index
          %get3A_94 = arith.constant 64 : index
          %get3A_95 = tpu.vector_load %arg10[%get3A_93, %get3A_94] {strides = array<i32>} : memref<128x128xf32, #tpu.memory_space<vmem>>, vector<16xf32>,
          %mul3A_96 = arith.mulf %get3A_95, %gather3A : vector<16xf32>
          %swap3A_97 = arith.index_cast %scan3A_63 : i32 to index
          %swap3A_98 = arith.constant 64 : index
          %swap3A_99 = tpu.vector_load %arg10[%swap3A_97, %swap3A_98] {strides = array<i32>} : memref<128x128xf32, #tpu.memory_space<vmem>>, vector<16xf32>,
          tpu.vector_store %arg10[%swap3A_97, %swap3A_98], %mul3A_96 {strides = array<i32>} : memref<128x128xf32, #tpu.memory_space<vmem>>, vector<16xf32>,
          %get3A_100 = arith.index_cast %scan3A_63 : i32 to index
          %get3A_101 = arith.constant 80 : index
          %get3A_102 = tpu.vector_load %arg10[%get3A_100, %get3A_101] {strides = array<i32>} : memref<128x128xf32, #tpu.memory_space<vmem>>, vector<16xf32>,
          %mul3A_103 = arith.mulf %get3A_102, %gather3A : vector<16xf32>
          %swap3A_104 = arith.index_cast %scan3A_63 : i32 to index
          %swap3A_105 = arith.constant 80 : index
          %swap3A_106 = tpu.vector_load %arg10[%swap3A_104, %swap3A_105] {strides = array<i32>} : memref<128x128xf32, #tpu.memory_space<vmem>>, vector<16xf32>,
          tpu.vector_store %arg10[%swap3A_104, %swap3A_105], %mul3A_103 {strides = array<i32>} : memref<128x128xf32, #tpu.memory_space<vmem>>, vector<16xf32>,
          %get3A_107 = arith.index_cast %scan3A_63 : i32 to index
          %get3A_108 = arith.constant 96 : index
          %get3A_109 = tpu.vector_load %arg10[%get3A_107, %get3A_108] {strides = array<i32>} : memref<128x128xf32, #tpu.memory_space<vmem>>, vector<16xf32>,
          %mul3A_110 = arith.mulf %get3A_109, %gather3A : vector<16xf32>
          %swap3A_111 = arith.index_cast %scan3A_63 : i32 to index
          %swap3A_112 = arith.constant 96 : index
          %swap3A_113 = tpu.vector_load %arg10[%swap3A_111, %swap3A_112] {strides = array<i32>} : memref<128x128xf32, #tpu.memory_space<vmem>>, vector<16xf32>,
          tpu.vector_store %arg10[%swap3A_111, %swap3A_112], %mul3A_110 {strides = array<i32>} : memref<128x128xf32, #tpu.memory_space<vmem>>, vector<16xf32>,
          %get3A_114 = arith.index_cast %scan3A_63 : i32 to index
          %get3A_115 = arith.constant 112 : index
          %get3A_116 = tpu.vector_load %arg10[%get3A_114, %get3A_115] {strides = array<i32>} : memref<128x128xf32, #tpu.memory_space<vmem>>, vector<16xf32>,
          %mul3A_117 = arith.mulf %get3A_116, %gather3A : vector<16xf32>
          %swap3A_118 = arith.index_cast %scan3A_63 : i32 to index
          %swap3A_119 = arith.constant 112 : index
          %swap3A_120 = tpu.vector_load %arg10[%swap3A_118, %swap3A_119] {strides = array<i32>} : memref<128x128xf32, #tpu.memory_space<vmem>>, vector<16xf32>,
          tpu.vector_store %arg10[%swap3A_118, %swap3A_119], %mul3A_117 {strides = array<i32>} : memref<128x128xf32, #tpu.memory_space<vmem>>, vector<16xf32>,
          %scan3A_121 = arith.constant 0 : i32
          scf.yield %scan3A_121 : i32
        }
        %scan3A_61 = arith.constant 128 : i32
        "tpu.region"() ({
          %run_scoped3A = tpu.sem_alloc : memref<!tpu.dma_semaphore, #tpu.memory_space<semaphore_mem>>
          %dma_start3A_63 = arith.constant 0 : i32
          %dma_start3A_64 = tpu.memref_slice %arg8[%scan3A_43, %dma_start3A_63] : memref<16x128xi32, #tpu.memory_space<vmem>> -> memref<1x128xi32, #tpu.memory_space<vmem>>
          %dma_start3A_65 = tpu.memref_squeeze %dma_start3A_64 : memref<1x128xi32, #tpu.memory_space<vmem>> -> memref<128xi32, #tpu.memory_space<vmem>>
          %dma_start3A_66 = arith.constant 0 : i32
          %dma_start3A_67 = arith.constant 0 : i32
          %dma_start3A_68 = tpu.memref_slice %arg11[%dma_start3A_66, %dma_start3A_67] : memref<10240x128xf32, #tpu.memory_space<vmem_shared>> -> memref<10240x128xf32, #tpu.memory_space<vmem_shared>>
          tpu.enqueue_indirect_dma source(%arg10 : memref<128x128xf32, #tpu.memory_space<vmem>>) target(%dma_start3A_68 : memref<10240x128xf32, #tpu.memory_space<vmem_shared>>) offsets(%dma_start3A_65 : memref<128xi32, #tpu.memory_space<vmem>>) semaphore(%run_scoped3A : memref<!tpu.dma_semaphore, #tpu.memory_space<semaphore_mem>>) {add = true}
          %dma_wait3A_69 = arith.constant 0 : i32
          %dma_wait3A_70 = tpu.memref_slice %arg8[%scan3A_43, %dma_wait3A_69] : memref<16x128xi32, #tpu.memory_space<vmem>> -> memref<1x128xi32, #tpu.memory_space<vmem>>
          %dma_wait3A_71 = tpu.memref_squeeze %dma_wait3A_70 : memref<1x128xi32, #tpu.memory_space<vmem>> -> memref<128xi32, #tpu.memory_space<vmem>>
          %dma_wait3A_72 = arith.constant 0 : i32
          %dma_wait3A_73 = arith.constant 0 : i32
          %dma_wait3A_74 = tpu.memref_slice %arg11[%dma_wait3A_72, %dma_wait3A_73] : memref<10240x128xf32, #tpu.memory_space<vmem_shared>> -> memref<10240x128xf32, #tpu.memory_space<vmem_shared>>
          tpu.wait_indirect_dma semaphore(%run_scoped3A : memref<!tpu.dma_semaphore, #tpu.memory_space<semaphore_mem>>) src(%arg10 : memref<128x128xf32, #tpu.memory_space<vmem>>) dst(%dma_wait3A_74 : memref<10240x128xf32, #tpu.memory_space<vmem_shared>>)
          tpu.yield
        }) : () -> ()
        %scan3A_62 = arith.constant 0 : i32
        scf.yield %scan3A_62 : i32
      }
      %scan3A_41 = arith.constant 16 : i32
      %scan3A_42 = arith.constant 0 : i32
      scf.yield %scan3A_42 : i32
    }
    %scan3A_21 = arith.constant 5 : i32
    %barrier3A_22 = arith.constant 0 : index
    tpu.barrier barrier_id(%barrier3A_22)
    %mul3A_23 = arith.constant 640 : i32
    %mul3A_24 = arith.muli %arg1, %mul3A_23 : i32
    %mul3A_25 = arith.constant 640 : i32
    %mul3A_26 = arith.muli %arg1, %mul3A_25 : i32
    "tpu.region"() ({
      %run_scoped3A = tpu.sem_alloc : memref<!tpu.dma_semaphore, #tpu.memory_space<semaphore_mem>>
      %dma_start3A = arith.constant 0 : i32
      %dma_start3A_27 = tpu.memref_slice %arg6[%arg0, %mul3A_26, %dma_start3A] : memref<2x10240x128xf32, #tpu.memory_space<hbm>> -> memref<1x640x128xf32, #tpu.memory_space<hbm>>
      %dma_start3A_28 = tpu.memref_squeeze %dma_start3A_27 : memref<1x640x128xf32, #tpu.memory_space<hbm>> -> memref<640x128xf32, #tpu.memory_space<hbm>>
      %dma_start3A_29 = arith.constant 0 : i32
      %dma_start3A_30 = tpu.memref_slice %arg11[%mul3A_24, %dma_start3A_29] : memref<10240x128xf32, #tpu.memory_space<vmem_shared>> -> memref<640x128xf32, #tpu.memory_space<vmem_shared>>
      tpu.enqueue_dma source(%dma_start3A_30 : memref<640x128xf32, #tpu.memory_space<vmem_shared>>) target(%dma_start3A_28 : memref<640x128xf32, #tpu.memory_space<hbm>>) target_semaphore(%run_scoped3A : memref<!tpu.dma_semaphore, #tpu.memory_space<semaphore_mem>>)
      %dma_wait3A = arith.constant 0 : i32
      %dma_wait3A_31 = tpu.memref_slice %arg6[%arg0, %mul3A_26, %dma_wait3A] : memref<2x10240x128xf32, #tpu.memory_space<hbm>> -> memref<1x640x128xf32, #tpu.memory_space<hbm>>
      %dma_wait3A_32 = tpu.memref_squeeze %dma_wait3A_31 : memref<1x640x128xf32, #tpu.memory_space<hbm>> -> memref<640x128xf32, #tpu.memory_space<hbm>>
      %dma_wait3A_33 = arith.constant 0 : i32
      %dma_wait3A_34 = tpu.memref_slice %arg11[%mul3A_24, %dma_wait3A_33] : memref<10240x128xf32, #tpu.memory_space<vmem_shared>> -> memref<640x128xf32, #tpu.memory_space<vmem_shared>>
      tpu.wait_dma2 semaphore(%run_scoped3A : memref<!tpu.dma_semaphore, #tpu.memory_space<semaphore_mem>>) src(%dma_wait3A_34 : memref<640x128xf32, #tpu.memory_space<vmem_shared>>) dst(%dma_wait3A_32 : memref<640x128xf32, #tpu.memory_space<hbm>>)
      tpu.yield
    }) : () -> ()
    return
  }
}

module attributes {stable_mosaic.version = 14 : i64} {
  func.func @_embed_body(%arg0: i32, %arg1: memref<2048x128xf32, #tpu.memory_space<vmem>>, %arg2: memref<128x128xf32, #tpu.memory_space<vmem>>, %arg3: memref<8x128xf32, #tpu.memory_space<vmem>>, %arg4: memref<2048x128xf32, #tpu.memory_space<vmem>>, %arg5: memref<8x2048xf32, #tpu.memory_space<vmem>>) attributes {dimension_semantics = [#tpu.dimension_semantics<arbitrary>], iteration_bounds = array<i64: 5>, scalar_prefetch = 0 : i64, scratch_operands = 0 : i64, tpu.core_type = #tpu.core_type<tc>, window_params = [{transform_indices = @transform_0, window_bounds = array<i64: 2048, 128>}, {pipeline_mode = #tpu.pipeline_mode<synchronous>, transform_indices = @transform_1, window_bounds = array<i64: 128, 128>}, {pipeline_mode = #tpu.pipeline_mode<synchronous>, transform_indices = @transform_2, window_bounds = array<i64: 8, 128>}, {transform_indices = @transform_3, window_bounds = array<i64: 2048, 128>}, {transform_indices = @transform_4, window_bounds = array<i64: 8, 2048>}]} {
    %get3A = arith.constant 0 : index
    %get3A_0 = arith.constant 0 : index
    %get3A_1 = vector.load %arg1[%get3A, %get3A_0] : memref<2048x128xf32, #tpu.memory_space<vmem>>, vector<2048x128xf32>
    %get3A_2 = arith.constant 0 : index
    %get3A_3 = arith.constant 0 : index
    %get3A_4 = vector.load %arg2[%get3A_2, %get3A_3] : memref<128x128xf32, #tpu.memory_space<vmem>>, vector<128x128xf32>
    %dot_general3A = arith.constant dense<0.000000e+00> : vector<2048x128xf32>
    %dot_general3A_5 = tpu.matmul %get3A_1, %get3A_4, %dot_general3A {dimension_numbers = #tpu.dot_dimension_numbers<[1], [0], [0], [1], [0, 0, 1, 1], [], []>, transpose_lhs_hint = false} : vector<2048x128xf32>, vector<128x128xf32>, vector<2048x128xf32> -> vector<2048x128xf32>
    %swap3A = arith.constant 0 : index
    %swap3A_6 = arith.constant 0 : index
    %swap3A_7 = vector.load %arg4[%swap3A, %swap3A_6] : memref<2048x128xf32, #tpu.memory_space<vmem>>, vector<2048x128xf32>
    tpu.vector_store %arg4[%swap3A, %swap3A_6], %dot_general3A_5 {strides = array<i32>} : memref<2048x128xf32, #tpu.memory_space<vmem>>, vector<2048x128xf32>,
    %get3A_8 = arith.constant 0 : index
    %get3A_9 = arith.constant 0 : index
    %get3A_10 = vector.load %arg3[%get3A_8, %get3A_9] : memref<8x128xf32, #tpu.memory_space<vmem>>, vector<8x128xf32>
    %dot_general3A_11 = arith.constant dense<0.000000e+00> : vector<8x2048xf32>
    %dot_general3A_12 = tpu.matmul %get3A_10, %dot_general3A_5, %dot_general3A_11 {dimension_numbers = #tpu.dot_dimension_numbers<[1], [1], [0], [0], [0, 0, 1, 0], [], []>, transpose_lhs_hint = false} : vector<8x128xf32>, vector<2048x128xf32>, vector<8x2048xf32> -> vector<8x2048xf32>
    %swap3A_13 = arith.constant 0 : index
    %swap3A_14 = arith.constant 0 : index
    %swap3A_15 = vector.load %arg5[%swap3A_13, %swap3A_14] : memref<8x2048xf32, #tpu.memory_space<vmem>>, vector<8x2048xf32>
    tpu.vector_store %arg5[%swap3A_13, %swap3A_14], %dot_general3A_12 {strides = array<i32>} : memref<8x2048xf32, #tpu.memory_space<vmem>>, vector<8x2048xf32>,
    return
  }
  func.func @transform_0(%arg0: i32) -> (i32, i32) {
    %c0_i32 = arith.constant 0 : i32
    %c0_i32_0 = arith.constant 0 : i32
    return %arg0, %c0_i32 : i32, i32
  }
  func.func @transform_1(%arg0: i32) -> (i32, i32) {
    %c0_i32 = arith.constant 0 : i32
    %c0_i32_0 = arith.constant 0 : i32
    %c0_i32_1 = arith.constant 0 : i32
    return %c0_i32, %c0_i32_0 : i32, i32
  }
  func.func @transform_2(%arg0: i32) -> (i32, i32) {
    %c0_i32 = arith.constant 0 : i32
    %c0_i32_0 = arith.constant 0 : i32
    %c0_i32_1 = arith.constant 0 : i32
    return %c0_i32, %c0_i32_0 : i32, i32
  }
  func.func @transform_3(%arg0: i32) -> (i32, i32) {
    %c0_i32 = arith.constant 0 : i32
    %c0_i32_0 = arith.constant 0 : i32
    return %arg0, %c0_i32 : i32, i32
  }
  func.func @transform_4(%arg0: i32) -> (i32, i32) {
    %c0_i32 = arith.constant 0 : i32
    %c0_i32_0 = arith.constant 0 : i32
    return %c0_i32, %arg0 : i32, i32
  }
}

module attributes {stable_mosaic.version = 14 : i64} {
  func.func @_mid_body(%arg0: i32, %arg1: memref<2048x128xf32, #tpu.memory_space<vmem>>, %arg2: memref<2048x128xf32, #tpu.memory_space<vmem>>, %arg3: memref<32x2048xf32, #tpu.memory_space<vmem>>, %arg4: memref<8x128xf32, #tpu.memory_space<vmem>>, %arg5: memref<128x128xf32, #tpu.memory_space<vmem>>, %arg6: memref<8x128xf32, #tpu.memory_space<vmem>>, %arg7: memref<2048x128xf32, #tpu.memory_space<vmem>>, %arg8: memref<8x2048xf32, #tpu.memory_space<vmem>>) attributes {dimension_semantics = [#tpu.dimension_semantics<arbitrary>], iteration_bounds = array<i64: 5>, scalar_prefetch = 0 : i64, scratch_operands = 0 : i64, tpu.core_type = #tpu.core_type<tc>, window_params = [{transform_indices = @transform_0, window_bounds = array<i64: 2048, 128>}, {transform_indices = @transform_1, window_bounds = array<i64: 2048, 128>}, {transform_indices = @transform_2, window_bounds = array<i64: 32, 2048>}, {pipeline_mode = #tpu.pipeline_mode<synchronous>, transform_indices = @transform_3, window_bounds = array<i64: 8, 128>}, {pipeline_mode = #tpu.pipeline_mode<synchronous>, transform_indices = @transform_4, window_bounds = array<i64: 128, 128>}, {pipeline_mode = #tpu.pipeline_mode<synchronous>, transform_indices = @transform_5, window_bounds = array<i64: 8, 128>}, {transform_indices = @transform_6, window_bounds = array<i64: 2048, 128>}, {transform_indices = @transform_7, window_bounds = array<i64: 8, 2048>}]} {
    %get3A = arith.constant 0 : index
    %get3A_0 = arith.constant 0 : index
    %get3A_1 = vector.load %arg3[%get3A, %get3A_0] : memref<32x2048xf32, #tpu.memory_space<vmem>>, vector<32x2048xf32>
    %reduce_sum3A = arith.constant dense<0.000000e+00> : vector<2048xf32>
    %reduce_sum3A_2 = vector.multi_reduction <add>, %get3A_1, %reduce_sum3A [0] : vector<32x2048xf32> to vector<2048xf32>
    %get3A_3 = arith.constant 0 : index
    %get3A_4 = arith.constant 0 : index
    %get3A_5 = vector.load %arg1[%get3A_3, %get3A_4] : memref<2048x128xf32, #tpu.memory_space<vmem>>, vector<2048x128xf32>
    %get3A_6 = arith.constant 0 : index
    %get3A_7 = arith.constant 0 : index
    %get3A_8 = vector.load %arg2[%get3A_6, %get3A_7] : memref<2048x128xf32, #tpu.memory_space<vmem>>, vector<2048x128xf32>
    %add3A = arith.addf %get3A_5, %get3A_8 : vector<2048x128xf32>
    %broadcast_in_dim3A = vector.shape_cast %reduce_sum3A_2 : vector<2048xf32> to vector<2048x1xf32>
    %add3A_9 = arith.constant 1.000000e-16 : f32
    %add3A_10 = vector.broadcast %add3A_9 : f32 to vector<2048x1xf32>
    %add3A_11 = arith.addf %broadcast_in_dim3A, %add3A_10 : vector<2048x1xf32>
    %div3A = vector.broadcast %add3A_11 : vector<2048x1xf32> to vector<2048x128xf32>
    %div3A_12 = arith.divf %add3A, %div3A : vector<2048x128xf32>
    %get3A_13 = arith.constant 0 : index
    %get3A_14 = arith.constant 0 : index
    %get3A_15 = vector.load %arg4[%get3A_13, %get3A_14] : memref<8x128xf32, #tpu.memory_space<vmem>>, vector<1x128xf32>
    %add3A_16 = vector.broadcast %get3A_15 : vector<1x128xf32> to vector<2048x128xf32>
    %add3A_17 = arith.addf %div3A_12, %add3A_16 : vector<2048x128xf32>
    %max3A = arith.constant 0.000000e+00 : f32
    %max3A_18 = vector.broadcast %max3A : f32 to vector<2048x128xf32>
    %max3A_19 = arith.maximumf %add3A_17, %max3A_18 : vector<2048x128xf32>
    %get3A_20 = arith.constant 0 : index
    %get3A_21 = arith.constant 0 : index
    %get3A_22 = vector.load %arg5[%get3A_20, %get3A_21] : memref<128x128xf32, #tpu.memory_space<vmem>>, vector<128x128xf32>
    %dot_general3A = arith.constant dense<0.000000e+00> : vector<2048x128xf32>
    %dot_general3A_23 = tpu.matmul %max3A_19, %get3A_22, %dot_general3A {dimension_numbers = #tpu.dot_dimension_numbers<[1], [0], [0], [1], [0, 0, 1, 1], [], []>, transpose_lhs_hint = false} : vector<2048x128xf32>, vector<128x128xf32>, vector<2048x128xf32> -> vector<2048x128xf32>
    %swap3A = arith.constant 0 : index
    %swap3A_24 = arith.constant 0 : index
    %swap3A_25 = vector.load %arg7[%swap3A, %swap3A_24] : memref<2048x128xf32, #tpu.memory_space<vmem>>, vector<2048x128xf32>
    tpu.vector_store %arg7[%swap3A, %swap3A_24], %dot_general3A_23 {strides = array<i32>} : memref<2048x128xf32, #tpu.memory_space<vmem>>, vector<2048x128xf32>,
    %get3A_26 = arith.constant 0 : index
    %get3A_27 = arith.constant 0 : index
    %get3A_28 = vector.load %arg6[%get3A_26, %get3A_27] : memref<8x128xf32, #tpu.memory_space<vmem>>, vector<8x128xf32>
    %dot_general3A_29 = arith.constant dense<0.000000e+00> : vector<8x2048xf32>
    %dot_general3A_30 = tpu.matmul %get3A_28, %dot_general3A_23, %dot_general3A_29 {dimension_numbers = #tpu.dot_dimension_numbers<[1], [1], [0], [0], [0, 0, 1, 0], [], []>, transpose_lhs_hint = false} : vector<8x128xf32>, vector<2048x128xf32>, vector<8x2048xf32> -> vector<8x2048xf32>
    %swap3A_31 = arith.constant 0 : index
    %swap3A_32 = arith.constant 0 : index
    %swap3A_33 = vector.load %arg8[%swap3A_31, %swap3A_32] : memref<8x2048xf32, #tpu.memory_space<vmem>>, vector<8x2048xf32>
    tpu.vector_store %arg8[%swap3A_31, %swap3A_32], %dot_general3A_30 {strides = array<i32>} : memref<8x2048xf32, #tpu.memory_space<vmem>>, vector<8x2048xf32>,
    return
  }
  func.func @transform_0(%arg0: i32) -> (i32, i32) {
    %c0_i32 = arith.constant 0 : i32
    %c0_i32_0 = arith.constant 0 : i32
    return %arg0, %c0_i32 : i32, i32
  }
  func.func @transform_1(%arg0: i32) -> (i32, i32) {
    %c0_i32 = arith.constant 0 : i32
    %c0_i32_0 = arith.constant 0 : i32
    return %arg0, %c0_i32 : i32, i32
  }
  func.func @transform_2(%arg0: i32) -> (i32, i32) {
    %c0_i32 = arith.constant 0 : i32
    %c0_i32_0 = arith.constant 0 : i32
    return %c0_i32, %arg0 : i32, i32
  }
  func.func @transform_3(%arg0: i32) -> (i32, i32) {
    %c0_i32 = arith.constant 0 : i32
    %c0_i32_0 = arith.constant 0 : i32
    %c0_i32_1 = arith.constant 0 : i32
    return %c0_i32, %c0_i32_0 : i32, i32
  }
  func.func @transform_4(%arg0: i32) -> (i32, i32) {
    %c0_i32 = arith.constant 0 : i32
    %c0_i32_0 = arith.constant 0 : i32
    %c0_i32_1 = arith.constant 0 : i32
    return %c0_i32, %c0_i32_0 : i32, i32
  }
  func.func @transform_5(%arg0: i32) -> (i32, i32) {
    %c0_i32 = arith.constant 0 : i32
    %c0_i32_0 = arith.constant 0 : i32
    %c0_i32_1 = arith.constant 0 : i32
    return %c0_i32, %c0_i32_0 : i32, i32
  }
  func.func @transform_6(%arg0: i32) -> (i32, i32) {
    %c0_i32 = arith.constant 0 : i32
    %c0_i32_0 = arith.constant 0 : i32
    return %arg0, %c0_i32 : i32, i32
  }
  func.func @transform_7(%arg0: i32) -> (i32, i32) {
    %c0_i32 = arith.constant 0 : i32
    %c0_i32_0 = arith.constant 0 : i32
    return %c0_i32, %arg0 : i32, i32
  }
}

module attributes {stable_mosaic.version = 14 : i64} {
  func.func @_fin_body(%arg0: i32, %arg1: memref<2048x128xf32, #tpu.memory_space<vmem>>, %arg2: memref<2048x128xf32, #tpu.memory_space<vmem>>, %arg3: memref<32x2048xf32, #tpu.memory_space<vmem>>, %arg4: memref<8x128xf32, #tpu.memory_space<vmem>>, %arg5: memref<2048x128xf32, #tpu.memory_space<vmem>>) attributes {dimension_semantics = [#tpu.dimension_semantics<arbitrary>], iteration_bounds = array<i64: 5>, scalar_prefetch = 0 : i64, scratch_operands = 0 : i64, tpu.core_type = #tpu.core_type<tc>, window_params = [{transform_indices = @transform_0, window_bounds = array<i64: 2048, 128>}, {transform_indices = @transform_1, window_bounds = array<i64: 2048, 128>}, {transform_indices = @transform_2, window_bounds = array<i64: 32, 2048>}, {pipeline_mode = #tpu.pipeline_mode<synchronous>, transform_indices = @transform_3, window_bounds = array<i64: 8, 128>}, {transform_indices = @transform_4, window_bounds = array<i64: 2048, 128>}]} {
    %get3A = arith.constant 0 : index
    %get3A_0 = arith.constant 0 : index
    %get3A_1 = vector.load %arg3[%get3A, %get3A_0] : memref<32x2048xf32, #tpu.memory_space<vmem>>, vector<32x2048xf32>
    %reduce_sum3A = arith.constant dense<0.000000e+00> : vector<2048xf32>
    %reduce_sum3A_2 = vector.multi_reduction <add>, %get3A_1, %reduce_sum3A [0] : vector<32x2048xf32> to vector<2048xf32>
    %get3A_3 = arith.constant 0 : index
    %get3A_4 = arith.constant 0 : index
    %get3A_5 = vector.load %arg1[%get3A_3, %get3A_4] : memref<2048x128xf32, #tpu.memory_space<vmem>>, vector<2048x128xf32>
    %get3A_6 = arith.constant 0 : index
    %get3A_7 = arith.constant 0 : index
    %get3A_8 = vector.load %arg2[%get3A_6, %get3A_7] : memref<2048x128xf32, #tpu.memory_space<vmem>>, vector<2048x128xf32>
    %add3A = arith.addf %get3A_5, %get3A_8 : vector<2048x128xf32>
    %broadcast_in_dim3A = vector.shape_cast %reduce_sum3A_2 : vector<2048xf32> to vector<2048x1xf32>
    %add3A_9 = arith.constant 1.000000e-16 : f32
    %add3A_10 = vector.broadcast %add3A_9 : f32 to vector<2048x1xf32>
    %add3A_11 = arith.addf %broadcast_in_dim3A, %add3A_10 : vector<2048x1xf32>
    %div3A = vector.broadcast %add3A_11 : vector<2048x1xf32> to vector<2048x128xf32>
    %div3A_12 = arith.divf %add3A, %div3A : vector<2048x128xf32>
    %get3A_13 = arith.constant 0 : index
    %get3A_14 = arith.constant 0 : index
    %get3A_15 = vector.load %arg4[%get3A_13, %get3A_14] : memref<8x128xf32, #tpu.memory_space<vmem>>, vector<1x128xf32>
    %add3A_16 = vector.broadcast %get3A_15 : vector<1x128xf32> to vector<2048x128xf32>
    %add3A_17 = arith.addf %div3A_12, %add3A_16 : vector<2048x128xf32>
    %swap3A = arith.constant 0 : index
    %swap3A_18 = arith.constant 0 : index
    %swap3A_19 = vector.load %arg5[%swap3A, %swap3A_18] : memref<2048x128xf32, #tpu.memory_space<vmem>>, vector<2048x128xf32>
    tpu.vector_store %arg5[%swap3A, %swap3A_18], %add3A_17 {strides = array<i32>} : memref<2048x128xf32, #tpu.memory_space<vmem>>, vector<2048x128xf32>,
    return
  }
  func.func @transform_0(%arg0: i32) -> (i32, i32) {
    %c0_i32 = arith.constant 0 : i32
    %c0_i32_0 = arith.constant 0 : i32
    return %arg0, %c0_i32 : i32, i32
  }
  func.func @transform_1(%arg0: i32) -> (i32, i32) {
    %c0_i32 = arith.constant 0 : i32
    %c0_i32_0 = arith.constant 0 : i32
    return %arg0, %c0_i32 : i32, i32
  }
  func.func @transform_2(%arg0: i32) -> (i32, i32) {
    %c0_i32 = arith.constant 0 : i32
    %c0_i32_0 = arith.constant 0 : i32
    return %c0_i32, %arg0 : i32, i32
  }
  func.func @transform_3(%arg0: i32) -> (i32, i32) {
    %c0_i32 = arith.constant 0 : i32
    %c0_i32_0 = arith.constant 0 : i32
    %c0_i32_1 = arith.constant 0 : i32
    return %c0_i32, %c0_i32_0 : i32, i32
  }
  func.func @transform_4(%arg0: i32) -> (i32, i32) {
    %c0_i32 = arith.constant 0 : i32
    %c0_i32_0 = arith.constant 0 : i32
    return %arg0, %c0_i32 : i32, i32
  }
}

</mosaic_0001>

<sc_bundles>
// kernel: kernel.12.cloned.1.call-start
scs
__scs_entry_jumppad:
0x0: {  	(pc) =	sbr.rel $0x88, $3  }
0x1: {  	(tag) =	ssettag $0x0;
	lr =	simm.s32 $0x1  }
0x2: {  	[smem:$0x3F97] =	sst lr;
	_ =	strace $0xD0000000  }
0x3: {  	_ = 	snop  }
0x4: {  	_ = 	snop  }
0x5: {  	_ = 	snop  }
0x6: {  	_ = 	snop  }
0x7: {  	_ = 	snop  }
__scs_overlays_trampoline_lowered:
0x8: {  	[smem:$0x3FA6] =	sst s0  }
0x9: {  	[smem:$0x3FA7] =	sst s1  }
0xa: {  	[smem:$0x3FA8] =	sst s2  }
0xb: {  	[smem:$0x3FA9] =	sst s3  }
0xc: {  	[smem:$0x3FAA] =	sst s4  }
0xd: {  	[smem:$0x3FAB] =	sst s5  }
0xe: {  	[smem:$0x3FAC] =	sst s6  }
0xf: {  	[smem:$0x3FAD] =	sst s7  }
0x10: {  	[smem:$0x3FAE] =	sst s8  }
0x11: {  	[smem:$0x3FAF] =	sst s9;
	s0 =	simm.s32 @!p0 $0x0  }
0x12: {  	s1 =	sld [smem:$0x3F95];
	s0 =	simm.s32 @p0 $0x1  }
0x13: {  	[smem:$0x3FB0] =	sst s0;
	s0 =	simm.s32 @!p1 $0x0  }
0x14: {  	s2 =	sld [smem:$0x3F94];
	s0 =	simm.s32 @p1 $0x1  }
0x15: {  	[smem:$0x3FB1] =	sst s0;
	s0 =	simm.s32 @!p2 $0x0  }
0x16: {  	s3 =	sld [smem:$0x3FDB];
	s0 =	simm.s32 @p2 $0x1  }
0x17: {  	s4 =	simm.s32 $0x1BF5;
	[smem:$0x3FB3] =	sst s0  }
0x18: {  	s0 =	sld [smem:$0x3F96];
	_ =	swait.ge [sflag:s4], $0x0  }
0x19: {  	s7 =	sld [smem:$0x3F97]  }
0x1a: {  	s8 =	sadd.s32 $0xFFFFE003, lr  }
0x1b: {  	s9 =	sadd.s32 $0xFFFFFEF7, lr;
	s5 =	simm.s32 $0xFFFFFFFF;
	p2 =	slt.u32 s8, $0xFFFFF086  }
0x1c: {  	p1 =	slt.u32 s9, $0xF7A;
	s5 =	simm.s32 @!p2 $0x0  }
0x1d: {  	s5 =	simm.s32 @p1 $0x1;
	p0 =	seq.s32 s7, s2  }
0x1e: {  	s7 =	smul.u32 @!p0 $0xF7A, s2;
	p2 =	seq.s32 @!p0 s5, $0x0  }
0x1f: {  	s9 =	smul.u32 $0xF7A, s1;
	s8 =	simm.s32 @!p0 $0x1BF5;
	p2 =	por !p2, p0  }
0x20: {  	[sflag:s8] =	ssyncset.s32 @!p0 $0xFFFFF086;
	s6 =	sadd.s32 @!p0 s3, s7;
	s7 =	simm.s32 @!p0 $0x108  }
0x21: {  	s3 =	sadd.s32 s3, s9;
	s6 =	sadd.s32 @!p0 $0x88, s6;
	s7 =	simm.s32 @p2 $0x1082  }
0x22: {  	[simem:s7], [sflag:s8] =	dma.local @!p0 [hbm:s6], $0xF7A  }
0x23: {  	s9 =	sor.u32 $0xD0000000, s2;
	s6 =	simm.s32 $0x108;
	_ =	swait.ge @!p0 [sflag:s8], $0x0  }
0x24: {  	s3 =	sadd.s32 $0x88, s3;
	s6 =	simm.s32 @!p1 $0x1082;
	[sflag:s4] =	ssyncset.s32 $0xFFFFF086  }
0x25: {  	[simem:s6], [sflag:s4] =	dma.local [hbm:s3], $0xF7A  }
0x26: {  	[smem:$0x3F97] =	sst s1;
	(tag) =	ssettag s2;
	_ =	strace s9  }
0x27: {  	s1 =	sld [smem:$0x3FA7]  }
0x28: {  	s2 =	sld [smem:$0x3FA8]  }
0x29: {  	s4 =	sld [smem:$0x3FAA]  }
0x2a: {  	p0 =	seq.s32 s5, $0x0;
	s5 =	sld [smem:$0x3FAB]  }
0x2b: {  	s6 =	sld [smem:$0x3FAC]  }
0x2c: {  	s7 =	sld [smem:$0x3FAD]  }
0x2d: {  	s3 =	simm.s32 $0x108;
	s8 =	sld [smem:$0x3FAE]  }
0x2e: {  	s3 =	simm.s32 @!p0 $0x1082;
	s9 =	sld [smem:$0x3FAF]  }
0x2f: {  	lr =	sadd.s32 s0, s3;
	s0 =	sld [smem:$0x3FA6]  }
0x30: {  	s3 =	sld [smem:$0x3FA9]  }
0x31: {  	[smem:$0x3FB2] =	sst s10  }
0x32: {  	s10 =	sld [smem:$0x3FB0];
	_ =	sdelay $0x3  }
0x33: {  	p0 =	seq.s32 s10, $0x1;
	s10 =	sld [smem:$0x3FB2];
	_ =	sdelay $0x3  }
0x34: {  	[smem:$0x3FB2] =	sst s10  }
0x35: {  	s10 =	sld [smem:$0x3FB1];
	_ =	sdelay $0x3  }
0x36: {  	p1 =	seq.s32 s10, $0x1;
	s10 =	sld [smem:$0x3FB2];
	_ =	sdelay $0x3  }
0x37: {  	[smem:$0x3FB2] =	sst s10  }
0x38: {  	s10 =	sld [smem:$0x3FB3]  }
0x39: {  	_ = 	snop;
	(pc) =	sbr.ind lr, $3  }
0x3a: {  	_ = 	snop  }
0x3b: {  	_ = 	snop  }
0x3c: {  	p2 =	seq.s32 s10, $0x1;
	s10 =	sld [smem:$0x3FB2]  }
0x3d: {  	_ =	shalt  }
0x3e: {  	_ =	shalt  }
0x3f: {  	_ =	shalt  }
0x40: {  	_ =	shalt  }
0x41: {  	_ =	shalt  }
0x42: {  	_ =	shalt  }
0x43: {  	_ =	shalt  }
0x44: {  	_ =	shalt  }
0x45: {  	_ =	shalt  }
0x46: {  	_ =	shalt  }
0x47: {  	_ =	shalt  }
0x48: {  	_ =	shalt  }
0x49: {  	_ =	shalt  }
0x4a: {  	_ =	shalt  }
0x4b: {  	_ =	shalt  }
0x4c: {  	_ =	shalt  }
0x4d: {  	_ =	shalt  }
0x4e: {  	_ =	shalt  }
0x4f: {  	_ =	shalt  }
0x50: {  	_ =	shalt  }
0x51: {  	_ =	shalt  }
0x52: {  	_ =	shalt  }
0x53: {  	_ =	shalt  }
0x54: {  	_ =	shalt  }
0x55: {  	_ =	shalt  }
0x56: {  	_ =	shalt  }
0x57: {  	_ =	shalt  }
0x58: {  	_ =	shalt  }
0x59: {  	_ =	shalt  }
0x5a: {  	_ =	shalt  }
0x5b: {  	_ =	shalt  }
0x5c: {  	_ =	shalt  }
0x5d: {  	_ =	shalt  }
0x5e: {  	_ =	shalt  }
0x5f: {  	_ =	shalt  }
0x60: {  	_ =	shalt  }
0x61: {  	_ =	shalt  }
0x62: {  	_ =	shalt  }
0x63: {  	_ =	shalt  }
0x64: {  	_ =	shalt  }
0x65: {  	_ =	shalt  }
0x66: {  	_ =	shalt  }
0x67: {  	_ =	shalt  }
0x68: {  	_ =	shalt  }
0x69: {  	_ =	shalt  }
0x6a: {  	_ =	shalt  }
0x6b: {  	_ =	shalt  }
0x6c: {  	_ =	shalt  }
0x6d: {  	_ =	shalt  }
0x6e: {  	_ =	shalt  }
0x6f: {  	_ =	shalt  }
0x70: {  	_ =	shalt  }
0x71: {  	_ =	shalt  }
0x72: {  	_ =	shalt  }
0x73: {  	_ =	shalt  }
0x74: {  	_ =	shalt  }
0x75: {  	_ =	shalt  }
0x76: {  	_ =	shalt  }
0x77: {  	_ =	shalt  }
0x78: {  	_ =	shalt  }
0x79: {  	_ =	shalt  }
0x7a: {  	_ =	shalt  }
0x7b: {  	_ =	shalt  }
0x7c: {  	_ =	shalt  }
0x7d: {  	_ =	shalt  }
0x7e: {  	_ =	shalt  }
0x7f: {  	_ =	shalt  }
0x80: {  	_ =	shalt  }
0x81: {  	_ =	shalt  }
0x82: {  	_ =	shalt  }
0x83: {  	_ =	shalt  }
0x84: {  	_ =	shalt  }
0x85: {  	_ =	shalt  }
0x86: {  	_ =	shalt  }
0x87: {  	_ =	shalt  }
.Lfunc_end0:
.L_simem_size_0:
called_computation.1_lowered:
.L_overlay_start_0:
0x88: {  	s2 =	sld [smem:$0x3FD9]  }
0x89: {  	s3 =	sld [smem:$0x3FFE];
	_ =	sdelay $0x1  }
0x8a: {  	s1 =	srdreg.scid  }
0x8b: {  	s0 =	sand.u32 $0x1, s1  }
0x8c: {  	s17 =	sshll.u32 s0, $0xA;
	s2 =	sadd.s32 s3, s2  }
0x8d: {  	s2 =	sadd.s32 s2, s17  }
0x8e: {  	[smem:$0x3FBE] =	sst s2  }
0x8f: {  	_ = 	snop  }
0x90: {  	s2 =	sld [smem:$0x3FD0];
	(tm) =	ssettm $0x1  }
0x91: {  	s18 =	sld [smem:$0x3FFB];
	_ =	sdelay $0x3  }
0x92: {  	_ =	strace s18  }
0x93: {  	s3 =	sld [smem:$0x3FFC];
	_ =	sdelay $0x3  }
0x94: {  	_ =	strace s3  }
0x95: {  	s3 =	sld [smem:$0x3FFD];
	_ =	sdelay $0x3  }
0x96: {  	_ =	strace s3  }
0x97: {  	_ =	strace $0x8FFFFFFF  }
0x98: {  	s19 =	sld [smem:$0x3FDB];
	_ =	sdelay $0x1  }
0x99: {  	s4 =	simm.s32 $_scs_section_size  }
0x9a: {  	s5 =	simm.s32 $_size__tile_overlayer_lowered;
	s6 =	simm.s32 $_tile_overlayer_lowered  }
0x9b: {  	s22 =	simm.s32 $0x1BFF;
	s21 =	sshll.u32 s6, $0x1;
	s3 =	sadd.s32 s4, s19  }
0x9c: {  	s7 =	simm.s32 $0x0;
	s20 =	sshll.u32 s5, $0x1;
	s5 =	sadd.s32 s21, s3  }
0x9d: {  	[timem:s7], [sflag:s22] =	dma.local [hbm:s5], s20  }
0x9e: {  	_ =	swait.ge [sflag:s22], s20  }
0x9f: {  	s4 =	ssub.s32 $0x0, s20;
	[sflag:s22] =	ssyncset.done $0x0  }
0xa0: {  	[sflag:s22] =	ssyncadd.s32 s4;
	_ =	sdelay $0x1  }
0xa1: {  	s23 =	simm.s32 $0x1B8B  }
0xa2: {  	_ =	swait.ge [sflag:s23], $0x1  }
0xa3: {  	[sflag:s23] =	ssyncset.done $0x0  }
0xa4: {  	s25 =	simm.s32 $0x1B8E;
	s24 =	sld [smem:$0x3FFE];
	[sflag:s23] =	ssyncadd.s32 $0xFFFFFFFF  }
0xa5: {  	s26 =	simm.s32 $execute0_lowered;
	[smem:$0x3FD2] =	sst s25  }
0xa6: {  	s5 =	sshll.u32 s26, $0x1;
	_ =	strace $0x80000049;
	[dreg:$0x1] =	wrdreg $0xFFFFFFFF  }
0xa7: {  	s28 =	simm.s32 $_size_execute0_lowered;
	s3 =	sadd.s32 s3, s5;
	[dreg:$0x0] =	wrdreg $0x0  }
0xa8: {  	s5 =	sshll.u32 s28, $0x1;
	[dreg:$0x2] =	wrdreg s3  }
0xa9: {  	[dreg:$0x3] =	wrdreg s5  }
0xaa: {  	[dreg:$0x4] =	wrdreg $0xC0  }
0xab: {  	_ =	task [dreg:s7], $0x5FFFF  }
0xac: {  	[dreg:$0x1] =	wrdreg $0xFFFFFFFF  }
0xad: {  	[dreg:$0x0] =	wrdreg $0x60  }
0xae: {  	[dreg:$0x2] =	wrdreg s2  }
0xaf: {  	[dreg:$0x3] =	wrdreg s24  }
0xb0: {  	[dreg:$0x4] =	wrdreg $0x58000  }
0xb1: {  	[dreg:$0x5] =	wrdreg $0x9  }
0xb2: {  	_ =	task.clear_ibuf [dreg:s7], $0x6FFFF;
	_ =	strace $0x90000049  }
0xb3: {  	s29 =	simm.s32 $0x9;
	_ =	strace $0x8000004B  }
0xb4: {  	_ =	swait.ge [sflag:s29], $0x1  }
0xb5: {  	[sflag:s29] =	ssyncadd.s32 $0xFFFFFFFF  }
0xb6: {  	_ =	strace $0x9000004B  }
0xb7: {  	_ =	sfence  }
0xb8: {  	s30 =	sld [smem:$0x0];
	_ =	sdelay $0x2  }
0xb9: {  	s31 =	sshll.u32 s1, $0xD;
	s1 =	sshrl.u32 s1, $0x2  }
0xba: {  	s3 =	sand.u32 $0x4000, s31;
	s1 =	sadd.s32 s1, s30  }
0xbb: {  	s0 =	sor.u32 s3, s0;
	s1 =	sshll.u32 s1, $0x11  }
0xbc: {  	s0 =	sor.u32 s1, s0  }
0xbd: {  	s0 =	sadd.s32 $0x8F2B, s0  }
0xbe: {  	[sflag:s0] =	ssyncadd.remote.s32 $0x1  }
0xbf: {  	_ =	sfence.sel $0xFFFF  }
0xc0: {  	[dreg:$0x0] =	wrdreg $0xFFFFFFFF;
	(pc) =	sbr.abs _section_cstart, $3  }
0xc1: {  	[dreg:$0x1] =	wrdreg $0xFFFFFFFF  }
0xc2: {  	_ =	task.clear_ibuf [dreg:s7], $0x2FFFF;
	_ =	strace $0x9FFFFFFF  }
0xc3: {  	(tm) =	ssettm $0x7FFFFFFF  }
tec
execute0_lowered:
.L_overlay_start_1:
0x0: {  	(tag) =	ssettag $0x1  }
0x1: {  	s1 =	rddreg [dreg:$0x0]  }
0x2: {  	s8 =	rddreg [dreg:$0x1]  }
0x3: {  	s2 =	rddreg [dreg:$0x2]  }
0x4: {  	s3 =	srdreg.scid;
	s0 =	rddreg [dreg:$0x3];
	s4 =	simm.s32 $0x0  }
0x5: {  	s16 =	simm.s32 $0x1800;
	s17 =	simm.s32 $0x2;
	s18 =	simm.s32 $0x800  }
0x6: {  	s19 =	simm.s32 $0x1000;
	s20 =	simm.s32 $0x80;
	s21 =	simm.s32 $0x1  }
0x7: {  	s9 =	sand.u32 $0x1, s3;
	s3 =	stileid.u32;
	[smem:$0x7FF] =	sst s4  }
0x8: {  	s5 =	sadd.s32 $0x3800, s8;
	s6 =	sadd.s32 $0x38000, s8;
	s7 =	smul.u32 $0x140000, s9  }
0x9: {  	s10 =	smul.u32 $0x14000, s3;
	_ =	strace $0x8000004A;
	s31 =	ssub.s32 $0x2, s9  }
0xa: {  	s11 =	smul.u32 $0x50000, s3;
	s9 =	sshll.u32 s9, $0x4;
	s12 =	sshrl.u32 s31, $0x1  }
0xb: {  	s9 =	sor.u32 s3, s9;
	s10 =	sadd.s32 s10, s7;
	s7 =	sadd.s32 $0x10000, s8  }
0xc: {  	s11 =	sshrl.u32 s11, $0x2;
	s12 =	ssub.s32 s31, s12;
	s10 =	sshrl.u32 s10, $0x3  }
0xd: {  	s9 =	smul.u32 $0x2800, s9;
	s10 =	sadd.s32 s10, s8;
	s8 =	sadd.s32 s11, s2  }
0xe: {  	s11 =	smax.u32 s12, $0x1;
	s10 =	sadd.s32 $0x4C000, s10;
	s12 =	sadd.s32 $0x4000, s8  }
0xf: {  	v0 =	vimm.f32 $0.0e+00;
	s13 =	sadd.s32 $0x8000, s8;
	s14 =	sadd.s32 $0xC000, s8;
	s15 =	sadd.s32 $0x10000, s8  }
.LBB2_1:
0x10: {  	s22 =	simm.s32 $0x0;
	s23 =	simm.s32 $0x200  }
.LBB2_2:
0x11: {  	p0 =	sne.s32 s23, $0xFE00;
	[tilespmem:s22+$0x1870] =	vst v0  }
0x12: {  	[tilespmem:s22+$0x1800] =	vst v0  }
0x13: {  	[tilespmem:s22+$0x1810] =	vst v0  }
.Ltmp0:
0x14: {  	[tilespmem:s22+$0x1820] =	vst v0;
	(pc) =	sbr.rel @p0 .LBB2_2-.Ltmp0, $4  }
0x15: {  	[tilespmem:s22+$0x1830] =	vst v0  }
0x16: {  	[tilespmem:s22+$0x1840] =	vst v0  }
0x17: {  	[tilespmem:s22+$0x1850] =	vst v0  }
0x18: {  	[tilespmem:s22+$0x1860] =	vst v0;
	s22 =	sshra.s32 s23, $0x2;
	s23 =	sadd.s32 $0x200, s23  }
0x19: {  	[tilespmem:s22+$0x1870] =	vst v0  }
0x1a: {  	[tilespmem:s22+$0x1800] =	vst v0  }
0x1b: {  	[tilespmem:s22+$0x1810] =	vst v0  }
0x1c: {  	[tilespmem:s22+$0x1820] =	vst v0  }
0x1d: {  	[tilespmem:s22+$0x1830] =	vst v0  }
0x1e: {  	[tilespmem:s22+$0x1840] =	vst v0  }
0x1f: {  	[tilespmem:s22+$0x1850] =	vst v0  }
0x20: {  	[tilespmem:s22+$0x1860] =	vst v0  }
0x21: {  	[spmem:s8] =	stream.linear.scatter [tilespmem:s16], [sflag:$0x2], $0x4000, $0x38;
	[tilespmem:$0x19800] =	vst v63  }
0x22: {  	_ =	swait.ge [sflag:s17], $0x4000  }
0x23: {  	[sflag:s17] =	ssyncset.done $0x0  }
0x24: {  	[sflag:s17] =	ssyncadd.s32 $0xFFFFC000  }
0x25: {  	[spmem:s12] =	stream.linear.scatter [tilespmem:s16], [sflag:$0x2], $0x4000, $0x38;
	[tilespmem:$0x19800] =	vst v63  }
0x26: {  	_ =	swait.ge [sflag:s17], $0x4000  }
0x27: {  	[sflag:s17] =	ssyncset.done $0x0  }
0x28: {  	[sflag:s17] =	ssyncadd.s32 $0xFFFFC000  }
0x29: {  	[spmem:s13] =	stream.linear.scatter [tilespmem:s16], [sflag:$0x2], $0x4000, $0x38;
	[tilespmem:$0x19800] =	vst v63  }
0x2a: {  	_ =	swait.ge [sflag:s17], $0x4000  }
0x2b: {  	[sflag:s17] =	ssyncset.done $0x0  }
0x2c: {  	[sflag:s17] =	ssyncadd.s32 $0xFFFFC000  }
0x2d: {  	[spmem:s14] =	stream.linear.scatter [tilespmem:s16], [sflag:$0x2], $0x4000, $0x38;
	[tilespmem:$0x19800] =	vst v63  }
0x2e: {  	_ =	swait.ge [sflag:s17], $0x4000  }
0x2f: {  	[sflag:s17] =	ssyncset.done $0x0  }
0x30: {  	[sflag:s17] =	ssyncadd.s32 $0xFFFFC000  }
0x31: {  	[spmem:s15] =	stream.linear.scatter [tilespmem:s16], [sflag:$0x2], $0x4000, $0x38;
	[tilespmem:$0x19800] =	vst v63  }
0x32: {  	_ =	swait.ge [sflag:s17], $0x4000  }
0x33: {  	[sflag:s17] =	ssyncset.done $0x0  }
0x34: {  	[sflag:s17] =	ssyncadd.s32 $0xFFFFC000  }
0x35: {  	s22 =	simm.s32 $0x0;
	s23 =	simm.s32 $0x0;
	[bflag:$0x0] =	sbarrier.arrive $0xFFFF  }
.LBB2_4:
0x36: {  	s24 =	sshll.u32 s23, $0xB  }
0x37: {  	s24 =	sadd.s32 s9, s24  }
0x38: {  	s24 =	sshrl.u32 s24, $0x3  }
0x39: {  	s25 =	sadd.s32 s1, s24  }
0x3a: {  	[tilespmem:s22], [sflag:$0x2] =	stream.linear.gather [hbm4b:s25+s22], $0x800, $0x38;
	[tilespmem:$0x19800] =	vst v63  }
0x3b: {  	_ =	swait.ge [sflag:s17], $0x800  }
0x3c: {  	[sflag:s17] =	ssyncset.done $0x0  }
0x3d: {  	s31 =	sadd.s32 s5, s24;
	[sflag:s17] =	ssyncadd.s32 $0xFFFFF800  }
0x3e: {  	[tilespmem:s18], [sflag:$0x2] =	stream.linear.gather [hbm4b:s31+s22], $0x800, $0x38;
	[tilespmem:$0x19800] =	vst v63  }
0x3f: {  	_ =	swait.ge [sflag:s17], $0x800  }
0x40: {  	[sflag:s17] =	ssyncset.done $0x0  }
0x41: {  	s24 =	sadd.s32 s6, s24;
	[sflag:s17] =	ssyncadd.s32 $0xFFFFF800  }
0x42: {  	[tilespmem:s19], [sflag:$0x2] =	stream.linear.gather [hbm4b:s24+s22], $0x800, $0x38;
	[tilespmem:$0x19800] =	vst v63  }
0x43: {  	_ =	swait.ge [sflag:s17], $0x800  }
0x44: {  	[sflag:s17] =	ssyncset.done $0x0  }
0x45: {  	s24 =	simm.s32 $0x0;
	[sflag:s17] =	ssyncadd.s32 $0xFFFFF800  }
.LBB2_5:
0x46: {  	s26 =	simm.s32 $0x0  }
0x47: {  	s25 =	sshll.u32 s24, $0x7;
	v2 =	vmov s26  }
0x48: {  	v1 =	vmov s25;
	v2 =	vand.u32 $0x7F, v2  }
0x49: {  	[tilespmem:s16], [sflag:$0x1] =	stream.indirect.gather [hbm4b:s7+s20], $0x80, s25, s20, $0xb8;
	v2 =	vadd.s32 v1, v2;
	[tilespmem:$0x19800] =	vst v63  }
0x4a: {  	_ =	swait.ge [sflag:s21], $0x4000;
	v2 =	vbroadcast v2, $0x0  }
0x4b: {  	[sflag:s21] =	ssyncset.done $0x0  }
0x4c: {  	s26 =	simm.s32 $0x1840;
	[sflag:s21] =	ssyncadd.s32 $0xFFFFC000  }
0x4d: {  	v6 =	vld [tilespmem:s26+$0x30]  }
0x4e: {  	v9 =	vld [tilespmem:s26+$0x10]  }
0x4f: {  	v7 =	vld [tilespmem:s26+$0xFFFFFFC0]  }
0x50: {  	v3 =	vld.idx.msk [tilespmem:v2+s19+$0x0], $0xffff  }
0x51: {  	v12 =	vld [tilespmem:s26+$0xFFFFFFE0]  }
0x52: {  	v4 =	vld [tilespmem:s26+$0x20]  }
0x53: {  	v5 =	vld [tilespmem:s26+$0xFFFFFFD0]  }
0x54: {  	v2 =	vld [tilespmem:s26+$0xFFFFFFF0]  }
0x55: {  	v10 =	vmul.f32 v6, v3;
	v6 =	vld [tilespmem:s26+$0x0]  }
0x56: {  	s28 =	simm.s32 $0x1;
	v8 =	vmul.f32 v7, v3  }
0x57: {  	s29 =	simm.s32 $0x2;
	v11 =	vmov s28;
	s28 =	simm.s32 $0x1840;
	v7 =	vmul.f32 v12, v3;
	v9 =	vmul.f32 v9, v3  }
.LBB2_6:
0x58: {  	p0 =	sne.s32 s29, $0x7F  }
0x59: {  	v11 =	vand.u32 $0x7F, v11;
	v5 =	vmul.f32 v5, v3;
	v4 =	vmul.f32 v4, v3;
	[tilespmem:s26+$0x30] =	vst v10;
	s28 =	sadd.s32 $0x80, s28;
	s30 =	smov.u32 s29;
	s29 =	sadd.s32 $0x1, s29  }
0x5a: {  	v10 =	vadd.s32 v1, v11;
	[tilespmem:s26+$0xFFFFFFC0] =	vst v8;
	v8 =	vmul.f32 v2, v3;
	v3 =	vmul.f32 v6, v3  }
0x5b: {  	v6 =	vbroadcast v10, $0x0;
	[tilespmem:s26+$0x10] =	vst v9  }
0x5c: {  	[tilespmem:s26+$0xFFFFFFE0] =	vst v7  }
0x5d: {  	v2 =	vld [tilespmem:s28+$0xFFFFFFF0];
	[tilespmem:s26+$0xFFFFFFF0] =	vst v8  }
0x5e: {  	v7 =	vld [tilespmem:s28+$0x30];
	[tilespmem:s26+$0x0] =	vst v3  }
0x5f: {  	v9 =	vld [tilespmem:s28+$0x10];
	[tilespmem:s26+$0x20] =	vst v4  }
0x60: {  	v8 =	vld [tilespmem:s28+$0xFFFFFFC0];
	[tilespmem:s26+$0xFFFFFFD0] =	vst v5;
	s26 =	smov.u32 s28  }
0x61: {  	v3 =	vld.idx.msk [tilespmem:v6+s19+$0x0], $0xffff  }
0x62: {  	v12 =	vld [tilespmem:s28+$0xFFFFFFE0]  }
0x63: {  	v4 =	vld [tilespmem:s28+$0x20]  }
.Ltmp1:
0x64: {  	v5 =	vld [tilespmem:s28+$0xFFFFFFD0];
	(pc) =	sbr.rel @p0 .LBB2_6-.Ltmp1, $3  }
0x65: {  	v6 =	vld [tilespmem:s28+$0x0];
	_ =	sdelay $0x1  }
0x66: {  	v8 =	vmul.f32 v8, v3;
	v10 =	vmul.f32 v7, v3  }
0x67: {  	v11 =	vmov s30;
	v9 =	vmul.f32 v9, v3;
	v7 =	vmul.f32 v12, v3  }
0x68: {  	[tilespmem:s26+$0x30] =	vst v10;
	v58 =	vand.u32 $0x7F, v11  }
0x69: {  	[tilespmem:s26+$0xFFFFFFC0] =	vst v8;
	v1 =	vadd.s32 v1, v58  }
0x6a: {  	v2 =	vmul.f32 v2, v3;
	[tilespmem:s26+$0x10] =	vst v9;
	v1 =	vbroadcast v1, $0x0  }
0x6b: {  	s28 =	sadd.s32 $0x80, s28;
	[tilespmem:s26+$0xFFFFFFE0] =	vst v7;
	v6 =	vmul.f32 v6, v3  }
0x6c: {  	v4 =	vmul.f32 v4, v3;
	v3 =	vmul.f32 v5, v3;
	v7 =	vld [tilespmem:s28+$0xFFFFFFF0];
	[tilespmem:s26+$0xFFFFFFF0] =	vst v2  }
0x6d: {  	v2 =	vld [tilespmem:s28+$0x30];
	[tilespmem:s26+$0x0] =	vst v6  }
0x6e: {  	v60 =	vld [tilespmem:s28+$0xFFFFFFC0];
	[tilespmem:s26+$0xFFFFFFD0] =	vst v3  }
0x6f: {  	v59 =	vld [tilespmem:s28+$0x10];
	[tilespmem:s26+$0x20] =	vst v4  }
0x70: {  	v1 =	vld.idx.msk [tilespmem:v1+s19+$0x0], $0xffff;
	_ =	sdelay $0x2  }
0x71: {  	v6 =	vld [tilespmem:s28+$0x0]  }
0x72: {  	v3 =	vld [tilespmem:s28+$0xFFFFFFE0]  }
0x73: {  	v2 =	vmul.f32 v2, v1  }
0x74: {  	v61 =	vld [tilespmem:s28+$0x20];
	v4 =	vmul.f32 v60, v1  }
0x75: {  	v62 =	vld [tilespmem:s28+$0xFFFFFFD0];
	v5 =	vmul.f32 v59, v1;
	[tilespmem:s28+$0x30] =	vst v2  }
0x76: {  	v63 =	vmul.f32 v6, v1;
	[tilespmem:s28+$0xFFFFFFC0] =	vst v4  }
0x77: {  	v2 =	vmul.f32 v3, v1;
	[tilespmem:s28+$0x10] =	vst v5  }
0x78: {  	v3 =	vmul.f32 v7, v1;
	[tilespmem:s28+$0x0] =	vst v63  }
0x79: {  	[tilespmem:s28+$0xFFFFFFE0] =	vst v2;
	v2 =	vmul.f32 v61, v1  }
0x7a: {  	s24 =	sadd.s32 $0x1, s24;
	[tilespmem:s28+$0xFFFFFFF0] =	vst v3;
	v1 =	vmul.f32 v62, v1  }
0x7b: {  	p0 =	sne.s32 s24, $0x10;
	[tilespmem:s28+$0x20] =	vst v2  }
.Ltmp2:
0x7c: {  	s25 =	sadd.s32 $0x800, s25;
	[tilespmem:s28+$0xFFFFFFD0] =	vst v1;
	(pc) =	sbr.rel @p0 .LBB2_5-.Ltmp2, $4  }
0x7d: {  	[spmem:s2] =	stream.indirect.scatter.add.f32 [tilespmem:s16], [sflag:$0x2], $0x80, s25, s20, $0xb8;
	[tilespmem:$0x19800] =	vst v63  }
0x7e: {  	_ =	swait.ge [sflag:s17], $0x4000  }
0x7f: {  	[sflag:s17] =	ssyncset.done $0x0  }
0x80: {  	[sflag:s17] =	ssyncadd.s32 $0xFFFFC000  }
0x81: {  	s23 =	sadd.s32 $0x1, s23  }
0x82: {  	p0 =	sne.s32 s23, $0x5  }
.Ltmp3:
0x83: {  	_ = 	snop;
	(pc) =	sbr.rel @p0 .LBB2_4-.Ltmp3, $1  }
0x84: {  	_ =	sdelay $0x3  }
0x85: {  	s4 =	sadd.s32 $0x1, s4  }
0x86: {  	s22 =	sshll.u32 s3, $0x6;
	[bflag:$0x0] =	sbarrier.arrive $0xFFFF;
	p0 =	sne.s32 s4, s11  }
.Ltmp4:
0x87: {  	s23 =	sshrl.u32 s8, $0x3;
	s22 =	sor.u32 $0x1C02, s22;
	(pc) =	sbr.rel @p0 .LBB2_1-.Ltmp4, $4  }
0x88: {  	[hbm:s10], [sflag:s22] =	dma.local [spmem:s23], $0x2800  }
0x89: {  	_ =	swait.ge [sflag:s17], $0x2800  }
0x8a: {  	[sflag:s17] =	ssyncset.done $0x0  }
0x8b: {  	[sflag:s17] =	ssyncadd.s32 $0xFFFFD800  }
0x8c: {  	_ =	sfence.sel $0x180000  }
0x8d: {  	[bflag:$0x0] =	sbarrier.arrive $0xFFFF  }
0x8e: {  	p0 =	sne.s32 s3, $0x0;
	_ =	strace $0x9000004A  }
0x8f: {  	s0 =	sadd.s32 @!p0 $0x100000, s0;
	[bflag:$0x2] =	sbarrier.arrive $0xFFFF  }
0x90: {  	[sflag:s0] =	ssyncadd.tile.s32 @!p0 $0x1;
	_ =	shalt  }
.Lfunc_end2:
_tile_overlayer_lowered:
.L_overlay_start_2:
0x91: {  	(tag) =	ssettag $0x2  }
0x92: {  	s0 =	rddreg [dreg:$0x0];
	s2 =	stileid.u32  }
0x93: {  	s1 =	rddreg [dreg:$0x1];
	p0 =	sne.s32 s2, $0x0  }
0x94: {  	s3 =	rddreg [dreg:$0x2];
	[bflag:$0x3] =	sbarrier.arrive $0xFFFF;
	s2 =	simm.s32 @!p0 $0x1C02  }
0x95: {  	[timem:s3], [sflag:s2] =	dma.local @!p0 [hbm:s0], s1  }
0x96: {  	s0 =	simm.s32 @!p0 $0x2  }
0x97: {  	_ =	swait.ge @!p0 [sflag:s0], s1  }
0x98: {  	s1 =	ssub.s32 @!p0 $0x0, s1;
	[sflag:s0] =	ssyncset.done @!p0 $0x0  }
0x99: {  	[sflag:s0] =	ssyncadd.s32 @!p0 s1  }
0x9a: {  	[bflag:$0x3] =	sbarrier.arrive $0xFFFF  }
0x9b: {  	_ =	shalt  }

// kernel: kernel.15.cloned.1.call-start
scs
__scs_entry_jumppad:
0x0: {  	(pc) =	sbr.rel $0x88, $3  }
0x1: {  	(tag) =	ssettag $0x0;
	lr =	simm.s32 $0x1  }
0x2: {  	[smem:$0x3F97] =	sst lr;
	_ =	strace $0xD0000000  }
0x3: {  	_ = 	snop  }
0x4: {  	_ = 	snop  }
0x5: {  	_ = 	snop  }
0x6: {  	_ = 	snop  }
0x7: {  	_ = 	snop  }
__scs_overlays_trampoline_lowered:
0x8: {  	[smem:$0x3FA6] =	sst s0  }
0x9: {  	[smem:$0x3FA7] =	sst s1  }
0xa: {  	[smem:$0x3FA8] =	sst s2  }
0xb: {  	[smem:$0x3FA9] =	sst s3  }
0xc: {  	[smem:$0x3FAA] =	sst s4  }
0xd: {  	[smem:$0x3FAB] =	sst s5  }
0xe: {  	[smem:$0x3FAC] =	sst s6  }
0xf: {  	[smem:$0x3FAD] =	sst s7  }
0x10: {  	[smem:$0x3FAE] =	sst s8  }
0x11: {  	[smem:$0x3FAF] =	sst s9;
	s0 =	simm.s32 @!p0 $0x0  }
0x12: {  	s1 =	sld [smem:$0x3F95];
	s0 =	simm.s32 @p0 $0x1  }
0x13: {  	[smem:$0x3FB0] =	sst s0;
	s0 =	simm.s32 @!p1 $0x0  }
0x14: {  	s2 =	sld [smem:$0x3F94];
	s0 =	simm.s32 @p1 $0x1  }
0x15: {  	[smem:$0x3FB1] =	sst s0;
	s0 =	simm.s32 @!p2 $0x0  }
0x16: {  	s3 =	sld [smem:$0x3FDB];
	s0 =	simm.s32 @p2 $0x1  }
0x17: {  	s4 =	simm.s32 $0x1BF5;
	[smem:$0x3FB3] =	sst s0  }
0x18: {  	s0 =	sld [smem:$0x3F96];
	_ =	swait.ge [sflag:s4], $0x0  }
0x19: {  	s7 =	sld [smem:$0x3F97]  }
0x1a: {  	s8 =	sadd.s32 $0xFFFFE003, lr  }
0x1b: {  	s9 =	sadd.s32 $0xFFFFFEF7, lr;
	s5 =	simm.s32 $0xFFFFFFFF;
	p2 =	slt.u32 s8, $0xFFFFF086  }
0x1c: {  	p1 =	slt.u32 s9, $0xF7A;
	s5 =	simm.s32 @!p2 $0x0  }
0x1d: {  	s5 =	simm.s32 @p1 $0x1;
	p0 =	seq.s32 s7, s2  }
0x1e: {  	s7 =	smul.u32 @!p0 $0xF7A, s2;
	p2 =	seq.s32 @!p0 s5, $0x0  }
0x1f: {  	s9 =	smul.u32 $0xF7A, s1;
	s8 =	simm.s32 @!p0 $0x1BF5;
	p2 =	por !p2, p0  }
0x20: {  	[sflag:s8] =	ssyncset.s32 @!p0 $0xFFFFF086;
	s6 =	sadd.s32 @!p0 s3, s7;
	s7 =	simm.s32 @!p0 $0x108  }
0x21: {  	s3 =	sadd.s32 s3, s9;
	s6 =	sadd.s32 @!p0 $0x88, s6;
	s7 =	simm.s32 @p2 $0x1082  }
0x22: {  	[simem:s7], [sflag:s8] =	dma.local @!p0 [hbm:s6], $0xF7A  }
0x23: {  	s9 =	sor.u32 $0xD0000000, s2;
	s6 =	simm.s32 $0x108;
	_ =	swait.ge @!p0 [sflag:s8], $0x0  }
0x24: {  	s3 =	sadd.s32 $0x88, s3;
	s6 =	simm.s32 @!p1 $0x1082;
	[sflag:s4] =	ssyncset.s32 $0xFFFFF086  }
0x25: {  	[simem:s6], [sflag:s4] =	dma.local [hbm:s3], $0xF7A  }
0x26: {  	[smem:$0x3F97] =	sst s1;
	(tag) =	ssettag s2;
	_ =	strace s9  }
0x27: {  	s1 =	sld [smem:$0x3FA7]  }
0x28: {  	s2 =	sld [smem:$0x3FA8]  }
0x29: {  	s4 =	sld [smem:$0x3FAA]  }
0x2a: {  	p0 =	seq.s32 s5, $0x0;
	s5 =	sld [smem:$0x3FAB]  }
0x2b: {  	s6 =	sld [smem:$0x3FAC]  }
0x2c: {  	s7 =	sld [smem:$0x3FAD]  }
0x2d: {  	s3 =	simm.s32 $0x108;
	s8 =	sld [smem:$0x3FAE]  }
0x2e: {  	s3 =	simm.s32 @!p0 $0x1082;
	s9 =	sld [smem:$0x3FAF]  }
0x2f: {  	lr =	sadd.s32 s0, s3;
	s0 =	sld [smem:$0x3FA6]  }
0x30: {  	s3 =	sld [smem:$0x3FA9]  }
0x31: {  	[smem:$0x3FB2] =	sst s10  }
0x32: {  	s10 =	sld [smem:$0x3FB0];
	_ =	sdelay $0x3  }
0x33: {  	p0 =	seq.s32 s10, $0x1;
	s10 =	sld [smem:$0x3FB2];
	_ =	sdelay $0x3  }
0x34: {  	[smem:$0x3FB2] =	sst s10  }
0x35: {  	s10 =	sld [smem:$0x3FB1];
	_ =	sdelay $0x3  }
0x36: {  	p1 =	seq.s32 s10, $0x1;
	s10 =	sld [smem:$0x3FB2];
	_ =	sdelay $0x3  }
0x37: {  	[smem:$0x3FB2] =	sst s10  }
0x38: {  	s10 =	sld [smem:$0x3FB3]  }
0x39: {  	_ = 	snop;
	(pc) =	sbr.ind lr, $3  }
0x3a: {  	_ = 	snop  }
0x3b: {  	_ = 	snop  }
0x3c: {  	p2 =	seq.s32 s10, $0x1;
	s10 =	sld [smem:$0x3FB2]  }
0x3d: {  	_ =	shalt  }
0x3e: {  	_ =	shalt  }
0x3f: {  	_ =	shalt  }
0x40: {  	_ =	shalt  }
0x41: {  	_ =	shalt  }
0x42: {  	_ =	shalt  }
0x43: {  	_ =	shalt  }
0x44: {  	_ =	shalt  }
0x45: {  	_ =	shalt  }
0x46: {  	_ =	shalt  }
0x47: {  	_ =	shalt  }
0x48: {  	_ =	shalt  }
0x49: {  	_ =	shalt  }
0x4a: {  	_ =	shalt  }
0x4b: {  	_ =	shalt  }
0x4c: {  	_ =	shalt  }
0x4d: {  	_ =	shalt  }
0x4e: {  	_ =	shalt  }
0x4f: {  	_ =	shalt  }
0x50: {  	_ =	shalt  }
0x51: {  	_ =	shalt  }
0x52: {  	_ =	shalt  }
0x53: {  	_ =	shalt  }
0x54: {  	_ =	shalt  }
0x55: {  	_ =	shalt  }
0x56: {  	_ =	shalt  }
0x57: {  	_ =	shalt  }
0x58: {  	_ =	shalt  }
0x59: {  	_ =	shalt  }
0x5a: {  	_ =	shalt  }
0x5b: {  	_ =	shalt  }
0x5c: {  	_ =	shalt  }
0x5d: {  	_ =	shalt  }
0x5e: {  	_ =	shalt  }
0x5f: {  	_ =	shalt  }
0x60: {  	_ =	shalt  }
0x61: {  	_ =	shalt  }
0x62: {  	_ =	shalt  }
0x63: {  	_ =	shalt  }
0x64: {  	_ =	shalt  }
0x65: {  	_ =	shalt  }
0x66: {  	_ =	shalt  }
0x67: {  	_ =	shalt  }
0x68: {  	_ =	shalt  }
0x69: {  	_ =	shalt  }
0x6a: {  	_ =	shalt  }
0x6b: {  	_ =	shalt  }
0x6c: {  	_ =	shalt  }
0x6d: {  	_ =	shalt  }
0x6e: {  	_ =	shalt  }
0x6f: {  	_ =	shalt  }
0x70: {  	_ =	shalt  }
0x71: {  	_ =	shalt  }
0x72: {  	_ =	shalt  }
0x73: {  	_ =	shalt  }
0x74: {  	_ =	shalt  }
0x75: {  	_ =	shalt  }
0x76: {  	_ =	shalt  }
0x77: {  	_ =	shalt  }
0x78: {  	_ =	shalt  }
0x79: {  	_ =	shalt  }
0x7a: {  	_ =	shalt  }
0x7b: {  	_ =	shalt  }
0x7c: {  	_ =	shalt  }
0x7d: {  	_ =	shalt  }
0x7e: {  	_ =	shalt  }
0x7f: {  	_ =	shalt  }
0x80: {  	_ =	shalt  }
0x81: {  	_ =	shalt  }
0x82: {  	_ =	shalt  }
0x83: {  	_ =	shalt  }
0x84: {  	_ =	shalt  }
0x85: {  	_ =	shalt  }
0x86: {  	_ =	shalt  }
0x87: {  	_ =	shalt  }
.Lfunc_end0:
.L_simem_size_0:
called_computation.2_lowered:
.L_overlay_start_0:
0x88: {  	s2 =	sld [smem:$0x3FD9]  }
0x89: {  	s3 =	sld [smem:$0x3FFE];
	_ =	sdelay $0x1  }
0x8a: {  	s1 =	srdreg.scid  }
0x8b: {  	s0 =	sand.u32 $0x1, s1  }
0x8c: {  	s17 =	sshll.u32 s0, $0xA;
	s2 =	sadd.s32 s3, s2  }
0x8d: {  	s2 =	sadd.s32 s2, s17  }
0x8e: {  	[smem:$0x3FBE] =	sst s2  }
0x8f: {  	_ = 	snop  }
0x90: {  	s2 =	sld [smem:$0x3FD0];
	(tm) =	ssettm $0x1  }
0x91: {  	s18 =	sld [smem:$0x3FFB];
	_ =	sdelay $0x3  }
0x92: {  	_ =	strace s18  }
0x93: {  	s3 =	sld [smem:$0x3FFC];
	_ =	sdelay $0x3  }
0x94: {  	_ =	strace s3  }
0x95: {  	s3 =	sld [smem:$0x3FFD];
	_ =	sdelay $0x3  }
0x96: {  	_ =	strace s3  }
0x97: {  	_ =	strace $0x8FFFFFFF  }
0x98: {  	s19 =	sld [smem:$0x3FDB];
	_ =	sdelay $0x1  }
0x99: {  	s4 =	simm.s32 $_scs_section_size  }
0x9a: {  	s5 =	simm.s32 $_size__tile_overlayer_lowered;
	s6 =	simm.s32 $_tile_overlayer_lowered  }
0x9b: {  	s22 =	simm.s32 $0x1BFF;
	s21 =	sshll.u32 s6, $0x1;
	s3 =	sadd.s32 s4, s19  }
0x9c: {  	s7 =	simm.s32 $0x0;
	s20 =	sshll.u32 s5, $0x1;
	s5 =	sadd.s32 s21, s3  }
0x9d: {  	[timem:s7], [sflag:s22] =	dma.local [hbm:s5], s20  }
0x9e: {  	_ =	swait.ge [sflag:s22], s20  }
0x9f: {  	s4 =	ssub.s32 $0x0, s20;
	[sflag:s22] =	ssyncset.done $0x0  }
0xa0: {  	[sflag:s22] =	ssyncadd.s32 s4;
	_ =	sdelay $0x1  }
0xa1: {  	s23 =	simm.s32 $0x1B8B  }
0xa2: {  	_ =	swait.ge [sflag:s23], $0x1  }
0xa3: {  	[sflag:s23] =	ssyncset.done $0x0  }
0xa4: {  	s25 =	simm.s32 $0x1B8E;
	s24 =	sld [smem:$0x3FFE];
	[sflag:s23] =	ssyncadd.s32 $0xFFFFFFFF  }
0xa5: {  	s26 =	simm.s32 $execute0_lowered;
	[smem:$0x3FD2] =	sst s25  }
0xa6: {  	s5 =	sshll.u32 s26, $0x1;
	_ =	strace $0x8000004C;
	[dreg:$0x1] =	wrdreg $0xFFFFFFFF  }
0xa7: {  	s28 =	simm.s32 $_size_execute0_lowered;
	s3 =	sadd.s32 s3, s5;
	[dreg:$0x0] =	wrdreg $0x0  }
0xa8: {  	s5 =	sshll.u32 s28, $0x1;
	[dreg:$0x2] =	wrdreg s3  }
0xa9: {  	[dreg:$0x3] =	wrdreg s5  }
0xaa: {  	[dreg:$0x4] =	wrdreg $0xC0  }
0xab: {  	_ =	task [dreg:s7], $0x5FFFF  }
0xac: {  	[dreg:$0x1] =	wrdreg $0xFFFFFFFF  }
0xad: {  	[dreg:$0x0] =	wrdreg $0x60  }
0xae: {  	[dreg:$0x2] =	wrdreg s2  }
0xaf: {  	[dreg:$0x3] =	wrdreg s24  }
0xb0: {  	[dreg:$0x4] =	wrdreg $0x9  }
0xb1: {  	_ =	task.clear_ibuf [dreg:s7], $0x5FFFF;
	_ =	strace $0x9000004C  }
0xb2: {  	s29 =	simm.s32 $0x9;
	_ =	strace $0x8000004E  }
0xb3: {  	_ =	swait.ge [sflag:s29], $0x1  }
0xb4: {  	[sflag:s29] =	ssyncadd.s32 $0xFFFFFFFF  }
0xb5: {  	_ =	strace $0x9000004E  }
0xb6: {  	_ =	sfence  }
0xb7: {  	s30 =	sld [smem:$0x0];
	_ =	sdelay $0x2  }
0xb8: {  	s31 =	sshll.u32 s1, $0xD;
	s1 =	sshrl.u32 s1, $0x2  }
0xb9: {  	s3 =	sand.u32 $0x4000, s31;
	s1 =	sadd.s32 s1, s30  }
0xba: {  	s0 =	sor.u32 s3, s0;
	s1 =	sshll.u32 s1, $0x11  }
0xbb: {  	s0 =	sor.u32 s1, s0  }
0xbc: {  	s0 =	sadd.s32 $0x8F2B, s0  }
0xbd: {  	[sflag:s0] =	ssyncadd.remote.s32 $0x1  }
0xbe: {  	_ =	sfence.sel $0xFFFF  }
0xbf: {  	[dreg:$0x0] =	wrdreg $0xFFFFFFFF;
	(pc) =	sbr.abs _section_cstart, $3  }
0xc0: {  	[dreg:$0x1] =	wrdreg $0xFFFFFFFF  }
0xc1: {  	_ =	task.clear_ibuf [dreg:s7], $0x2FFFF;
	_ =	strace $0x9FFFFFFF  }
0xc2: {  	(tm) =	ssettm $0x7FFFFFFF  }
0xc3: {  	_ =	shalt  }
tec
execute0_lowered:
.L_overlay_start_1:
0x0: {  	(tag) =	ssettag $0x1  }
0x1: {  	s5 =	rddreg [dreg:$0x0]  }
0x2: {  	s0 =	srdreg.scid;
	s4 =	rddreg [dreg:$0x1]  }
0x3: {  	s2 =	simm.s32 $0x0;
	s12 =	simm.s32 $0x1;
	s13 =	simm.s32 $0x2800  }
0x4: {  	s14 =	simm.s32 $0xA000;
	s15 =	simm.s32 $0xC800;
	s16 =	simm.s32 $0x7800  }
0x5: {  	s17 =	simm.s32 $0x5000;
	s18 =	simm.s32 $0x0;
	s3 =	sand.u32 $0x1, s0  }
0x6: {  	s0 =	stileid.u32;
	[smem:$0x7FF] =	sst s2;
	s1 =	sshll.u32 s3, $0x4  }
0x7: {  	s8 =	sshll.u32 s0, $0x7;
	s31 =	ssub.s32 $0x2, s3;
	s6 =	sor.u32 s0, s1  }
0x8: {  	s3 =	sadd.s32 $0xD800, s4;
	s7 =	sshrl.u32 s6, $0x3;
	s6 =	smul.u32 $0x500, s6  }
0x9: {  	s1 =	rddreg [dreg:$0x2];
	s9 =	sshrl.u32 s31, $0x1;
	s7 =	smul.u32 $0x14000, s7  }
0xa: {  	_ =	strace $0x8000004D;
	s8 =	sand.u32 $0x380, s8;
	s9 =	ssub.s32 s31, s9  }
0xb: {  	s9 =	smax.u32 s9, $0x1;
	s10 =	sadd.s32 s6, s4;
	s7 =	sor.u32 s8, s7  }
0xc: {  	s5 =	sadd.s32 s5, s6;
	s6 =	sadd.s32 $0x3800, s10;
	s7 =	sshrl.u32 s7, $0x3  }
0xd: {  	s11 =	sadd.s32 s7, s4;
	s4 =	sadd.s32 $0xD810, s4;
	s7 =	sadd.s32 $0x38000, s10  }
0xe: {  	v0 =	vimm.f32 $0.0e+00;
	s10 =	simm.s32 $0x80;
	s8 =	sadd.s32 $0x42000, s11;
	s11 =	simm.s32 $0x400  }
.LBB2_1:
0xf: {  	s19 =	simm.s32 $0x40;
	s20 =	simm.s32 $0x0  }
.LBB2_2:
0x10: {  	p0 =	sne.s32 s19, $0x9FC0;
	[tilespmem:s20+$0x7800] =	vst v0;
	s20 =	smov.u32 s19;
	s19 =	sadd.s32 $0x40, s19  }
.Ltmp0:
0x11: {  	(pc) =	sbr.rel @p0 .LBB2_2-.Ltmp0, $2  }
0x12: {  	_ =	sdelay $0x2  }
0x13: {  	s20 =	sshra.s32 s20, $0x2  }
0x14: {  	[tilespmem:s20+$0x7800] =	vst v0;
	s19 =	simm.s32 $0x0  }
0x15: {  	[tilespmem:s19], [sflag:$0x1] =	stream.strided.gather [hbm4b:s3+s10], $0x2800, s11, s10, $0x38;
	[tilespmem:$0xF000] =	vst v63  }
0x16: {  	_ =	swait.ge [sflag:s12], $0x2800  }
0x17: {  	[sflag:s12] =	ssyncset.done $0x0  }
0x18: {  	[sflag:s12] =	ssyncadd.s32 $0xFFFFD800  }
0x19: {  	[tilespmem:s13], [sflag:$0x1] =	stream.strided.gather [hbm4b:s4+s10], $0x2800, s11, s10, $0x38;
	[tilespmem:$0xF000] =	vst v63  }
0x1a: {  	_ =	swait.ge [sflag:s12], $0x2800  }
0x1b: {  	[sflag:s12] =	ssyncset.done $0x0  }
0x1c: {  	[sflag:s12] =	ssyncadd.s32 $0xFFFFD800  }
0x1d: {  	[tilespmem:s14], [sflag:$0x1] =	stream.linear.gather [hbm4b:s5+s19], $0x2800, $0x38;
	[tilespmem:$0xF000] =	vst v63  }
0x1e: {  	_ =	swait.ge [sflag:s12], $0x2800  }
0x1f: {  	[sflag:s12] =	ssyncset.done $0x0  }
0x20: {  	[sflag:s12] =	ssyncadd.s32 $0xFFFFD800  }
0x21: {  	[tilespmem:s15], [sflag:$0x1] =	stream.linear.gather [hbm4b:s6+s19], $0x2800, $0x38;
	[tilespmem:$0xF000] =	vst v63  }
0x22: {  	_ =	swait.ge [sflag:s12], $0x2800  }
0x23: {  	[sflag:s12] =	ssyncset.done $0x0  }
0x24: {  	[sflag:s12] =	ssyncadd.s32 $0xFFFFD800  }
.LBB2_4:
0x25: {  	s20 =	sshra.s32 s19, $0x2  }
0x26: {  	v1 =	vld [tilespmem:s20+$0xA000]  }
0x27: {  	v2 =	vld [tilespmem:s20+$0xC800];
	_ =	sdelay $0x6  }
0x28: {  	v1 =	vld.idx.msk [tilespmem:v1+s2+$0x0], $0xffff  }
0x29: {  	v3 =	vld.idx.msk [tilespmem:v2+s13+$0x0], $0xffff;
	_ =	sdelay $0x4  }
0x2a: {  	v1 =	vadd.f32 v3, v1;
	_ =	sdelay $0x1  }
0x2b: {  	v3 =	vmul.f32 $2.000000030e-01, v1  }
0x2c: {  	vm0 =	vge.f32 v1, $0.0e+00  }
0x2d: {  	v1 =	vsel vm0, v1, v3  }
0x2e: {  	v1 =	vmul.f32 $1.442695020e+00, v1;
	_ =	sdelay $0x1  }
0x2f: {  	(erf) = vpow2.f32 v1;
	_ =	sdelay $0x8  }
0x30: {  	v1 =	vpop (erf)  }
0x31: {  	[tilespmem:s20+$0x5000] =	vst v1  }
0x32: {  	[tilespmem:v2+s16+$0x0] =	vst.idx.add.f32.msk $0xffff, v1  }
0x33: {  	v1 =	vld [tilespmem:s20+$0xA010]  }
0x34: {  	v2 =	vld [tilespmem:s20+$0xC810];
	_ =	sdelay $0x6  }
0x35: {  	v1 =	vld.idx.msk [tilespmem:v1+s2+$0x0], $0xffff  }
0x36: {  	v3 =	vld.idx.msk [tilespmem:v2+s13+$0x0], $0xffff;
	_ =	sdelay $0x4  }
0x37: {  	v1 =	vadd.f32 v3, v1;
	_ =	sdelay $0x1  }
0x38: {  	v3 =	vmul.f32 $2.000000030e-01, v1  }
0x39: {  	vm9 =	vge.f32 v1, $0.0e+00  }
0x3a: {  	v1 =	vsel vm9, v1, v3  }
0x3b: {  	v1 =	vmul.f32 $1.442695020e+00, v1;
	_ =	sdelay $0x1  }
0x3c: {  	(erf) = vpow2.f32 v1;
	_ =	sdelay $0x8  }
0x3d: {  	v1 =	vpop (erf)  }
0x3e: {  	[tilespmem:s20+$0x5010] =	vst v1  }
0x3f: {  	[tilespmem:v2+s16+$0x0] =	vst.idx.add.f32.msk $0xffff, v1  }
0x40: {  	v1 =	vld [tilespmem:s20+$0xA020]  }
0x41: {  	v2 =	vld [tilespmem:s20+$0xC820];
	_ =	sdelay $0x6  }
0x42: {  	v1 =	vld.idx.msk [tilespmem:v1+s2+$0x0], $0xffff  }
0x43: {  	v3 =	vld.idx.msk [tilespmem:v2+s13+$0x0], $0xffff;
	_ =	sdelay $0x4  }
0x44: {  	v1 =	vadd.f32 v3, v1;
	_ =	sdelay $0x1  }
0x45: {  	v3 =	vmul.f32 $2.000000030e-01, v1  }
0x46: {  	vm10 =	vge.f32 v1, $0.0e+00  }
0x47: {  	v1 =	vsel vm10, v1, v3  }
0x48: {  	v1 =	vmul.f32 $1.442695020e+00, v1;
	_ =	sdelay $0x1  }
0x49: {  	(erf) = vpow2.f32 v1;
	_ =	sdelay $0x8  }
0x4a: {  	v1 =	vpop (erf)  }
0x4b: {  	[tilespmem:s20+$0x5020] =	vst v1  }
0x4c: {  	[tilespmem:v2+s16+$0x0] =	vst.idx.add.f32.msk $0xffff, v1  }
0x4d: {  	v1 =	vld [tilespmem:s20+$0xA030]  }
0x4e: {  	v2 =	vld [tilespmem:s20+$0xC830];
	_ =	sdelay $0x6  }
0x4f: {  	v1 =	vld.idx.msk [tilespmem:v1+s2+$0x0], $0xffff  }
0x50: {  	v3 =	vld.idx.msk [tilespmem:v2+s13+$0x0], $0xffff;
	_ =	sdelay $0x4  }
0x51: {  	v1 =	vadd.f32 v3, v1;
	_ =	sdelay $0x1  }
0x52: {  	v3 =	vmul.f32 $2.000000030e-01, v1  }
0x53: {  	vm11 =	vge.f32 v1, $0.0e+00  }
0x54: {  	v1 =	vsel vm11, v1, v3  }
0x55: {  	v1 =	vmul.f32 $1.442695020e+00, v1;
	_ =	sdelay $0x1  }
0x56: {  	(erf) = vpow2.f32 v1;
	_ =	sdelay $0x8  }
0x57: {  	v1 =	vpop (erf)  }
0x58: {  	[tilespmem:s20+$0x5030] =	vst v1  }
0x59: {  	[tilespmem:v2+s16+$0x0] =	vst.idx.add.f32.msk $0xffff, v1  }
0x5a: {  	v1 =	vld [tilespmem:s20+$0xA040]  }
0x5b: {  	v2 =	vld [tilespmem:s20+$0xC840];
	_ =	sdelay $0x6  }
0x5c: {  	v1 =	vld.idx.msk [tilespmem:v1+s2+$0x0], $0xffff  }
0x5d: {  	v3 =	vld.idx.msk [tilespmem:v2+s13+$0x0], $0xffff;
	_ =	sdelay $0x4  }
0x5e: {  	v1 =	vadd.f32 v3, v1;
	_ =	sdelay $0x1  }
0x5f: {  	v3 =	vmul.f32 $2.000000030e-01, v1  }
0x60: {  	vm12 =	vge.f32 v1, $0.0e+00  }
0x61: {  	v1 =	vsel vm12, v1, v3  }
0x62: {  	v1 =	vmul.f32 $1.442695020e+00, v1;
	_ =	sdelay $0x1  }
0x63: {  	(erf) = vpow2.f32 v1;
	_ =	sdelay $0x8  }
0x64: {  	v1 =	vpop (erf)  }
0x65: {  	[tilespmem:s20+$0x5040] =	vst v1  }
0x66: {  	[tilespmem:v2+s16+$0x0] =	vst.idx.add.f32.msk $0xffff, v1  }
0x67: {  	v1 =	vld [tilespmem:s20+$0xA050]  }
0x68: {  	v2 =	vld [tilespmem:s20+$0xC850];
	_ =	sdelay $0x6  }
0x69: {  	v1 =	vld.idx.msk [tilespmem:v1+s2+$0x0], $0xffff  }
0x6a: {  	v3 =	vld.idx.msk [tilespmem:v2+s13+$0x0], $0xffff;
	_ =	sdelay $0x4  }
0x6b: {  	v1 =	vadd.f32 v3, v1;
	_ =	sdelay $0x1  }
0x6c: {  	v3 =	vmul.f32 $2.000000030e-01, v1  }
0x6d: {  	vm13 =	vge.f32 v1, $0.0e+00  }
0x6e: {  	v1 =	vsel vm13, v1, v3  }
0x6f: {  	v1 =	vmul.f32 $1.442695020e+00, v1;
	_ =	sdelay $0x1  }
0x70: {  	(erf) = vpow2.f32 v1;
	_ =	sdelay $0x8  }
0x71: {  	v1 =	vpop (erf)  }
0x72: {  	[tilespmem:s20+$0x5050] =	vst v1  }
0x73: {  	[tilespmem:v2+s16+$0x0] =	vst.idx.add.f32.msk $0xffff, v1  }
0x74: {  	v1 =	vld [tilespmem:s20+$0xA060]  }
0x75: {  	v2 =	vld [tilespmem:s20+$0xC860];
	_ =	sdelay $0x6  }
0x76: {  	v1 =	vld.idx.msk [tilespmem:v1+s2+$0x0], $0xffff  }
0x77: {  	v3 =	vld.idx.msk [tilespmem:v2+s13+$0x0], $0xffff;
	_ =	sdelay $0x4  }
0x78: {  	v1 =	vadd.f32 v3, v1;
	_ =	sdelay $0x1  }
0x79: {  	v3 =	vmul.f32 $2.000000030e-01, v1  }
0x7a: {  	vm14 =	vge.f32 v1, $0.0e+00  }
0x7b: {  	v1 =	vsel vm14, v1, v3  }
0x7c: {  	v1 =	vmul.f32 $1.442695020e+00, v1;
	_ =	sdelay $0x1  }
0x7d: {  	(erf) = vpow2.f32 v1;
	_ =	sdelay $0x8  }
0x7e: {  	v1 =	vpop (erf)  }
0x7f: {  	[tilespmem:s20+$0x5060] =	vst v1  }
0x80: {  	[tilespmem:v2+s16+$0x0] =	vst.idx.add.f32.msk $0xffff, v1  }
0x81: {  	v1 =	vld [tilespmem:s20+$0xA070]  }
0x82: {  	v2 =	vld [tilespmem:s20+$0xC870];
	_ =	sdelay $0x6  }
0x83: {  	v1 =	vld.idx.msk [tilespmem:v1+s2+$0x0], $0xffff  }
0x84: {  	v3 =	vld.idx.msk [tilespmem:v2+s13+$0x0], $0xffff;
	_ =	sdelay $0x4  }
0x85: {  	v1 =	vadd.f32 v3, v1;
	_ =	sdelay $0x1  }
0x86: {  	v3 =	vmul.f32 $2.000000030e-01, v1  }
0x87: {  	vm15 =	vge.f32 v1, $0.0e+00  }
0x88: {  	v1 =	vsel vm15, v1, v3  }
0x89: {  	v1 =	vmul.f32 $1.442695020e+00, v1;
	_ =	sdelay $0x1  }
0x8a: {  	(erf) = vpow2.f32 v1;
	_ =	sdelay $0x5  }
0x8b: {  	p0 =	sne.s32 s19, $0x9E00  }
.Ltmp1:
0x8c: {  	_ = 	snop;
	(pc) =	sbr.rel @p0 .LBB2_4-.Ltmp1, $4  }
0x8d: {  	_ = 	snop  }
0x8e: {  	v1 =	vpop (erf)  }
0x8f: {  	[tilespmem:s20+$0x5070] =	vst v1  }
0x90: {  	s19 =	sadd.s32 $0x200, s19;
	[tilespmem:v2+s16+$0x0] =	vst.idx.add.f32.msk $0xffff, v1  }
0x91: {  	[hbm4b:s7+s2] =	stream.linear.scatter [tilespmem:s17], [sflag:$0x1], $0x2800, $0x38;
	[tilespmem:$0xF000] =	vst v63  }
0x92: {  	s18 =	sadd.s32 $0x1, s18;
	_ =	swait.ge [sflag:s12], $0x2800  }
0x93: {  	p0 =	sne.s32 s18, s9;
	[sflag:s12] =	ssyncset.done $0x0  }
.Ltmp2:
0x94: {  	[sflag:s12] =	ssyncadd.s32 $0xFFFFD800;
	(pc) =	sbr.rel @p0 .LBB2_1-.Ltmp2, $4  }
0x95: {  	[hbm4b:s8+s10] =	stream.strided.scatter [tilespmem:s16], [sflag:$0x1], $0x2800, s11, s10, $0x38;
	[tilespmem:$0xF000] =	vst v63  }
0x96: {  	_ =	swait.ge [sflag:s12], $0x2800  }
0x97: {  	[sflag:s12] =	ssyncset.done $0x0  }
0x98: {  	[sflag:s12] =	ssyncadd.s32 $0xFFFFD800  }
0x99: {  	_ =	sfence.sel $0x180000  }
0x9a: {  	[bflag:$0x0] =	sbarrier.arrive $0xFFFF  }
0x9b: {  	p0 =	sne.s32 s0, $0x0;
	_ =	strace $0x9000004D  }
0x9c: {  	s0 =	sadd.s32 @!p0 $0x100000, s1;
	[bflag:$0x2] =	sbarrier.arrive $0xFFFF  }
0x9d: {  	[sflag:s0] =	ssyncadd.tile.s32 @!p0 $0x1;
	_ =	shalt  }
.Lfunc_end2:
_tile_overlayer_lowered:
.L_overlay_start_2:
0x9e: {  	(tag) =	ssettag $0x2  }
0x9f: {  	s0 =	rddreg [dreg:$0x0];
	s2 =	stileid.u32  }
0xa0: {  	s1 =	rddreg [dreg:$0x1];
	p0 =	sne.s32 s2, $0x0  }
0xa1: {  	s3 =	rddreg [dreg:$0x2];
	[bflag:$0x3] =	sbarrier.arrive $0xFFFF;
	s2 =	simm.s32 @!p0 $0x1C01  }
0xa2: {  	[timem:s3], [sflag:s2] =	dma.local @!p0 [hbm:s0], s1  }
0xa3: {  	s0 =	simm.s32 @!p0 $0x1  }
0xa4: {  	_ =	swait.ge @!p0 [sflag:s0], s1  }
0xa5: {  	s1 =	ssub.s32 @!p0 $0x0, s1;
	[sflag:s0] =	ssyncset.done @!p0 $0x0  }
0xa6: {  	[sflag:s0] =	ssyncadd.s32 @!p0 s1  }
0xa7: {  	[bflag:$0x3] =	sbarrier.arrive $0xFFFF  }
0xa8: {  	_ =	shalt  }

// kernel: kernel.18.cloned.1.call-start
scs
__scs_entry_jumppad:
0x0: {  	(pc) =	sbr.rel $0x88, $3  }
0x1: {  	(tag) =	ssettag $0x0;
	lr =	simm.s32 $0x1  }
0x2: {  	[smem:$0x3F97] =	sst lr;
	_ =	strace $0xD0000000  }
0x3: {  	_ = 	snop  }
0x4: {  	_ = 	snop  }
0x5: {  	_ = 	snop  }
0x6: {  	_ = 	snop  }
0x7: {  	_ = 	snop  }
__scs_overlays_trampoline_lowered:
0x8: {  	[smem:$0x3FA6] =	sst s0  }
0x9: {  	[smem:$0x3FA7] =	sst s1  }
0xa: {  	[smem:$0x3FA8] =	sst s2  }
0xb: {  	[smem:$0x3FA9] =	sst s3  }
0xc: {  	[smem:$0x3FAA] =	sst s4  }
0xd: {  	[smem:$0x3FAB] =	sst s5  }
0xe: {  	[smem:$0x3FAC] =	sst s6  }
0xf: {  	[smem:$0x3FAD] =	sst s7  }
0x10: {  	[smem:$0x3FAE] =	sst s8  }
0x11: {  	[smem:$0x3FAF] =	sst s9;
	s0 =	simm.s32 @!p0 $0x0  }
0x12: {  	s1 =	sld [smem:$0x3F95];
	s0 =	simm.s32 @p0 $0x1  }
0x13: {  	[smem:$0x3FB0] =	sst s0;
	s0 =	simm.s32 @!p1 $0x0  }
0x14: {  	s2 =	sld [smem:$0x3F94];
	s0 =	simm.s32 @p1 $0x1  }
0x15: {  	[smem:$0x3FB1] =	sst s0;
	s0 =	simm.s32 @!p2 $0x0  }
0x16: {  	s3 =	sld [smem:$0x3FDB];
	s0 =	simm.s32 @p2 $0x1  }
0x17: {  	s4 =	simm.s32 $0x1BF5;
	[smem:$0x3FB3] =	sst s0  }
0x18: {  	s0 =	sld [smem:$0x3F96];
	_ =	swait.ge [sflag:s4], $0x0  }
0x19: {  	s7 =	sld [smem:$0x3F97]  }
0x1a: {  	s8 =	sadd.s32 $0xFFFFE003, lr  }
0x1b: {  	s9 =	sadd.s32 $0xFFFFFEF7, lr;
	s5 =	simm.s32 $0xFFFFFFFF;
	p2 =	slt.u32 s8, $0xFFFFF086  }
0x1c: {  	p1 =	slt.u32 s9, $0xF7A;
	s5 =	simm.s32 @!p2 $0x0  }
0x1d: {  	s5 =	simm.s32 @p1 $0x1;
	p0 =	seq.s32 s7, s2  }
0x1e: {  	s7 =	smul.u32 @!p0 $0xF7A, s2;
	p2 =	seq.s32 @!p0 s5, $0x0  }
0x1f: {  	s9 =	smul.u32 $0xF7A, s1;
	s8 =	simm.s32 @!p0 $0x1BF5;
	p2 =	por !p2, p0  }
0x20: {  	[sflag:s8] =	ssyncset.s32 @!p0 $0xFFFFF086;
	s6 =	sadd.s32 @!p0 s3, s7;
	s7 =	simm.s32 @!p0 $0x108  }
0x21: {  	s3 =	sadd.s32 s3, s9;
	s6 =	sadd.s32 @!p0 $0x88, s6;
	s7 =	simm.s32 @p2 $0x1082  }
0x22: {  	[simem:s7], [sflag:s8] =	dma.local @!p0 [hbm:s6], $0xF7A  }
0x23: {  	s9 =	sor.u32 $0xD0000000, s2;
	s6 =	simm.s32 $0x108;
	_ =	swait.ge @!p0 [sflag:s8], $0x0  }
0x24: {  	s3 =	sadd.s32 $0x88, s3;
	s6 =	simm.s32 @!p1 $0x1082;
	[sflag:s4] =	ssyncset.s32 $0xFFFFF086  }
0x25: {  	[simem:s6], [sflag:s4] =	dma.local [hbm:s3], $0xF7A  }
0x26: {  	[smem:$0x3F97] =	sst s1;
	(tag) =	ssettag s2;
	_ =	strace s9  }
0x27: {  	s1 =	sld [smem:$0x3FA7]  }
0x28: {  	s2 =	sld [smem:$0x3FA8]  }
0x29: {  	s4 =	sld [smem:$0x3FAA]  }
0x2a: {  	p0 =	seq.s32 s5, $0x0;
	s5 =	sld [smem:$0x3FAB]  }
0x2b: {  	s6 =	sld [smem:$0x3FAC]  }
0x2c: {  	s7 =	sld [smem:$0x3FAD]  }
0x2d: {  	s3 =	simm.s32 $0x108;
	s8 =	sld [smem:$0x3FAE]  }
0x2e: {  	s3 =	simm.s32 @!p0 $0x1082;
	s9 =	sld [smem:$0x3FAF]  }
0x2f: {  	lr =	sadd.s32 s0, s3;
	s0 =	sld [smem:$0x3FA6]  }
0x30: {  	s3 =	sld [smem:$0x3FA9]  }
0x31: {  	[smem:$0x3FB2] =	sst s10  }
0x32: {  	s10 =	sld [smem:$0x3FB0];
	_ =	sdelay $0x3  }
0x33: {  	p0 =	seq.s32 s10, $0x1;
	s10 =	sld [smem:$0x3FB2];
	_ =	sdelay $0x3  }
0x34: {  	[smem:$0x3FB2] =	sst s10  }
0x35: {  	s10 =	sld [smem:$0x3FB1];
	_ =	sdelay $0x3  }
0x36: {  	p1 =	seq.s32 s10, $0x1;
	s10 =	sld [smem:$0x3FB2];
	_ =	sdelay $0x3  }
0x37: {  	[smem:$0x3FB2] =	sst s10  }
0x38: {  	s10 =	sld [smem:$0x3FB3]  }
0x39: {  	_ = 	snop;
	(pc) =	sbr.ind lr, $3  }
0x3a: {  	_ = 	snop  }
0x3b: {  	_ = 	snop  }
0x3c: {  	p2 =	seq.s32 s10, $0x1;
	s10 =	sld [smem:$0x3FB2]  }
0x3d: {  	_ =	shalt  }
0x3e: {  	_ =	shalt  }
0x3f: {  	_ =	shalt  }
0x40: {  	_ =	shalt  }
0x41: {  	_ =	shalt  }
0x42: {  	_ =	shalt  }
0x43: {  	_ =	shalt  }
0x44: {  	_ =	shalt  }
0x45: {  	_ =	shalt  }
0x46: {  	_ =	shalt  }
0x47: {  	_ =	shalt  }
0x48: {  	_ =	shalt  }
0x49: {  	_ =	shalt  }
0x4a: {  	_ =	shalt  }
0x4b: {  	_ =	shalt  }
0x4c: {  	_ =	shalt  }
0x4d: {  	_ =	shalt  }
0x4e: {  	_ =	shalt  }
0x4f: {  	_ =	shalt  }
0x50: {  	_ =	shalt  }
0x51: {  	_ =	shalt  }
0x52: {  	_ =	shalt  }
0x53: {  	_ =	shalt  }
0x54: {  	_ =	shalt  }
0x55: {  	_ =	shalt  }
0x56: {  	_ =	shalt  }
0x57: {  	_ =	shalt  }
0x58: {  	_ =	shalt  }
0x59: {  	_ =	shalt  }
0x5a: {  	_ =	shalt  }
0x5b: {  	_ =	shalt  }
0x5c: {  	_ =	shalt  }
0x5d: {  	_ =	shalt  }
0x5e: {  	_ =	shalt  }
0x5f: {  	_ =	shalt  }
0x60: {  	_ =	shalt  }
0x61: {  	_ =	shalt  }
0x62: {  	_ =	shalt  }
0x63: {  	_ =	shalt  }
0x64: {  	_ =	shalt  }
0x65: {  	_ =	shalt  }
0x66: {  	_ =	shalt  }
0x67: {  	_ =	shalt  }
0x68: {  	_ =	shalt  }
0x69: {  	_ =	shalt  }
0x6a: {  	_ =	shalt  }
0x6b: {  	_ =	shalt  }
0x6c: {  	_ =	shalt  }
0x6d: {  	_ =	shalt  }
0x6e: {  	_ =	shalt  }
0x6f: {  	_ =	shalt  }
0x70: {  	_ =	shalt  }
0x71: {  	_ =	shalt  }
0x72: {  	_ =	shalt  }
0x73: {  	_ =	shalt  }
0x74: {  	_ =	shalt  }
0x75: {  	_ =	shalt  }
0x76: {  	_ =	shalt  }
0x77: {  	_ =	shalt  }
0x78: {  	_ =	shalt  }
0x79: {  	_ =	shalt  }
0x7a: {  	_ =	shalt  }
0x7b: {  	_ =	shalt  }
0x7c: {  	_ =	shalt  }
0x7d: {  	_ =	shalt  }
0x7e: {  	_ =	shalt  }
0x7f: {  	_ =	shalt  }
0x80: {  	_ =	shalt  }
0x81: {  	_ =	shalt  }
0x82: {  	_ =	shalt  }
0x83: {  	_ =	shalt  }
0x84: {  	_ =	shalt  }
0x85: {  	_ =	shalt  }
0x86: {  	_ =	shalt  }
0x87: {  	_ =	shalt  }
.Lfunc_end0:
.L_simem_size_0:
called_computation.3_lowered:
.L_overlay_start_0:
0x88: {  	s2 =	sld [smem:$0x3FD9]  }
0x89: {  	s3 =	sld [smem:$0x3FFE];
	_ =	sdelay $0x1  }
0x8a: {  	s1 =	srdreg.scid  }
0x8b: {  	s0 =	sand.u32 $0x1, s1  }
0x8c: {  	s17 =	sshll.u32 s0, $0xA;
	s2 =	sadd.s32 s3, s2  }
0x8d: {  	s2 =	sadd.s32 s2, s17  }
0x8e: {  	[smem:$0x3FBE] =	sst s2  }
0x8f: {  	_ = 	snop  }
0x90: {  	s2 =	sld [smem:$0x3FD0];
	(tm) =	ssettm $0x1  }
0x91: {  	s18 =	sld [smem:$0x3FFB];
	_ =	sdelay $0x3  }
0x92: {  	_ =	strace s18  }
0x93: {  	s3 =	sld [smem:$0x3FFC];
	_ =	sdelay $0x3  }
0x94: {  	_ =	strace s3  }
0x95: {  	s3 =	sld [smem:$0x3FFD];
	_ =	sdelay $0x3  }
0x96: {  	_ =	strace s3  }
0x97: {  	_ =	strace $0x8FFFFFFF  }
0x98: {  	s19 =	sld [smem:$0x3FDB];
	_ =	sdelay $0x1  }
0x99: {  	s4 =	simm.s32 $_scs_section_size  }
0x9a: {  	s5 =	simm.s32 $_size__tile_overlayer_lowered;
	s6 =	simm.s32 $_tile_overlayer_lowered  }
0x9b: {  	s22 =	simm.s32 $0x1BFF;
	s21 =	sshll.u32 s6, $0x1;
	s3 =	sadd.s32 s4, s19  }
0x9c: {  	s7 =	simm.s32 $0x0;
	s20 =	sshll.u32 s5, $0x1;
	s5 =	sadd.s32 s21, s3  }
0x9d: {  	[timem:s7], [sflag:s22] =	dma.local [hbm:s5], s20  }
0x9e: {  	_ =	swait.ge [sflag:s22], s20  }
0x9f: {  	s4 =	ssub.s32 $0x0, s20;
	[sflag:s22] =	ssyncset.done $0x0  }
0xa0: {  	[sflag:s22] =	ssyncadd.s32 s4;
	_ =	sdelay $0x1  }
0xa1: {  	s23 =	simm.s32 $0x1B8B  }
0xa2: {  	_ =	swait.ge [sflag:s23], $0x1  }
0xa3: {  	[sflag:s23] =	ssyncset.done $0x0  }
0xa4: {  	s25 =	simm.s32 $0x1B8E;
	s24 =	sld [smem:$0x3FFE];
	[sflag:s23] =	ssyncadd.s32 $0xFFFFFFFF  }
0xa5: {  	s26 =	simm.s32 $execute0_lowered;
	[smem:$0x3FD2] =	sst s25  }
0xa6: {  	s5 =	sshll.u32 s26, $0x1;
	_ =	strace $0x8000004F;
	[dreg:$0x1] =	wrdreg $0xFFFFFFFF  }
0xa7: {  	s28 =	simm.s32 $_size_execute0_lowered;
	s3 =	sadd.s32 s3, s5;
	[dreg:$0x0] =	wrdreg $0x0  }
0xa8: {  	s5 =	sshll.u32 s28, $0x1;
	[dreg:$0x2] =	wrdreg s3  }
0xa9: {  	[dreg:$0x3] =	wrdreg s5  }
0xaa: {  	[dreg:$0x4] =	wrdreg $0xC0  }
0xab: {  	_ =	task [dreg:s7], $0x5FFFF  }
0xac: {  	[dreg:$0x1] =	wrdreg $0xFFFFFFFF  }
0xad: {  	[dreg:$0x0] =	wrdreg $0x60  }
0xae: {  	[dreg:$0x2] =	wrdreg s2  }
0xaf: {  	[dreg:$0x3] =	wrdreg s24  }
0xb0: {  	[dreg:$0x4] =	wrdreg $0x58000  }
0xb1: {  	[dreg:$0x5] =	wrdreg $0x9  }
0xb2: {  	_ =	task.clear_ibuf [dreg:s7], $0x6FFFF;
	_ =	strace $0x9000004F  }
0xb3: {  	s29 =	simm.s32 $0x9;
	_ =	strace $0x80000051  }
0xb4: {  	_ =	swait.ge [sflag:s29], $0x1  }
0xb5: {  	[sflag:s29] =	ssyncadd.s32 $0xFFFFFFFF  }
0xb6: {  	_ =	strace $0x90000051  }
0xb7: {  	_ =	sfence  }
0xb8: {  	s30 =	sld [smem:$0x0];
	_ =	sdelay $0x2  }
0xb9: {  	s31 =	sshll.u32 s1, $0xD;
	s1 =	sshrl.u32 s1, $0x2  }
0xba: {  	s3 =	sand.u32 $0x4000, s31;
	s1 =	sadd.s32 s1, s30  }
0xbb: {  	s0 =	sor.u32 s3, s0;
	s1 =	sshll.u32 s1, $0x11  }
0xbc: {  	s0 =	sor.u32 s1, s0  }
0xbd: {  	s0 =	sadd.s32 $0x8F2B, s0  }
0xbe: {  	[sflag:s0] =	ssyncadd.remote.s32 $0x1  }
0xbf: {  	_ =	sfence.sel $0xFFFF  }
0xc0: {  	[dreg:$0x0] =	wrdreg $0xFFFFFFFF;
	(pc) =	sbr.abs _section_cstart, $3  }
0xc1: {  	[dreg:$0x1] =	wrdreg $0xFFFFFFFF  }
0xc2: {  	_ =	task.clear_ibuf [dreg:s7], $0x2FFFF;
	_ =	strace $0x9FFFFFFF  }
0xc3: {  	(tm) =	ssettm $0x7FFFFFFF  }
tec
execute0_lowered:
.L_overlay_start_1:
0x0: {  	(tag) =	ssettag $0x1  }
0x1: {  	s1 =	rddreg [dreg:$0x0]  }
0x2: {  	s8 =	rddreg [dreg:$0x1]  }
0x3: {  	s2 =	rddreg [dreg:$0x2]  }
0x4: {  	s3 =	srdreg.scid;
	s0 =	rddreg [dreg:$0x3];
	s4 =	simm.s32 $0x0  }
0x5: {  	s16 =	simm.s32 $0x1800;
	s17 =	simm.s32 $0x2;
	s18 =	simm.s32 $0x800  }
0x6: {  	s19 =	simm.s32 $0x1000;
	s20 =	simm.s32 $0x80;
	s21 =	simm.s32 $0x1  }
0x7: {  	s9 =	sand.u32 $0x1, s3;
	s3 =	stileid.u32;
	[smem:$0x7FF] =	sst s4  }
0x8: {  	s5 =	sadd.s32 $0x3800, s8;
	s6 =	sadd.s32 $0x38000, s8;
	s7 =	smul.u32 $0x140000, s9  }
0x9: {  	s10 =	smul.u32 $0x14000, s3;
	_ =	strace $0x80000050;
	s31 =	ssub.s32 $0x2, s9  }
0xa: {  	s11 =	smul.u32 $0x50000, s3;
	s9 =	sshll.u32 s9, $0x4;
	s12 =	sshrl.u32 s31, $0x1  }
0xb: {  	s9 =	sor.u32 s3, s9;
	s10 =	sadd.s32 s10, s7;
	s7 =	sadd.s32 $0x10000, s8  }
0xc: {  	s11 =	sshrl.u32 s11, $0x2;
	s12 =	ssub.s32 s31, s12;
	s10 =	sshrl.u32 s10, $0x3  }
0xd: {  	s9 =	smul.u32 $0x2800, s9;
	s10 =	sadd.s32 s10, s8;
	s8 =	sadd.s32 s11, s2  }
0xe: {  	s11 =	smax.u32 s12, $0x1;
	s10 =	sadd.s32 $0x4C000, s10;
	s12 =	sadd.s32 $0x4000, s8  }
0xf: {  	v0 =	vimm.f32 $0.0e+00;
	s13 =	sadd.s32 $0x8000, s8;
	s14 =	sadd.s32 $0xC000, s8;
	s15 =	sadd.s32 $0x10000, s8  }
.LBB2_1:
0x10: {  	s22 =	simm.s32 $0x0;
	s23 =	simm.s32 $0x200  }
.LBB2_2:
0x11: {  	p0 =	sne.s32 s23, $0xFE00;
	[tilespmem:s22+$0x1870] =	vst v0  }
0x12: {  	[tilespmem:s22+$0x1800] =	vst v0  }
0x13: {  	[tilespmem:s22+$0x1810] =	vst v0  }
.Ltmp0:
0x14: {  	[tilespmem:s22+$0x1820] =	vst v0;
	(pc) =	sbr.rel @p0 .LBB2_2-.Ltmp0, $4  }
0x15: {  	[tilespmem:s22+$0x1830] =	vst v0  }
0x16: {  	[tilespmem:s22+$0x1840] =	vst v0  }
0x17: {  	[tilespmem:s22+$0x1850] =	vst v0  }
0x18: {  	[tilespmem:s22+$0x1860] =	vst v0;
	s22 =	sshra.s32 s23, $0x2;
	s23 =	sadd.s32 $0x200, s23  }
0x19: {  	[tilespmem:s22+$0x1870] =	vst v0  }
0x1a: {  	[tilespmem:s22+$0x1800] =	vst v0  }
0x1b: {  	[tilespmem:s22+$0x1810] =	vst v0  }
0x1c: {  	[tilespmem:s22+$0x1820] =	vst v0  }
0x1d: {  	[tilespmem:s22+$0x1830] =	vst v0  }
0x1e: {  	[tilespmem:s22+$0x1840] =	vst v0  }
0x1f: {  	[tilespmem:s22+$0x1850] =	vst v0  }
0x20: {  	[tilespmem:s22+$0x1860] =	vst v0  }
0x21: {  	[spmem:s8] =	stream.linear.scatter [tilespmem:s16], [sflag:$0x2], $0x4000, $0x38;
	[tilespmem:$0x19800] =	vst v63  }
0x22: {  	_ =	swait.ge [sflag:s17], $0x4000  }
0x23: {  	[sflag:s17] =	ssyncset.done $0x0  }
0x24: {  	[sflag:s17] =	ssyncadd.s32 $0xFFFFC000  }
0x25: {  	[spmem:s12] =	stream.linear.scatter [tilespmem:s16], [sflag:$0x2], $0x4000, $0x38;
	[tilespmem:$0x19800] =	vst v63  }
0x26: {  	_ =	swait.ge [sflag:s17], $0x4000  }
0x27: {  	[sflag:s17] =	ssyncset.done $0x0  }
0x28: {  	[sflag:s17] =	ssyncadd.s32 $0xFFFFC000  }
0x29: {  	[spmem:s13] =	stream.linear.scatter [tilespmem:s16], [sflag:$0x2], $0x4000, $0x38;
	[tilespmem:$0x19800] =	vst v63  }
0x2a: {  	_ =	swait.ge [sflag:s17], $0x4000  }
0x2b: {  	[sflag:s17] =	ssyncset.done $0x0  }
0x2c: {  	[sflag:s17] =	ssyncadd.s32 $0xFFFFC000  }
0x2d: {  	[spmem:s14] =	stream.linear.scatter [tilespmem:s16], [sflag:$0x2], $0x4000, $0x38;
	[tilespmem:$0x19800] =	vst v63  }
0x2e: {  	_ =	swait.ge [sflag:s17], $0x4000  }
0x2f: {  	[sflag:s17] =	ssyncset.done $0x0  }
0x30: {  	[sflag:s17] =	ssyncadd.s32 $0xFFFFC000  }
0x31: {  	[spmem:s15] =	stream.linear.scatter [tilespmem:s16], [sflag:$0x2], $0x4000, $0x38;
	[tilespmem:$0x19800] =	vst v63  }
0x32: {  	_ =	swait.ge [sflag:s17], $0x4000  }
0x33: {  	[sflag:s17] =	ssyncset.done $0x0  }
0x34: {  	[sflag:s17] =	ssyncadd.s32 $0xFFFFC000  }
0x35: {  	s22 =	simm.s32 $0x0;
	s23 =	simm.s32 $0x0;
	[bflag:$0x0] =	sbarrier.arrive $0xFFFF  }
.LBB2_4:
0x36: {  	s24 =	sshll.u32 s23, $0xB  }
0x37: {  	s24 =	sadd.s32 s9, s24  }
0x38: {  	s24 =	sshrl.u32 s24, $0x3  }
0x39: {  	s25 =	sadd.s32 s1, s24  }
0x3a: {  	[tilespmem:s22], [sflag:$0x2] =	stream.linear.gather [hbm4b:s25+s22], $0x800, $0x38;
	[tilespmem:$0x19800] =	vst v63  }
0x3b: {  	_ =	swait.ge [sflag:s17], $0x800  }
0x3c: {  	[sflag:s17] =	ssyncset.done $0x0  }
0x3d: {  	s31 =	sadd.s32 s5, s24;
	[sflag:s17] =	ssyncadd.s32 $0xFFFFF800  }
0x3e: {  	[tilespmem:s18], [sflag:$0x2] =	stream.linear.gather [hbm4b:s31+s22], $0x800, $0x38;
	[tilespmem:$0x19800] =	vst v63  }
0x3f: {  	_ =	swait.ge [sflag:s17], $0x800  }
0x40: {  	[sflag:s17] =	ssyncset.done $0x0  }
0x41: {  	s24 =	sadd.s32 s6, s24;
	[sflag:s17] =	ssyncadd.s32 $0xFFFFF800  }
0x42: {  	[tilespmem:s19], [sflag:$0x2] =	stream.linear.gather [hbm4b:s24+s22], $0x800, $0x38;
	[tilespmem:$0x19800] =	vst v63  }
0x43: {  	_ =	swait.ge [sflag:s17], $0x800  }
0x44: {  	[sflag:s17] =	ssyncset.done $0x0  }
0x45: {  	s24 =	simm.s32 $0x0;
	[sflag:s17] =	ssyncadd.s32 $0xFFFFF800  }
.LBB2_5:
0x46: {  	s26 =	simm.s32 $0x0  }
0x47: {  	s25 =	sshll.u32 s24, $0x7;
	v2 =	vmov s26  }
0x48: {  	v1 =	vmov s25;
	v2 =	vand.u32 $0x7F, v2  }
0x49: {  	[tilespmem:s16], [sflag:$0x1] =	stream.indirect.gather [hbm4b:s7+s20], $0x80, s25, s20, $0xb8;
	v2 =	vadd.s32 v1, v2;
	[tilespmem:$0x19800] =	vst v63  }
0x4a: {  	_ =	swait.ge [sflag:s21], $0x4000;
	v2 =	vbroadcast v2, $0x0  }
0x4b: {  	[sflag:s21] =	ssyncset.done $0x0  }
0x4c: {  	s26 =	simm.s32 $0x1840;
	[sflag:s21] =	ssyncadd.s32 $0xFFFFC000  }
0x4d: {  	v6 =	vld [tilespmem:s26+$0x30]  }
0x4e: {  	v9 =	vld [tilespmem:s26+$0x10]  }
0x4f: {  	v7 =	vld [tilespmem:s26+$0xFFFFFFC0]  }
0x50: {  	v3 =	vld.idx.msk [tilespmem:v2+s19+$0x0], $0xffff  }
0x51: {  	v12 =	vld [tilespmem:s26+$0xFFFFFFE0]  }
0x52: {  	v4 =	vld [tilespmem:s26+$0x20]  }
0x53: {  	v5 =	vld [tilespmem:s26+$0xFFFFFFD0]  }
0x54: {  	v2 =	vld [tilespmem:s26+$0xFFFFFFF0]  }
0x55: {  	v10 =	vmul.f32 v6, v3;
	v6 =	vld [tilespmem:s26+$0x0]  }
0x56: {  	s28 =	simm.s32 $0x1;
	v8 =	vmul.f32 v7, v3  }
0x57: {  	s29 =	simm.s32 $0x2;
	v11 =	vmov s28;
	s28 =	simm.s32 $0x1840;
	v7 =	vmul.f32 v12, v3;
	v9 =	vmul.f32 v9, v3  }
.LBB2_6:
0x58: {  	p0 =	sne.s32 s29, $0x7F  }
0x59: {  	v11 =	vand.u32 $0x7F, v11;
	v5 =	vmul.f32 v5, v3;
	v4 =	vmul.f32 v4, v3;
	[tilespmem:s26+$0x30] =	vst v10;
	s28 =	sadd.s32 $0x80, s28;
	s30 =	smov.u32 s29;
	s29 =	sadd.s32 $0x1, s29  }
0x5a: {  	v10 =	vadd.s32 v1, v11;
	[tilespmem:s26+$0xFFFFFFC0] =	vst v8;
	v8 =	vmul.f32 v2, v3;
	v3 =	vmul.f32 v6, v3  }
0x5b: {  	v6 =	vbroadcast v10, $0x0;
	[tilespmem:s26+$0x10] =	vst v9  }
0x5c: {  	[tilespmem:s26+$0xFFFFFFE0] =	vst v7  }
0x5d: {  	v2 =	vld [tilespmem:s28+$0xFFFFFFF0];
	[tilespmem:s26+$0xFFFFFFF0] =	vst v8  }
0x5e: {  	v7 =	vld [tilespmem:s28+$0x30];
	[tilespmem:s26+$0x0] =	vst v3  }
0x5f: {  	v9 =	vld [tilespmem:s28+$0x10];
	[tilespmem:s26+$0x20] =	vst v4  }
0x60: {  	v8 =	vld [tilespmem:s28+$0xFFFFFFC0];
	[tilespmem:s26+$0xFFFFFFD0] =	vst v5;
	s26 =	smov.u32 s28  }
0x61: {  	v3 =	vld.idx.msk [tilespmem:v6+s19+$0x0], $0xffff  }
0x62: {  	v12 =	vld [tilespmem:s28+$0xFFFFFFE0]  }
0x63: {  	v4 =	vld [tilespmem:s28+$0x20]  }
.Ltmp1:
0x64: {  	v5 =	vld [tilespmem:s28+$0xFFFFFFD0];
	(pc) =	sbr.rel @p0 .LBB2_6-.Ltmp1, $3  }
0x65: {  	v6 =	vld [tilespmem:s28+$0x0];
	_ =	sdelay $0x1  }
0x66: {  	v8 =	vmul.f32 v8, v3;
	v10 =	vmul.f32 v7, v3  }
0x67: {  	v11 =	vmov s30;
	v9 =	vmul.f32 v9, v3;
	v7 =	vmul.f32 v12, v3  }
0x68: {  	[tilespmem:s26+$0x30] =	vst v10;
	v58 =	vand.u32 $0x7F, v11  }
0x69: {  	[tilespmem:s26+$0xFFFFFFC0] =	vst v8;
	v1 =	vadd.s32 v1, v58  }
0x6a: {  	v2 =	vmul.f32 v2, v3;
	[tilespmem:s26+$0x10] =	vst v9;
	v1 =	vbroadcast v1, $0x0  }
0x6b: {  	s28 =	sadd.s32 $0x80, s28;
	[tilespmem:s26+$0xFFFFFFE0] =	vst v7;
	v6 =	vmul.f32 v6, v3  }
0x6c: {  	v4 =	vmul.f32 v4, v3;
	v3 =	vmul.f32 v5, v3;
	v7 =	vld [tilespmem:s28+$0xFFFFFFF0];
	[tilespmem:s26+$0xFFFFFFF0] =	vst v2  }
0x6d: {  	v2 =	vld [tilespmem:s28+$0x30];
	[tilespmem:s26+$0x0] =	vst v6  }
0x6e: {  	v60 =	vld [tilespmem:s28+$0xFFFFFFC0];
	[tilespmem:s26+$0xFFFFFFD0] =	vst v3  }
0x6f: {  	v59 =	vld [tilespmem:s28+$0x10];
	[tilespmem:s26+$0x20] =	vst v4  }
0x70: {  	v1 =	vld.idx.msk [tilespmem:v1+s19+$0x0], $0xffff;
	_ =	sdelay $0x2  }
0x71: {  	v6 =	vld [tilespmem:s28+$0x0]  }
0x72: {  	v3 =	vld [tilespmem:s28+$0xFFFFFFE0]  }
0x73: {  	v2 =	vmul.f32 v2, v1  }
0x74: {  	v61 =	vld [tilespmem:s28+$0x20];
	v4 =	vmul.f32 v60, v1  }
0x75: {  	v62 =	vld [tilespmem:s28+$0xFFFFFFD0];
	v5 =	vmul.f32 v59, v1;
	[tilespmem:s28+$0x30] =	vst v2  }
0x76: {  	v63 =	vmul.f32 v6, v1;
	[tilespmem:s28+$0xFFFFFFC0] =	vst v4  }
0x77: {  	v2 =	vmul.f32 v3, v1;
	[tilespmem:s28+$0x10] =	vst v5  }
0x78: {  	v3 =	vmul.f32 v7, v1;
	[tilespmem:s28+$0x0] =	vst v63  }
0x79: {  	[tilespmem:s28+$0xFFFFFFE0] =	vst v2;
	v2 =	vmul.f32 v61, v1  }
0x7a: {  	s24 =	sadd.s32 $0x1, s24;
	[tilespmem:s28+$0xFFFFFFF0] =	vst v3;
	v1 =	vmul.f32 v62, v1  }
0x7b: {  	p0 =	sne.s32 s24, $0x10;
	[tilespmem:s28+$0x20] =	vst v2  }
.Ltmp2:
0x7c: {  	s25 =	sadd.s32 $0x800, s25;
	[tilespmem:s28+$0xFFFFFFD0] =	vst v1;
	(pc) =	sbr.rel @p0 .LBB2_5-.Ltmp2, $4  }
0x7d: {  	[spmem:s2] =	stream.indirect.scatter.add.f32 [tilespmem:s16], [sflag:$0x2], $0x80, s25, s20, $0xb8;
	[tilespmem:$0x19800] =	vst v63  }
0x7e: {  	_ =	swait.ge [sflag:s17], $0x4000  }
0x7f: {  	[sflag:s17] =	ssyncset.done $0x0  }
0x80: {  	[sflag:s17] =	ssyncadd.s32 $0xFFFFC000  }
0x81: {  	s23 =	sadd.s32 $0x1, s23  }
0x82: {  	p0 =	sne.s32 s23, $0x5  }
.Ltmp3:
0x83: {  	_ = 	snop;
	(pc) =	sbr.rel @p0 .LBB2_4-.Ltmp3, $1  }
0x84: {  	_ =	sdelay $0x3  }
0x85: {  	s4 =	sadd.s32 $0x1, s4  }
0x86: {  	s22 =	sshll.u32 s3, $0x6;
	[bflag:$0x0] =	sbarrier.arrive $0xFFFF;
	p0 =	sne.s32 s4, s11  }
.Ltmp4:
0x87: {  	s23 =	sshrl.u32 s8, $0x3;
	s22 =	sor.u32 $0x1C02, s22;
	(pc) =	sbr.rel @p0 .LBB2_1-.Ltmp4, $4  }
0x88: {  	[hbm:s10], [sflag:s22] =	dma.local [spmem:s23], $0x2800  }
0x89: {  	_ =	swait.ge [sflag:s17], $0x2800  }
0x8a: {  	[sflag:s17] =	ssyncset.done $0x0  }
0x8b: {  	[sflag:s17] =	ssyncadd.s32 $0xFFFFD800  }
0x8c: {  	_ =	sfence.sel $0x180000  }
0x8d: {  	[bflag:$0x0] =	sbarrier.arrive $0xFFFF  }
0x8e: {  	p0 =	sne.s32 s3, $0x0;
	_ =	strace $0x90000050  }
0x8f: {  	s0 =	sadd.s32 @!p0 $0x100000, s0;
	[bflag:$0x2] =	sbarrier.arrive $0xFFFF  }
0x90: {  	[sflag:s0] =	ssyncadd.tile.s32 @!p0 $0x1;
	_ =	shalt  }
.Lfunc_end2:
_tile_overlayer_lowered:
.L_overlay_start_2:
0x91: {  	(tag) =	ssettag $0x2  }
0x92: {  	s0 =	rddreg [dreg:$0x0];
	s2 =	stileid.u32  }
0x93: {  	s1 =	rddreg [dreg:$0x1];
	p0 =	sne.s32 s2, $0x0  }
0x94: {  	s3 =	rddreg [dreg:$0x2];
	[bflag:$0x3] =	sbarrier.arrive $0xFFFF;
	s2 =	simm.s32 @!p0 $0x1C02  }
0x95: {  	[timem:s3], [sflag:s2] =	dma.local @!p0 [hbm:s0], s1  }
0x96: {  	s0 =	simm.s32 @!p0 $0x2  }
0x97: {  	_ =	swait.ge @!p0 [sflag:s0], s1  }
0x98: {  	s1 =	ssub.s32 @!p0 $0x0, s1;
	[sflag:s0] =	ssyncset.done @!p0 $0x0  }
0x99: {  	[sflag:s0] =	ssyncadd.s32 @!p0 s1  }
0x9a: {  	[bflag:$0x3] =	sbarrier.arrive $0xFFFF  }
0x9b: {  	_ =	shalt  }

// kernel: kernel.9.cloned.1.call-start
scs
__scs_entry_jumppad:
0x0: {  	(pc) =	sbr.rel $0x88, $3  }
0x1: {  	(tag) =	ssettag $0x0;
	lr =	simm.s32 $0x1  }
0x2: {  	[smem:$0x3F97] =	sst lr;
	_ =	strace $0xD0000000  }
0x3: {  	_ = 	snop  }
0x4: {  	_ = 	snop  }
0x5: {  	_ = 	snop  }
0x6: {  	_ = 	snop  }
0x7: {  	_ = 	snop  }
__scs_overlays_trampoline_lowered:
0x8: {  	[smem:$0x3FA6] =	sst s0  }
0x9: {  	[smem:$0x3FA7] =	sst s1  }
0xa: {  	[smem:$0x3FA8] =	sst s2  }
0xb: {  	[smem:$0x3FA9] =	sst s3  }
0xc: {  	[smem:$0x3FAA] =	sst s4  }
0xd: {  	[smem:$0x3FAB] =	sst s5  }
0xe: {  	[smem:$0x3FAC] =	sst s6  }
0xf: {  	[smem:$0x3FAD] =	sst s7  }
0x10: {  	[smem:$0x3FAE] =	sst s8  }
0x11: {  	[smem:$0x3FAF] =	sst s9;
	s0 =	simm.s32 @!p0 $0x0  }
0x12: {  	s1 =	sld [smem:$0x3F95];
	s0 =	simm.s32 @p0 $0x1  }
0x13: {  	[smem:$0x3FB0] =	sst s0;
	s0 =	simm.s32 @!p1 $0x0  }
0x14: {  	s2 =	sld [smem:$0x3F94];
	s0 =	simm.s32 @p1 $0x1  }
0x15: {  	[smem:$0x3FB1] =	sst s0;
	s0 =	simm.s32 @!p2 $0x0  }
0x16: {  	s3 =	sld [smem:$0x3FDB];
	s0 =	simm.s32 @p2 $0x1  }
0x17: {  	s4 =	simm.s32 $0x1BF5;
	[smem:$0x3FB3] =	sst s0  }
0x18: {  	s0 =	sld [smem:$0x3F96];
	_ =	swait.ge [sflag:s4], $0x0  }
0x19: {  	s7 =	sld [smem:$0x3F97]  }
0x1a: {  	s8 =	sadd.s32 $0xFFFFE003, lr  }
0x1b: {  	s9 =	sadd.s32 $0xFFFFFEF7, lr;
	s5 =	simm.s32 $0xFFFFFFFF;
	p2 =	slt.u32 s8, $0xFFFFF086  }
0x1c: {  	p1 =	slt.u32 s9, $0xF7A;
	s5 =	simm.s32 @!p2 $0x0  }
0x1d: {  	s5 =	simm.s32 @p1 $0x1;
	p0 =	seq.s32 s7, s2  }
0x1e: {  	s7 =	smul.u32 @!p0 $0xF7A, s2;
	p2 =	seq.s32 @!p0 s5, $0x0  }
0x1f: {  	s9 =	smul.u32 $0xF7A, s1;
	s8 =	simm.s32 @!p0 $0x1BF5;
	p2 =	por !p2, p0  }
0x20: {  	[sflag:s8] =	ssyncset.s32 @!p0 $0xFFFFF086;
	s6 =	sadd.s32 @!p0 s3, s7;
	s7 =	simm.s32 @!p0 $0x108  }
0x21: {  	s3 =	sadd.s32 s3, s9;
	s6 =	sadd.s32 @!p0 $0x88, s6;
	s7 =	simm.s32 @p2 $0x1082  }
0x22: {  	[simem:s7], [sflag:s8] =	dma.local @!p0 [hbm:s6], $0xF7A  }
0x23: {  	s9 =	sor.u32 $0xD0000000, s2;
	s6 =	simm.s32 $0x108;
	_ =	swait.ge @!p0 [sflag:s8], $0x0  }
0x24: {  	s3 =	sadd.s32 $0x88, s3;
	s6 =	simm.s32 @!p1 $0x1082;
	[sflag:s4] =	ssyncset.s32 $0xFFFFF086  }
0x25: {  	[simem:s6], [sflag:s4] =	dma.local [hbm:s3], $0xF7A  }
0x26: {  	[smem:$0x3F97] =	sst s1;
	(tag) =	ssettag s2;
	_ =	strace s9  }
0x27: {  	s1 =	sld [smem:$0x3FA7]  }
0x28: {  	s2 =	sld [smem:$0x3FA8]  }
0x29: {  	s4 =	sld [smem:$0x3FAA]  }
0x2a: {  	p0 =	seq.s32 s5, $0x0;
	s5 =	sld [smem:$0x3FAB]  }
0x2b: {  	s6 =	sld [smem:$0x3FAC]  }
0x2c: {  	s7 =	sld [smem:$0x3FAD]  }
0x2d: {  	s3 =	simm.s32 $0x108;
	s8 =	sld [smem:$0x3FAE]  }
0x2e: {  	s3 =	simm.s32 @!p0 $0x1082;
	s9 =	sld [smem:$0x3FAF]  }
0x2f: {  	lr =	sadd.s32 s0, s3;
	s0 =	sld [smem:$0x3FA6]  }
0x30: {  	s3 =	sld [smem:$0x3FA9]  }
0x31: {  	[smem:$0x3FB2] =	sst s10  }
0x32: {  	s10 =	sld [smem:$0x3FB0];
	_ =	sdelay $0x3  }
0x33: {  	p0 =	seq.s32 s10, $0x1;
	s10 =	sld [smem:$0x3FB2];
	_ =	sdelay $0x3  }
0x34: {  	[smem:$0x3FB2] =	sst s10  }
0x35: {  	s10 =	sld [smem:$0x3FB1];
	_ =	sdelay $0x3  }
0x36: {  	p1 =	seq.s32 s10, $0x1;
	s10 =	sld [smem:$0x3FB2];
	_ =	sdelay $0x3  }
0x37: {  	[smem:$0x3FB2] =	sst s10  }
0x38: {  	s10 =	sld [smem:$0x3FB3]  }
0x39: {  	_ = 	snop;
	(pc) =	sbr.ind lr, $3  }
0x3a: {  	_ = 	snop  }
0x3b: {  	_ = 	snop  }
0x3c: {  	p2 =	seq.s32 s10, $0x1;
	s10 =	sld [smem:$0x3FB2]  }
0x3d: {  	_ =	shalt  }
0x3e: {  	_ =	shalt  }
0x3f: {  	_ =	shalt  }
0x40: {  	_ =	shalt  }
0x41: {  	_ =	shalt  }
0x42: {  	_ =	shalt  }
0x43: {  	_ =	shalt  }
0x44: {  	_ =	shalt  }
0x45: {  	_ =	shalt  }
0x46: {  	_ =	shalt  }
0x47: {  	_ =	shalt  }
0x48: {  	_ =	shalt  }
0x49: {  	_ =	shalt  }
0x4a: {  	_ =	shalt  }
0x4b: {  	_ =	shalt  }
0x4c: {  	_ =	shalt  }
0x4d: {  	_ =	shalt  }
0x4e: {  	_ =	shalt  }
0x4f: {  	_ =	shalt  }
0x50: {  	_ =	shalt  }
0x51: {  	_ =	shalt  }
0x52: {  	_ =	shalt  }
0x53: {  	_ =	shalt  }
0x54: {  	_ =	shalt  }
0x55: {  	_ =	shalt  }
0x56: {  	_ =	shalt  }
0x57: {  	_ =	shalt  }
0x58: {  	_ =	shalt  }
0x59: {  	_ =	shalt  }
0x5a: {  	_ =	shalt  }
0x5b: {  	_ =	shalt  }
0x5c: {  	_ =	shalt  }
0x5d: {  	_ =	shalt  }
0x5e: {  	_ =	shalt  }
0x5f: {  	_ =	shalt  }
0x60: {  	_ =	shalt  }
0x61: {  	_ =	shalt  }
0x62: {  	_ =	shalt  }
0x63: {  	_ =	shalt  }
0x64: {  	_ =	shalt  }
0x65: {  	_ =	shalt  }
0x66: {  	_ =	shalt  }
0x67: {  	_ =	shalt  }
0x68: {  	_ =	shalt  }
0x69: {  	_ =	shalt  }
0x6a: {  	_ =	shalt  }
0x6b: {  	_ =	shalt  }
0x6c: {  	_ =	shalt  }
0x6d: {  	_ =	shalt  }
0x6e: {  	_ =	shalt  }
0x6f: {  	_ =	shalt  }
0x70: {  	_ =	shalt  }
0x71: {  	_ =	shalt  }
0x72: {  	_ =	shalt  }
0x73: {  	_ =	shalt  }
0x74: {  	_ =	shalt  }
0x75: {  	_ =	shalt  }
0x76: {  	_ =	shalt  }
0x77: {  	_ =	shalt  }
0x78: {  	_ =	shalt  }
0x79: {  	_ =	shalt  }
0x7a: {  	_ =	shalt  }
0x7b: {  	_ =	shalt  }
0x7c: {  	_ =	shalt  }
0x7d: {  	_ =	shalt  }
0x7e: {  	_ =	shalt  }
0x7f: {  	_ =	shalt  }
0x80: {  	_ =	shalt  }
0x81: {  	_ =	shalt  }
0x82: {  	_ =	shalt  }
0x83: {  	_ =	shalt  }
0x84: {  	_ =	shalt  }
0x85: {  	_ =	shalt  }
0x86: {  	_ =	shalt  }
0x87: {  	_ =	shalt  }
.Lfunc_end0:
.L_simem_size_0:
called_computation_lowered:
.L_overlay_start_0:
0x88: {  	s2 =	sld [smem:$0x3FD9]  }
0x89: {  	s3 =	sld [smem:$0x3FFE];
	_ =	sdelay $0x1  }
0x8a: {  	s1 =	srdreg.scid  }
0x8b: {  	s0 =	sand.u32 $0x1, s1  }
0x8c: {  	s17 =	sshll.u32 s0, $0xA;
	s2 =	sadd.s32 s3, s2  }
0x8d: {  	s2 =	sadd.s32 s2, s17  }
0x8e: {  	[smem:$0x3FBE] =	sst s2  }
0x8f: {  	_ = 	snop  }
0x90: {  	s2 =	sld [smem:$0x3FD0];
	(tm) =	ssettm $0x1  }
0x91: {  	s18 =	sld [smem:$0x3FFB];
	_ =	sdelay $0x3  }
0x92: {  	_ =	strace s18  }
0x93: {  	s3 =	sld [smem:$0x3FFC];
	_ =	sdelay $0x3  }
0x94: {  	_ =	strace s3  }
0x95: {  	s3 =	sld [smem:$0x3FFD];
	_ =	sdelay $0x3  }
0x96: {  	_ =	strace s3  }
0x97: {  	_ =	strace $0x8FFFFFFF  }
0x98: {  	s19 =	sld [smem:$0x3FDB];
	_ =	sdelay $0x1  }
0x99: {  	s4 =	simm.s32 $_scs_section_size  }
0x9a: {  	s5 =	simm.s32 $_size__tile_overlayer_lowered;
	s6 =	simm.s32 $_tile_overlayer_lowered  }
0x9b: {  	s22 =	simm.s32 $0x1BFF;
	s21 =	sshll.u32 s6, $0x1;
	s3 =	sadd.s32 s4, s19  }
0x9c: {  	s7 =	simm.s32 $0x0;
	s20 =	sshll.u32 s5, $0x1;
	s5 =	sadd.s32 s21, s3  }
0x9d: {  	[timem:s7], [sflag:s22] =	dma.local [hbm:s5], s20  }
0x9e: {  	_ =	swait.ge [sflag:s22], s20  }
0x9f: {  	s4 =	ssub.s32 $0x0, s20;
	[sflag:s22] =	ssyncset.done $0x0  }
0xa0: {  	[sflag:s22] =	ssyncadd.s32 s4;
	_ =	sdelay $0x1  }
0xa1: {  	s23 =	simm.s32 $0x1B8B  }
0xa2: {  	_ =	swait.ge [sflag:s23], $0x1  }
0xa3: {  	[sflag:s23] =	ssyncset.done $0x0  }
0xa4: {  	s25 =	simm.s32 $0x1B8E;
	s24 =	sld [smem:$0x3FFE];
	[sflag:s23] =	ssyncadd.s32 $0xFFFFFFFF  }
0xa5: {  	s26 =	simm.s32 $execute0_lowered;
	[smem:$0x3FD2] =	sst s25  }
0xa6: {  	s5 =	sshll.u32 s26, $0x1;
	_ =	strace $0x80000046;
	[dreg:$0x1] =	wrdreg $0xFFFFFFFF  }
0xa7: {  	s28 =	simm.s32 $_size_execute0_lowered;
	s3 =	sadd.s32 s3, s5;
	[dreg:$0x0] =	wrdreg $0x0  }
0xa8: {  	s5 =	sshll.u32 s28, $0x1;
	[dreg:$0x2] =	wrdreg s3  }
0xa9: {  	[dreg:$0x3] =	wrdreg s5  }
0xaa: {  	[dreg:$0x4] =	wrdreg $0xC0  }
0xab: {  	_ =	task [dreg:s7], $0x5FFFF  }
0xac: {  	[dreg:$0x1] =	wrdreg $0xFFFFFFFF  }
0xad: {  	[dreg:$0x0] =	wrdreg $0x60  }
0xae: {  	[dreg:$0x2] =	wrdreg s2  }
0xaf: {  	[dreg:$0x3] =	wrdreg s24  }
0xb0: {  	[dreg:$0x4] =	wrdreg $0x9  }
0xb1: {  	_ =	task.clear_ibuf [dreg:s7], $0x5FFFF;
	_ =	strace $0x90000046  }
0xb2: {  	s29 =	simm.s32 $0x9;
	_ =	strace $0x80000048  }
0xb3: {  	_ =	swait.ge [sflag:s29], $0x1  }
0xb4: {  	[sflag:s29] =	ssyncadd.s32 $0xFFFFFFFF  }
0xb5: {  	_ =	strace $0x90000048  }
0xb6: {  	_ =	sfence  }
0xb7: {  	s30 =	sld [smem:$0x0];
	_ =	sdelay $0x2  }
0xb8: {  	s31 =	sshll.u32 s1, $0xD;
	s1 =	sshrl.u32 s1, $0x2  }
0xb9: {  	s3 =	sand.u32 $0x4000, s31;
	s1 =	sadd.s32 s1, s30  }
0xba: {  	s0 =	sor.u32 s3, s0;
	s1 =	sshll.u32 s1, $0x11  }
0xbb: {  	s0 =	sor.u32 s1, s0  }
0xbc: {  	s0 =	sadd.s32 $0x8F2B, s0  }
0xbd: {  	[sflag:s0] =	ssyncadd.remote.s32 $0x1  }
0xbe: {  	_ =	sfence.sel $0xFFFF  }
0xbf: {  	[dreg:$0x0] =	wrdreg $0xFFFFFFFF;
	(pc) =	sbr.abs _section_cstart, $3  }
0xc0: {  	[dreg:$0x1] =	wrdreg $0xFFFFFFFF  }
0xc1: {  	_ =	task.clear_ibuf [dreg:s7], $0x2FFFF;
	_ =	strace $0x9FFFFFFF  }
0xc2: {  	(tm) =	ssettm $0x7FFFFFFF  }
0xc3: {  	_ =	shalt  }
tec
execute0_lowered:
.L_overlay_start_1:
0x0: {  	(tag) =	ssettag $0x1  }
0x1: {  	s5 =	rddreg [dreg:$0x0]  }
0x2: {  	s0 =	srdreg.scid;
	s4 =	rddreg [dreg:$0x1]  }
0x3: {  	s2 =	simm.s32 $0x0;
	s12 =	simm.s32 $0x1;
	s13 =	simm.s32 $0x2800  }
0x4: {  	s14 =	simm.s32 $0xA000;
	s15 =	simm.s32 $0xC800;
	s16 =	simm.s32 $0x7800  }
0x5: {  	s17 =	simm.s32 $0x5000;
	s18 =	simm.s32 $0x0;
	s3 =	sand.u32 $0x1, s0  }
0x6: {  	s0 =	stileid.u32;
	[smem:$0x7FF] =	sst s2;
	s1 =	sshll.u32 s3, $0x4  }
0x7: {  	s8 =	sshll.u32 s0, $0x7;
	s31 =	ssub.s32 $0x2, s3;
	s6 =	sor.u32 s0, s1  }
0x8: {  	s3 =	sadd.s32 $0xD800, s4;
	s7 =	sshrl.u32 s6, $0x3;
	s6 =	smul.u32 $0x500, s6  }
0x9: {  	s1 =	rddreg [dreg:$0x2];
	s9 =	sshrl.u32 s31, $0x1;
	s7 =	smul.u32 $0x14000, s7  }
0xa: {  	_ =	strace $0x80000047;
	s8 =	sand.u32 $0x380, s8;
	s9 =	ssub.s32 s31, s9  }
0xb: {  	s9 =	smax.u32 s9, $0x1;
	s10 =	sadd.s32 s6, s4;
	s7 =	sor.u32 s8, s7  }
0xc: {  	s5 =	sadd.s32 s5, s6;
	s6 =	sadd.s32 $0x3800, s10;
	s7 =	sshrl.u32 s7, $0x3  }
0xd: {  	s11 =	sadd.s32 s7, s4;
	s4 =	sadd.s32 $0xD810, s4;
	s7 =	sadd.s32 $0x38000, s10  }
0xe: {  	v0 =	vimm.f32 $0.0e+00;
	s10 =	simm.s32 $0x80;
	s8 =	sadd.s32 $0x42000, s11;
	s11 =	simm.s32 $0x400  }
.LBB2_1:
0xf: {  	s19 =	simm.s32 $0x40;
	s20 =	simm.s32 $0x0  }
.LBB2_2:
0x10: {  	p0 =	sne.s32 s19, $0x9FC0;
	[tilespmem:s20+$0x7800] =	vst v0;
	s20 =	smov.u32 s19;
	s19 =	sadd.s32 $0x40, s19  }
.Ltmp0:
0x11: {  	(pc) =	sbr.rel @p0 .LBB2_2-.Ltmp0, $2  }
0x12: {  	_ =	sdelay $0x2  }
0x13: {  	s20 =	sshra.s32 s20, $0x2  }
0x14: {  	[tilespmem:s20+$0x7800] =	vst v0;
	s19 =	simm.s32 $0x0  }
0x15: {  	[tilespmem:s19], [sflag:$0x1] =	stream.strided.gather [hbm4b:s3+s10], $0x2800, s11, s10, $0x38;
	[tilespmem:$0xF000] =	vst v63  }
0x16: {  	_ =	swait.ge [sflag:s12], $0x2800  }
0x17: {  	[sflag:s12] =	ssyncset.done $0x0  }
0x18: {  	[sflag:s12] =	ssyncadd.s32 $0xFFFFD800  }
0x19: {  	[tilespmem:s13], [sflag:$0x1] =	stream.strided.gather [hbm4b:s4+s10], $0x2800, s11, s10, $0x38;
	[tilespmem:$0xF000] =	vst v63  }
0x1a: {  	_ =	swait.ge [sflag:s12], $0x2800  }
0x1b: {  	[sflag:s12] =	ssyncset.done $0x0  }
0x1c: {  	[sflag:s12] =	ssyncadd.s32 $0xFFFFD800  }
0x1d: {  	[tilespmem:s14], [sflag:$0x1] =	stream.linear.gather [hbm4b:s5+s19], $0x2800, $0x38;
	[tilespmem:$0xF000] =	vst v63  }
0x1e: {  	_ =	swait.ge [sflag:s12], $0x2800  }
0x1f: {  	[sflag:s12] =	ssyncset.done $0x0  }
0x20: {  	[sflag:s12] =	ssyncadd.s32 $0xFFFFD800  }
0x21: {  	[tilespmem:s15], [sflag:$0x1] =	stream.linear.gather [hbm4b:s6+s19], $0x2800, $0x38;
	[tilespmem:$0xF000] =	vst v63  }
0x22: {  	_ =	swait.ge [sflag:s12], $0x2800  }
0x23: {  	[sflag:s12] =	ssyncset.done $0x0  }
0x24: {  	[sflag:s12] =	ssyncadd.s32 $0xFFFFD800  }
.LBB2_4:
0x25: {  	s20 =	sshra.s32 s19, $0x2  }
0x26: {  	v1 =	vld [tilespmem:s20+$0xA000]  }
0x27: {  	v2 =	vld [tilespmem:s20+$0xC800];
	_ =	sdelay $0x6  }
0x28: {  	v1 =	vld.idx.msk [tilespmem:v1+s2+$0x0], $0xffff  }
0x29: {  	v3 =	vld.idx.msk [tilespmem:v2+s13+$0x0], $0xffff;
	_ =	sdelay $0x4  }
0x2a: {  	v1 =	vadd.f32 v3, v1;
	_ =	sdelay $0x1  }
0x2b: {  	v3 =	vmul.f32 $2.000000030e-01, v1  }
0x2c: {  	vm0 =	vge.f32 v1, $0.0e+00  }
0x2d: {  	v1 =	vsel vm0, v1, v3  }
0x2e: {  	v1 =	vmul.f32 $1.442695020e+00, v1;
	_ =	sdelay $0x1  }
0x2f: {  	(erf) = vpow2.f32 v1;
	_ =	sdelay $0x8  }
0x30: {  	v1 =	vpop (erf)  }
0x31: {  	[tilespmem:s20+$0x5000] =	vst v1  }
0x32: {  	[tilespmem:v2+s16+$0x0] =	vst.idx.add.f32.msk $0xffff, v1  }
0x33: {  	v1 =	vld [tilespmem:s20+$0xA010]  }
0x34: {  	v2 =	vld [tilespmem:s20+$0xC810];
	_ =	sdelay $0x6  }
0x35: {  	v1 =	vld.idx.msk [tilespmem:v1+s2+$0x0], $0xffff  }
0x36: {  	v3 =	vld.idx.msk [tilespmem:v2+s13+$0x0], $0xffff;
	_ =	sdelay $0x4  }
0x37: {  	v1 =	vadd.f32 v3, v1;
	_ =	sdelay $0x1  }
0x38: {  	v3 =	vmul.f32 $2.000000030e-01, v1  }
0x39: {  	vm9 =	vge.f32 v1, $0.0e+00  }
0x3a: {  	v1 =	vsel vm9, v1, v3  }
0x3b: {  	v1 =	vmul.f32 $1.442695020e+00, v1;
	_ =	sdelay $0x1  }
0x3c: {  	(erf) = vpow2.f32 v1;
	_ =	sdelay $0x8  }
0x3d: {  	v1 =	vpop (erf)  }
0x3e: {  	[tilespmem:s20+$0x5010] =	vst v1  }
0x3f: {  	[tilespmem:v2+s16+$0x0] =	vst.idx.add.f32.msk $0xffff, v1  }
0x40: {  	v1 =	vld [tilespmem:s20+$0xA020]  }
0x41: {  	v2 =	vld [tilespmem:s20+$0xC820];
	_ =	sdelay $0x6  }
0x42: {  	v1 =	vld.idx.msk [tilespmem:v1+s2+$0x0], $0xffff  }
0x43: {  	v3 =	vld.idx.msk [tilespmem:v2+s13+$0x0], $0xffff;
	_ =	sdelay $0x4  }
0x44: {  	v1 =	vadd.f32 v3, v1;
	_ =	sdelay $0x1  }
0x45: {  	v3 =	vmul.f32 $2.000000030e-01, v1  }
0x46: {  	vm10 =	vge.f32 v1, $0.0e+00  }
0x47: {  	v1 =	vsel vm10, v1, v3  }
0x48: {  	v1 =	vmul.f32 $1.442695020e+00, v1;
	_ =	sdelay $0x1  }
0x49: {  	(erf) = vpow2.f32 v1;
	_ =	sdelay $0x8  }
0x4a: {  	v1 =	vpop (erf)  }
0x4b: {  	[tilespmem:s20+$0x5020] =	vst v1  }
0x4c: {  	[tilespmem:v2+s16+$0x0] =	vst.idx.add.f32.msk $0xffff, v1  }
0x4d: {  	v1 =	vld [tilespmem:s20+$0xA030]  }
0x4e: {  	v2 =	vld [tilespmem:s20+$0xC830];
	_ =	sdelay $0x6  }
0x4f: {  	v1 =	vld.idx.msk [tilespmem:v1+s2+$0x0], $0xffff  }
0x50: {  	v3 =	vld.idx.msk [tilespmem:v2+s13+$0x0], $0xffff;
	_ =	sdelay $0x4  }
0x51: {  	v1 =	vadd.f32 v3, v1;
	_ =	sdelay $0x1  }
0x52: {  	v3 =	vmul.f32 $2.000000030e-01, v1  }
0x53: {  	vm11 =	vge.f32 v1, $0.0e+00  }
0x54: {  	v1 =	vsel vm11, v1, v3  }
0x55: {  	v1 =	vmul.f32 $1.442695020e+00, v1;
	_ =	sdelay $0x1  }
0x56: {  	(erf) = vpow2.f32 v1;
	_ =	sdelay $0x8  }
0x57: {  	v1 =	vpop (erf)  }
0x58: {  	[tilespmem:s20+$0x5030] =	vst v1  }
0x59: {  	[tilespmem:v2+s16+$0x0] =	vst.idx.add.f32.msk $0xffff, v1  }
0x5a: {  	v1 =	vld [tilespmem:s20+$0xA040]  }
0x5b: {  	v2 =	vld [tilespmem:s20+$0xC840];
	_ =	sdelay $0x6  }
0x5c: {  	v1 =	vld.idx.msk [tilespmem:v1+s2+$0x0], $0xffff  }
0x5d: {  	v3 =	vld.idx.msk [tilespmem:v2+s13+$0x0], $0xffff;
	_ =	sdelay $0x4  }
0x5e: {  	v1 =	vadd.f32 v3, v1;
	_ =	sdelay $0x1  }
0x5f: {  	v3 =	vmul.f32 $2.000000030e-01, v1  }
0x60: {  	vm12 =	vge.f32 v1, $0.0e+00  }
0x61: {  	v1 =	vsel vm12, v1, v3  }
0x62: {  	v1 =	vmul.f32 $1.442695020e+00, v1;
	_ =	sdelay $0x1  }
0x63: {  	(erf) = vpow2.f32 v1;
	_ =	sdelay $0x8  }
0x64: {  	v1 =	vpop (erf)  }
0x65: {  	[tilespmem:s20+$0x5040] =	vst v1  }
0x66: {  	[tilespmem:v2+s16+$0x0] =	vst.idx.add.f32.msk $0xffff, v1  }
0x67: {  	v1 =	vld [tilespmem:s20+$0xA050]  }
0x68: {  	v2 =	vld [tilespmem:s20+$0xC850];
	_ =	sdelay $0x6  }
0x69: {  	v1 =	vld.idx.msk [tilespmem:v1+s2+$0x0], $0xffff  }
0x6a: {  	v3 =	vld.idx.msk [tilespmem:v2+s13+$0x0], $0xffff;
	_ =	sdelay $0x4  }
0x6b: {  	v1 =	vadd.f32 v3, v1;
	_ =	sdelay $0x1  }
0x6c: {  	v3 =	vmul.f32 $2.000000030e-01, v1  }
0x6d: {  	vm13 =	vge.f32 v1, $0.0e+00  }
0x6e: {  	v1 =	vsel vm13, v1, v3  }
0x6f: {  	v1 =	vmul.f32 $1.442695020e+00, v1;
	_ =	sdelay $0x1  }
0x70: {  	(erf) = vpow2.f32 v1;
	_ =	sdelay $0x8  }
0x71: {  	v1 =	vpop (erf)  }
0x72: {  	[tilespmem:s20+$0x5050] =	vst v1  }
0x73: {  	[tilespmem:v2+s16+$0x0] =	vst.idx.add.f32.msk $0xffff, v1  }
0x74: {  	v1 =	vld [tilespmem:s20+$0xA060]  }
0x75: {  	v2 =	vld [tilespmem:s20+$0xC860];
	_ =	sdelay $0x6  }
0x76: {  	v1 =	vld.idx.msk [tilespmem:v1+s2+$0x0], $0xffff  }
0x77: {  	v3 =	vld.idx.msk [tilespmem:v2+s13+$0x0], $0xffff;
	_ =	sdelay $0x4  }
0x78: {  	v1 =	vadd.f32 v3, v1;
	_ =	sdelay $0x1  }
0x79: {  	v3 =	vmul.f32 $2.000000030e-01, v1  }
0x7a: {  	vm14 =	vge.f32 v1, $0.0e+00  }
0x7b: {  	v1 =	vsel vm14, v1, v3  }
0x7c: {  	v1 =	vmul.f32 $1.442695020e+00, v1;
	_ =	sdelay $0x1  }
0x7d: {  	(erf) = vpow2.f32 v1;
	_ =	sdelay $0x8  }
0x7e: {  	v1 =	vpop (erf)  }
0x7f: {  	[tilespmem:s20+$0x5060] =	vst v1  }
0x80: {  	[tilespmem:v2+s16+$0x0] =	vst.idx.add.f32.msk $0xffff, v1  }
0x81: {  	v1 =	vld [tilespmem:s20+$0xA070]  }
0x82: {  	v2 =	vld [tilespmem:s20+$0xC870];
	_ =	sdelay $0x6  }
0x83: {  	v1 =	vld.idx.msk [tilespmem:v1+s2+$0x0], $0xffff  }
0x84: {  	v3 =	vld.idx.msk [tilespmem:v2+s13+$0x0], $0xffff;
	_ =	sdelay $0x4  }
0x85: {  	v1 =	vadd.f32 v3, v1;
	_ =	sdelay $0x1  }
0x86: {  	v3 =	vmul.f32 $2.000000030e-01, v1  }
0x87: {  	vm15 =	vge.f32 v1, $0.0e+00  }
0x88: {  	v1 =	vsel vm15, v1, v3  }
0x89: {  	v1 =	vmul.f32 $1.442695020e+00, v1;
	_ =	sdelay $0x1  }
0x8a: {  	(erf) = vpow2.f32 v1;
	_ =	sdelay $0x5  }
0x8b: {  	p0 =	sne.s32 s19, $0x9E00  }
.Ltmp1:
0x8c: {  	_ = 	snop;
	(pc) =	sbr.rel @p0 .LBB2_4-.Ltmp1, $4  }
0x8d: {  	_ = 	snop  }
0x8e: {  	v1 =	vpop (erf)  }
0x8f: {  	[tilespmem:s20+$0x5070] =	vst v1  }
0x90: {  	s19 =	sadd.s32 $0x200, s19;
	[tilespmem:v2+s16+$0x0] =	vst.idx.add.f32.msk $0xffff, v1  }
0x91: {  	[hbm4b:s7+s2] =	stream.linear.scatter [tilespmem:s17], [sflag:$0x1], $0x2800, $0x38;
	[tilespmem:$0xF000] =	vst v63  }
0x92: {  	s18 =	sadd.s32 $0x1, s18;
	_ =	swait.ge [sflag:s12], $0x2800  }
0x93: {  	p0 =	sne.s32 s18, s9;
	[sflag:s12] =	ssyncset.done $0x0  }
.Ltmp2:
0x94: {  	[sflag:s12] =	ssyncadd.s32 $0xFFFFD800;
	(pc) =	sbr.rel @p0 .LBB2_1-.Ltmp2, $4  }
0x95: {  	[hbm4b:s8+s10] =	stream.strided.scatter [tilespmem:s16], [sflag:$0x1], $0x2800, s11, s10, $0x38;
	[tilespmem:$0xF000] =	vst v63  }
0x96: {  	_ =	swait.ge [sflag:s12], $0x2800  }
0x97: {  	[sflag:s12] =	ssyncset.done $0x0  }
0x98: {  	[sflag:s12] =	ssyncadd.s32 $0xFFFFD800  }
0x99: {  	_ =	sfence.sel $0x180000  }
0x9a: {  	[bflag:$0x0] =	sbarrier.arrive $0xFFFF  }
0x9b: {  	p0 =	sne.s32 s0, $0x0;
	_ =	strace $0x90000047  }
0x9c: {  	s0 =	sadd.s32 @!p0 $0x100000, s1;
	[bflag:$0x2] =	sbarrier.arrive $0xFFFF  }
0x9d: {  	[sflag:s0] =	ssyncadd.tile.s32 @!p0 $0x1;
	_ =	shalt  }
.Lfunc_end2:
_tile_overlayer_lowered:
.L_overlay_start_2:
0x9e: {  	(tag) =	ssettag $0x2  }
0x9f: {  	s0 =	rddreg [dreg:$0x0];
	s2 =	stileid.u32  }
0xa0: {  	s1 =	rddreg [dreg:$0x1];
	p0 =	sne.s32 s2, $0x0  }
0xa1: {  	s3 =	rddreg [dreg:$0x2];
	[bflag:$0x3] =	sbarrier.arrive $0xFFFF;
	s2 =	simm.s32 @!p0 $0x1C01  }
0xa2: {  	[timem:s3], [sflag:s2] =	dma.local @!p0 [hbm:s0], s1  }
0xa3: {  	s0 =	simm.s32 @!p0 $0x1  }
0xa4: {  	_ =	swait.ge @!p0 [sflag:s0], s1  }
0xa5: {  	s1 =	ssub.s32 @!p0 $0x0, s1;
	[sflag:s0] =	ssyncset.done @!p0 $0x0  }
0xa6: {  	[sflag:s0] =	ssyncadd.s32 @!p0 s1  }
0xa7: {  	[bflag:$0x3] =	sbarrier.arrive $0xFFFF  }
0xa8: {  	_ =	shalt  }

</sc_bundles>
